<compile_context>
chip_gen: v7x
topology: tpu7x:2x2x1
jax: 0.10.2.dev20260603
libtpu: 0.0.44.dev20260713+nightly
codegen_flags: <defaults>
</compile_context>

<pallas_src>
import functools

import jax
import jax.numpy as jnp
from jax import lax
from jax.experimental import pallas as pl
from jax.experimental.pallas import tpu as pltpu
from jax.experimental.pallas import tpu_sc as plsc

N_NODES = 10000
N_EDGES = 320000
D_IN = 128
D_HALF = 64
D_HID = 256
EPS = 1e-5

NC = 2
NS = 16
CH = 80
N_PAD = 10240
RPT = N_PAD // NS
CW = 16


def _init_spmem(zeros_hbm, buf, acc, r0):
    def body(k, carry):
        rr = r0 + k * CH
        pltpu.sync_copy(zeros_hbm.at[pl.ds(rr, CH)], buf)
        pltpu.sync_copy(buf, acc.at[pl.ds(rr, CH)])
        return carry
    lax.fori_loop(0, RPT // CH, body, 0)


def _writeout_spmem(acc, buf, out_hbm, cid, r0):
    def body(k, carry):
        rr = r0 + k * CH
        pltpu.sync_copy(acc.at[pl.ds(rr, CH)], buf)
        pltpu.sync_copy(buf, out_hbm.at[cid, pl.ds(rr, CH)])
        return carry
    lax.fori_loop(0, RPT // CH, body, 0)


@functools.cache
def _sc_kernels():
    mesh = plsc.VectorSubcoreMesh(core_axis_name="c", subcore_axis_name="s",
                                  num_cores=NC, num_subcores=NS)
    params = pltpu.CompilerParams(use_tc_tiling_on_sc=False)

    epw = N_EDGES // (NC * NS)

    @functools.partial(
        pl.kernel,
        out_type=jax.ShapeDtypeStruct((NC, N_PAD, CW), jnp.float32),
        mesh=mesh,
        compiler_params=params,
        scratch_types=[
            pltpu.VMEM((CH,), jnp.int32),
            pltpu.VMEM((CH,), jnp.int32),
            pltpu.VMEM((CH, CW), jnp.float32),
            pltpu.VMEM_SHARED((N_PAD, CW), jnp.float32),
            pltpu.SemaphoreType.DMA,
            pltpu.SemaphoreType.DMA,
        ],
    )
    def sc_count(dst, zcnt, ones_h, cnt_out, didx0, didx1, ones_v, cacc,
                 dsem0, dsem1):
        cid = lax.axis_index("c")
        sid = lax.axis_index("s")
        r0 = sid * RPT
        _init_spmem(zcnt, ones_v, cacc, r0)
        pltpu.sync_copy(ones_h, ones_v)
        plsc.subcore_barrier()
        niter = epw // CH
        e0 = (cid * NS + sid) * epw
        bufs = ((didx0, dsem0), (didx1, dsem1))

        def load(j, b):
            didx, dsem = bufs[b]
            pltpu.async_copy(dst.at[pl.ds(e0 + j * CH, CH)], didx, dsem)

        def scat(j, b):
            didx, dsem = bufs[b]
            pltpu.make_async_copy(
                dst.at[pl.ds(e0 + j * CH, CH)], didx, dsem).wait()
            pltpu.sync_copy(ones_v, cacc.at[didx], add=True)

        load(0, 0)
        load(1, 1)

        def body(jj, carry):
            j = 2 * jj
            scat(j, 0)

            @pl.when(j + 2 < niter)
            def _():
                load(j + 2, 0)
            scat(j + 1, 1)

            @pl.when(j + 3 < niter)
            def _():
                load(j + 3, 1)
            return carry
        lax.fori_loop(0, niter // 2, body, 0)
        if niter % 2 == 1:
            scat(niter - 1, 0)
        plsc.subcore_barrier()
        _writeout_spmem(cacc, ones_v, cnt_out, cid, r0)

    @functools.partial(
        pl.kernel,
        out_type=jax.ShapeDtypeStruct((NC, N_PAD, D_HALF), jnp.float32),
        mesh=mesh,
        compiler_params=params,
        scratch_types=[
            pltpu.VMEM((2, CH), jnp.int32),
            pltpu.VMEM((2, CH), jnp.int32),
            pltpu.VMEM((CH,), jnp.int32),
            pltpu.VMEM((CH,), jnp.int32),
            pltpu.VMEM((CH, D_HALF), jnp.float32),
            pltpu.VMEM((CH, D_HALF), jnp.float32),
            pltpu.VMEM_SHARED((N_PAD, D_HALF), jnp.float32),
            pltpu.SemaphoreType.DMA,
            pltpu.SemaphoreType.DMA,
            pltpu.SemaphoreType.DMA,
            pltpu.SemaphoreType.DMA,
        ],
    )
    def sc_segsum_x(edges, xs, zrow, sum_out,
                    ebuf0, ebuf1, didx0, didx1, rows0, rows1, acc,
                    esem0, esem1, gsem0, gsem1):
        cid = lax.axis_index("c")
        sid = lax.axis_index("s")
        r0 = sid * RPT
        _init_spmem(zrow, rows0, acc, r0)
        plsc.subcore_barrier()
        niter = (N_EDGES // NS) // CH
        e0 = sid * (N_EDGES // NS)
        off = cid * N_NODES
        bufs = ((ebuf0, didx0, rows0, esem0, gsem0),
                (ebuf1, didx1, rows1, esem1, gsem1))

        def load(j, b):
            ebuf, _, _, esem, _ = bufs[b]
            pltpu.async_copy(edges.at[:, pl.ds(e0 + j * CH, CH)], ebuf, esem)

        def gather(j, b):
            ebuf, didx, rows, esem, gsem = bufs[b]
            pltpu.make_async_copy(
                edges.at[:, pl.ds(e0 + j * CH, CH)], ebuf, esem).wait()
            for k in range(CH // 16):
                sl = pl.ds(k * 16, 16)
                ebuf[0, sl] = ebuf[0, sl] + off
                didx[sl] = ebuf[1, sl]
            pltpu.async_copy(xs.at[ebuf.at[0]], rows, gsem)

        def wait_gather(b):
            ebuf, _, rows, _, gsem = bufs[b]
            pltpu.make_async_copy(xs.at[ebuf.at[0]], rows, gsem).wait()

        def scatter(b):
            _, didx, rows, _, _ = bufs[b]
            pltpu.sync_copy(rows, acc.at[didx], add=True)

        load(0, 0)
        load(1, 1)
        gather(0, 0)

        def body(jj, carry):
            j = 2 * jj
            gather(j + 1, 1)
            wait_gather(0)

            @pl.when(j + 2 < niter)
            def _():
                load(j + 2, 0)
            scatter(0)

            @pl.when(j + 2 < niter)
            def _():
                gather(j + 2, 0)
            wait_gather(1)

            @pl.when(j + 3 < niter)
            def _():
                load(j + 3, 1)
            scatter(1)
            return carry
        lax.fori_loop(0, niter // 2, body, 0)
        if niter % 2 == 1:
            wait_gather(0)
            scatter(0)
        plsc.subcore_barrier()
        _writeout_spmem(acc, rows0, sum_out, cid, r0)

    @functools.partial(
        pl.kernel,
        out_type=jax.ShapeDtypeStruct((NC, N_PAD, CW), jnp.float32),
        mesh=mesh,
        compiler_params=params,
        scratch_types=[
            pltpu.VMEM((2, CH), jnp.int32),
            pltpu.VMEM((2, CH), jnp.int32),
            pltpu.VMEM((CH,), jnp.int32),
            pltpu.VMEM((CH,), jnp.int32),
            pltpu.VMEM((CH, CW), jnp.float32),
            pltpu.VMEM((CH, CW), jnp.float32),
            pltpu.VMEM_SHARED((N_PAD, CW), jnp.float32),
            pltpu.SemaphoreType.DMA,
            pltpu.SemaphoreType.DMA,
            pltpu.SemaphoreType.DMA,
            pltpu.SemaphoreType.DMA,
        ],
    )
    def sc_segsum_p(edges, p, zcnt, sum_out,
                    ebuf0, ebuf1, didx0, didx1, rows0, rows1, acc,
                    esem0, esem1, gsem0, gsem1):
        cid = lax.axis_index("c")
        sid = lax.axis_index("s")
        r0 = sid * RPT
        _init_spmem(zcnt, rows0, acc, r0)
        plsc.subcore_barrier()
        niter = epw // CH
        e0 = (cid * NS + sid) * epw
        bufs = ((ebuf0, didx0, rows0, esem0, gsem0),
                (ebuf1, didx1, rows1, esem1, gsem1))

        def load(j, b):
            ebuf, _, _, esem, _ = bufs[b]
            pltpu.async_copy(edges.at[:, pl.ds(e0 + j * CH, CH)], ebuf, esem)

        def gather(j, b):
            ebuf, didx, rows, esem, gsem = bufs[b]
            pltpu.make_async_copy(
                edges.at[:, pl.ds(e0 + j * CH, CH)], ebuf, esem).wait()
            for k in range(CH // 16):
                sl = pl.ds(k * 16, 16)
                didx[sl] = ebuf[1, sl]
            pltpu.async_copy(p.at[ebuf.at[0]], rows, gsem)

        def wait_gather(b):
            ebuf, _, rows, _, gsem = bufs[b]
            pltpu.make_async_copy(p.at[ebuf.at[0]], rows, gsem).wait()

        def scatter(b):
            _, didx, rows, _, _ = bufs[b]
            pltpu.sync_copy(rows, acc.at[didx], add=True)

        load(0, 0)
        load(1, 1)
        gather(0, 0)

        def body(jj, carry):
            j = 2 * jj
            gather(j + 1, 1)
            wait_gather(0)

            @pl.when(j + 2 < niter)
            def _():
                load(j + 2, 0)
            scatter(0)

            @pl.when(j + 2 < niter)
            def _():
                gather(j + 2, 0)
            wait_gather(1)

            @pl.when(j + 3 < niter)
            def _():
                load(j + 3, 1)
            scatter(1)
            return carry
        lax.fori_loop(0, niter // 2, body, 0)
        if (epw // CH) % 2 == 1:
            wait_gather(0)
            scatter(0)
        plsc.subcore_barrier()
        _writeout_spmem(acc, rows0, sum_out, cid, r0)

    return sc_count, sc_segsum_x, sc_segsum_p



BR = 1000
NB = N_NODES // BR


def _b1_body(sl, sr, c0, c1, x, w1tl, w1tr, wr1t, b1, t_out, stats_out,
             stat_acc):
    i = pl.program_id(0)
    cnt = jnp.maximum(jnp.max(c0[...] + c1[...], axis=1, keepdims=True), 1.0)
    inv = 1.0 / cnt
    t = (jnp.dot(sl[...] * inv, w1tl[...], preferred_element_type=jnp.float32)
         + jnp.dot(sr[...] * inv, w1tr[...], preferred_element_type=jnp.float32)
         + jnp.dot(x[...], wr1t[...], preferred_element_type=jnp.float32)
         + b1[...])
    t_out[...] = t

    @pl.when(i == 0)
    def _():
        stat_acc[...] = jnp.zeros_like(stat_acc)

    stat_acc[0:1, :] += jnp.sum(t, axis=0, keepdims=True)
    stat_acc[1:2, :] += jnp.sum(t * t, axis=0, keepdims=True)

    @pl.when(i == NB - 1)
    def _():
        stats_out[...] = stat_acc[...]


def _tc_b1(sl, sr, c0, c1, x, w1tl, w1tr, wr1t, b1):
    return pl.pallas_call(
        _b1_body,
        grid=(NB,),
        in_specs=[
            pl.BlockSpec((BR, D_HALF), lambda i: (i, 0)),
            pl.BlockSpec((BR, D_HALF), lambda i: (i, 0)),
            pl.BlockSpec((BR, CW), lambda i: (i, 0)),
            pl.BlockSpec((BR, CW), lambda i: (i, 0)),
            pl.BlockSpec((BR, D_IN), lambda i: (i, 0)),
            pl.BlockSpec((D_HALF, D_HID), lambda i: (0, 0)),
            pl.BlockSpec((D_HALF, D_HID), lambda i: (0, 0)),
            pl.BlockSpec((D_IN, D_HID), lambda i: (0, 0)),
            pl.BlockSpec((1, D_HID), lambda i: (0, 0)),
        ],
        out_specs=[
            pl.BlockSpec((BR, D_HID), lambda i: (i, 0)),
            pl.BlockSpec((8, D_HID), lambda i: (0, 0)),
        ],
        out_shape=[
            jax.ShapeDtypeStruct((N_NODES, D_HID), jnp.float32),
            jax.ShapeDtypeStruct((8, D_HID), jnp.float32),
        ],
        scratch_shapes=[pltpu.VMEM((8, D_HID), jnp.float32)],
    )(sl, sr, c0, c1, x, w1tl, w1tr, wr1t, b1)


def _b2_body(t, stats, gamma, beta, w2t, wr2t, p_out, q_out):
    inv_n = 1.0 / N_NODES
    mu = stats[0:1, :] * inv_n
    var = stats[1:2, :] * inv_n - mu * mu
    tn = (t[...] - mu) * lax.rsqrt(var + EPS) * gamma[...] + beta[...]
    h = jnp.where(tn > 0, tn, jnp.exp(jnp.minimum(tn, 0.0)) - 1.0)
    p_out[...] = jnp.dot(h, w2t[...], preferred_element_type=jnp.float32)
    q_out[...] = jnp.dot(h, wr2t[...], preferred_element_type=jnp.float32)


def _tc_b2(t, stats, gamma, beta, w2t, wr2t):
    return pl.pallas_call(
        _b2_body,
        grid=(NB,),
        in_specs=[
            pl.BlockSpec((BR, D_HID), lambda i: (i, 0)),
            pl.BlockSpec((8, D_HID), lambda i: (0, 0)),
            pl.BlockSpec((1, D_HID), lambda i: (0, 0)),
            pl.BlockSpec((1, D_HID), lambda i: (0, 0)),
            pl.BlockSpec((D_HID, CW), lambda i: (0, 0)),
            pl.BlockSpec((D_HID, CW), lambda i: (0, 0)),
        ],
        out_specs=[
            pl.BlockSpec((BR, CW), lambda i: (i, 0)),
            pl.BlockSpec((BR, CW), lambda i: (i, 0)),
        ],
        out_shape=[
            jax.ShapeDtypeStruct((N_NODES, CW), jnp.float32),
            jax.ShapeDtypeStruct((N_NODES, CW), jnp.float32),
        ],
    )(t, stats, gamma, beta, w2t, wr2t)


def _d_body(p0, p1, c0, c1, q, b2p, out):
    cnt = jnp.maximum(jnp.max(c0[...] + c1[...], axis=1, keepdims=True), 1.0)
    z = (p0[...] + p1[...]) * (1.0 / cnt) + b2p[...] + q[...]
    colmask = lax.broadcasted_iota(jnp.int32, z.shape, 1) < 2
    zm = jnp.where(colmask, z, -1e30)
    m = jnp.max(zm, axis=1, keepdims=True)
    ez = jnp.where(colmask, jnp.exp(z - m), 0.0)
    lse = m + jnp.log(jnp.sum(ez, axis=1, keepdims=True))
    out[...] = z - lse


def _tc_d(p0, p1, c0, c1, q, b2p):
    return pl.pallas_call(
        _d_body,
        grid=(NB,),
        in_specs=[pl.BlockSpec((BR, CW), lambda i: (i, 0))] * 5
        + [pl.BlockSpec((1, CW), lambda i: (0, 0))],
        out_specs=pl.BlockSpec((BR, CW), lambda i: (i, 0)),
        out_shape=jax.ShapeDtypeStruct((N_NODES, CW), jnp.float32),
    )(p0, p1, c0, c1, q, b2p)


def kernel(x, edge_index, W1, b1, Wr1, gamma1, beta1, W2, b2, Wr2):
    dst = edge_index[1]

    zrow = jnp.zeros((N_PAD, D_HALF), jnp.float32)
    zcnt = jnp.zeros((N_PAD, CW), jnp.float32)
    ones_h = jnp.ones((CH, CW), jnp.float32)
    xs = jnp.concatenate([x[:, :D_HALF], x[:, D_HALF:]], axis=0)

    sc_count, sc_segsum_x, sc_segsum_p = _sc_kernels()
    cnts = sc_count(dst, zcnt, ones_h)
    sums = sc_segsum_x(edge_index, xs, zrow)

    w1t = W1.T
    b1r = b1.reshape(1, D_HID)
    t, stats = _tc_b1(sums[0], sums[1], cnts[0], cnts[1], x,
                      w1t[:D_HALF], w1t[D_HALF:], Wr1.T, b1r)

    w2t = jnp.zeros((D_HID, CW), jnp.float32).at[:, 0:2].set(W2.T)
    wr2t = jnp.zeros((D_HID, CW), jnp.float32).at[:, 0:2].set(Wr2.T)
    p, q = _tc_b2(t, stats, gamma1.reshape(1, D_HID), beta1.reshape(1, D_HID),
                  w2t, wr2t)

    psums = sc_segsum_p(edge_index, p, zcnt)

    b2p = jnp.zeros((1, CW), jnp.float32).at[0, 0:2].set(b2)
    out = _tc_d(psums[0], psums[1], cnts[0], cnts[1], q, b2p)
    return out[:, 0:2]

# --- scband reference (transcript-rebuilt; emitter-appended) ---
"""Pipeline reference for scband-fraud-sage-71932112273562 (READ-ONLY COPY).

The authoritative reference and input builder live on the scoring server;
editing this copy changes nothing except your own understanding.
"""

import jax, jax.numpy as jnp
import numpy as np

N_NODES = 10000
N_EDGES = 320000
D_IN = 128
D_HID = 256
D_OUT = 2
EPS = 1e-5


def _glorot(key, shape):
    fan_in = shape[1]
    return jax.random.normal(key, shape, jnp.float32) * (1.0 / np.sqrt(fan_in))


def setup_inputs(seed: int = 0) -> dict:
    key = jax.random.key(seed)
    ks = jax.random.split(key, 12)
    x = jax.random.normal(ks[0], (N_NODES, D_IN), jnp.float32)
    edge_index = jax.random.randint(ks[1], (2, N_EDGES), 0, N_NODES, dtype=jnp.int32)
    # SAGEConv layer 1: lin_l (aggregated neighbors, with bias) + lin_r (root, no bias)
    W1 = _glorot(ks[2], (D_HID, D_IN))
    b1 = jnp.zeros((D_HID,), jnp.float32)
    Wr1 = _glorot(ks[3], (D_HID, D_IN))
    # BatchNorm 1
    gamma1 = jnp.ones((D_HID,), jnp.float32)
    beta1 = jnp.zeros((D_HID,), jnp.float32)
    # SAGEConv layer 2
    W2 = _glorot(ks[4], (D_OUT, D_HID))
    b2 = jnp.zeros((D_OUT,), jnp.float32)
    Wr2 = _glorot(ks[5], (D_OUT, D_HID))
    return {"x": x, "edge_index": edge_index, "W1": W1, "b1": b1, "Wr1": Wr1,
            "gamma1": gamma1, "beta1": beta1, "W2": W2, "b2": b2, "Wr2": Wr2}


def _mean_aggregate(h, src, dst, n_nodes):
    msgs = jnp.take(h, src, axis=0)
    s = jax.ops.segment_sum(msgs, dst, num_segments=n_nodes)
    cnt = jax.ops.segment_sum(jnp.ones((src.shape[0], 1), h.dtype), dst, num_segments=n_nodes)
    return s / jnp.maximum(cnt, 1.0)


def _batch_norm(h, gamma, beta):
    mu = jnp.mean(h, axis=0, keepdims=True)
    var = jnp.mean((h - mu) ** 2, axis=0, keepdims=True)
    return (h - mu) / jnp.sqrt(var + EPS) * gamma + beta


def reference(x, edge_index, W1, b1, Wr1, gamma1, beta1, W2, b2, Wr2):
    src = edge_index[0]
    dst = edge_index[1]
    n = x.shape[0]
    # layer 1: SAGEConv(mean) -> BatchNorm -> ELU (dropout is a no-op in eval)
    agg1 = _mean_aggregate(x, src, dst, n)
    h = agg1 @ W1.T + b1 + x @ Wr1.T
    h = _batch_norm(h, gamma1, beta1)
    h = jax.nn.elu(h)
    # layer 2: SAGEConv(mean) -> log_softmax
    agg2 = _mean_aggregate(h, src, dst, n)
    out = agg2 @ W2.T + b2 + h @ Wr2.T
    return jax.nn.log_softmax(out, axis=-1)

if __name__ == "__main__":
    import jax
    _d = setup_inputs()
    print(jax.jit(kernel)(*tuple(_d.values())))

</pallas_src>

<mosaic_0001>
#map = affine_map<(d0, d1) -> (0, 0)>
#map1 = affine_map<(d0, d1) -> (0, 0, 0)>
module attributes {stable_mosaic.version = 14 : i64} {
  func.func @sc_segsum_p(%arg0: i32, %arg1: i32, %arg2: memref<2x320000xi32, #tpu.memory_space<hbm>>, %arg3: memref<10000x16xf32, #tpu.memory_space<hbm>>, %arg4: memref<10240x16xf32, #tpu.memory_space<hbm>>, %arg5: memref<2x10240x16xf32, #tpu.memory_space<hbm>>, %arg6: memref<2x80xi32, #tpu.memory_space<vmem>>, %arg7: memref<2x80xi32, #tpu.memory_space<vmem>>, %arg8: memref<80xi32, #tpu.memory_space<vmem>>, %arg9: memref<80xi32, #tpu.memory_space<vmem>>, %arg10: memref<80x16xf32, #tpu.memory_space<vmem>>, %arg11: memref<80x16xf32, #tpu.memory_space<vmem>>, %arg12: memref<10240x16xf32, #tpu.memory_space<vmem_shared>>, %arg13: memref<!tpu.dma_semaphore, #tpu.memory_space<semaphore_mem>>, %arg14: memref<!tpu.dma_semaphore, #tpu.memory_space<semaphore_mem>>, %arg15: memref<!tpu.dma_semaphore, #tpu.memory_space<semaphore_mem>>, %arg16: memref<!tpu.dma_semaphore, #tpu.memory_space<semaphore_mem>>) attributes {dimension_semantics = [#tpu.dimension_semantics<core_parallel>, #tpu.dimension_semantics<subcore_parallel>], iteration_bounds = array<i64: 2, 16>, scalar_prefetch = 0 : i64, scratch_operands = 11 : i64, tpu.core_type = #tpu.core_type<sc_vector_subcore>, window_params = [{transform_indices = #map}, {transform_indices = #map}, {transform_indices = #map}, {transform_indices = #map1}]} {
    %mul3A = arith.constant 640 : i32
    %mul3A_0 = arith.muli %arg1, %mul3A : i32
    %scan3A = arith.constant 0 : i32
    %scan3A_1 = arith.constant 0 : i32
    %scan3A_2 = arith.constant 8 : i32
    %scan3A_3 = arith.addi %scan3A_1, %scan3A_2 : i32
    %scan3A_4 = arith.constant 1 : i32
    scf.for %scan3A_96 = %scan3A_1 to %scan3A_3 step %scan3A_4  : i32 {
      %mul3A_97 = arith.constant 80 : i32
      %mul3A_98 = arith.muli %scan3A_96, %mul3A_97 : i32
      %add3A_99 = arith.addi %mul3A_0, %mul3A_98 : i32
      "tpu.region"() ({
        %run_scoped3A = tpu.sem_alloc : memref<!tpu.dma_semaphore, #tpu.memory_space<semaphore_mem>>
        %dma_start3A_100 = arith.constant 0 : i32
        %dma_start3A_101 = tpu.memref_slice %arg4[%add3A_99, %dma_start3A_100] : memref<10240x16xf32, #tpu.memory_space<hbm>> -> memref<80x16xf32, #tpu.memory_space<hbm>>
        %dma_start3A_102 = arith.constant 0 : i32
        %dma_start3A_103 = tpu.memref_slice %arg4[%add3A_99, %dma_start3A_102] : memref<10240x16xf32, #tpu.memory_space<hbm>> -> memref<80x16xf32, #tpu.memory_space<hbm>>
        tpu.enqueue_dma source(%dma_start3A_103 : memref<80x16xf32, #tpu.memory_space<hbm>>) target(%arg10 : memref<80x16xf32, #tpu.memory_space<vmem>>) target_semaphore(%run_scoped3A : memref<!tpu.dma_semaphore, #tpu.memory_space<semaphore_mem>>)
        %dma_wait3A_104 = arith.constant 0 : i32
        %dma_wait3A_105 = tpu.memref_slice %arg4[%add3A_99, %dma_wait3A_104] : memref<10240x16xf32, #tpu.memory_space<hbm>> -> memref<80x16xf32, #tpu.memory_space<hbm>>
        %dma_wait3A_106 = arith.constant 0 : i32
        %dma_wait3A_107 = tpu.memref_slice %arg4[%add3A_99, %dma_wait3A_106] : memref<10240x16xf32, #tpu.memory_space<hbm>> -> memref<80x16xf32, #tpu.memory_space<hbm>>
        tpu.wait_dma2 semaphore(%run_scoped3A : memref<!tpu.dma_semaphore, #tpu.memory_space<semaphore_mem>>) src(%dma_wait3A_107 : memref<80x16xf32, #tpu.memory_space<hbm>>) dst(%arg10 : memref<80x16xf32, #tpu.memory_space<vmem>>)
        tpu.yield
      }) : () -> ()
      "tpu.region"() ({
        %run_scoped3A = tpu.sem_alloc : memref<!tpu.dma_semaphore, #tpu.memory_space<semaphore_mem>>
        %dma_start3A_100 = arith.constant 0 : i32
        %dma_start3A_101 = tpu.memref_slice %arg12[%add3A_99, %dma_start3A_100] : memref<10240x16xf32, #tpu.memory_space<vmem_shared>> -> memref<80x16xf32, #tpu.memory_space<vmem_shared>>
        %dma_start3A_102 = arith.constant 0 : i32
        %dma_start3A_103 = tpu.memref_slice %arg12[%add3A_99, %dma_start3A_102] : memref<10240x16xf32, #tpu.memory_space<vmem_shared>> -> memref<80x16xf32, #tpu.memory_space<vmem_shared>>
        tpu.enqueue_dma source(%arg10 : memref<80x16xf32, #tpu.memory_space<vmem>>) target(%dma_start3A_103 : memref<80x16xf32, #tpu.memory_space<vmem_shared>>) target_semaphore(%run_scoped3A : memref<!tpu.dma_semaphore, #tpu.memory_space<semaphore_mem>>)
        %dma_wait3A_104 = arith.constant 0 : i32
        %dma_wait3A_105 = tpu.memref_slice %arg12[%add3A_99, %dma_wait3A_104] : memref<10240x16xf32, #tpu.memory_space<vmem_shared>> -> memref<80x16xf32, #tpu.memory_space<vmem_shared>>
        %dma_wait3A_106 = arith.constant 0 : i32
        %dma_wait3A_107 = tpu.memref_slice %arg12[%add3A_99, %dma_wait3A_106] : memref<10240x16xf32, #tpu.memory_space<vmem_shared>> -> memref<80x16xf32, #tpu.memory_space<vmem_shared>>
        tpu.wait_dma2 semaphore(%run_scoped3A : memref<!tpu.dma_semaphore, #tpu.memory_space<semaphore_mem>>) src(%arg10 : memref<80x16xf32, #tpu.memory_space<vmem>>) dst(%dma_wait3A_107 : memref<80x16xf32, #tpu.memory_space<vmem_shared>>)
        tpu.yield
      }) : () -> ()
    }
    %scan3A_5 = arith.constant 8 : i32
    %barrier3A = arith.constant 0 : index
    tpu.barrier barrier_id(%barrier3A)
    %mul3A_6 = arith.constant 16 : i32
    %mul3A_7 = arith.muli %arg0, %mul3A_6 : i32
    %add3A = arith.addi %mul3A_7, %arg1 : i32
    %mul3A_8 = arith.constant 10000 : i32
    %mul3A_9 = arith.muli %add3A, %mul3A_8 : i32
    %add3A_10 = arith.constant 0 : i32
    %add3A_11 = arith.addi %mul3A_9, %add3A_10 : i32
    %dma_start3A = arith.constant 0 : i32
    %dma_start3A_12 = tpu.memref_slice %arg2[%dma_start3A, %add3A_11] : memref<2x320000xi32, #tpu.memory_space<hbm>> -> memref<2x80xi32, #tpu.memory_space<hbm>>
    %dma_start3A_13 = arith.constant 0 : i32
    %dma_start3A_14 = tpu.memref_slice %arg2[%dma_start3A_13, %add3A_11] : memref<2x320000xi32, #tpu.memory_space<hbm>> -> memref<2x80xi32, #tpu.memory_space<hbm>>
    tpu.enqueue_dma source(%dma_start3A_14 : memref<2x80xi32, #tpu.memory_space<hbm>>) target(%arg6 : memref<2x80xi32, #tpu.memory_space<vmem>>) target_semaphore(%arg13 : memref<!tpu.dma_semaphore, #tpu.memory_space<semaphore_mem>>)
    %add3A_15 = arith.constant 80 : i32
    %add3A_16 = arith.addi %mul3A_9, %add3A_15 : i32
    %dma_start3A_17 = arith.constant 0 : i32
    %dma_start3A_18 = tpu.memref_slice %arg2[%dma_start3A_17, %add3A_16] : memref<2x320000xi32, #tpu.memory_space<hbm>> -> memref<2x80xi32, #tpu.memory_space<hbm>>
    %dma_start3A_19 = arith.constant 0 : i32
    %dma_start3A_20 = tpu.memref_slice %arg2[%dma_start3A_19, %add3A_16] : memref<2x320000xi32, #tpu.memory_space<hbm>> -> memref<2x80xi32, #tpu.memory_space<hbm>>
    tpu.enqueue_dma source(%dma_start3A_20 : memref<2x80xi32, #tpu.memory_space<hbm>>) target(%arg7 : memref<2x80xi32, #tpu.memory_space<vmem>>) target_semaphore(%arg14 : memref<!tpu.dma_semaphore, #tpu.memory_space<semaphore_mem>>)
    %add3A_21 = arith.constant 0 : i32
    %add3A_22 = arith.addi %mul3A_9, %add3A_21 : i32
    %dma_wait3A = arith.constant 0 : i32
    %dma_wait3A_23 = tpu.memref_slice %arg2[%dma_wait3A, %add3A_22] : memref<2x320000xi32, #tpu.memory_space<hbm>> -> memref<2x80xi32, #tpu.memory_space<hbm>>
    %dma_wait3A_24 = arith.constant 0 : i32
    %dma_wait3A_25 = tpu.memref_slice %arg2[%dma_wait3A_24, %add3A_22] : memref<2x320000xi32, #tpu.memory_space<hbm>> -> memref<2x80xi32, #tpu.memory_space<hbm>>
    tpu.wait_dma2 semaphore(%arg13 : memref<!tpu.dma_semaphore, #tpu.memory_space<semaphore_mem>>) src(%dma_wait3A_25 : memref<2x80xi32, #tpu.memory_space<hbm>>) dst(%arg6 : memref<2x80xi32, #tpu.memory_space<vmem>>)
    %get3A = arith.constant 1 : i32
    %get3A_26 = arith.index_cast %get3A : i32 to index
    %get3A_27 = arith.constant 0 : index
    %get3A_28 = tpu.vector_load %arg6[%get3A_26, %get3A_27] {strides = array<i32>} : memref<2x80xi32, #tpu.memory_space<vmem>>, vector<1x16xi32>,
    %get3A_29 = vector.shape_cast %get3A_28 : vector<1x16xi32> to vector<16xi32>
    %swap3A = arith.constant 0 : index
    %swap3A_30 = tpu.vector_load %arg8[%swap3A] {strides = array<i32>} : memref<80xi32, #tpu.memory_space<vmem>>, vector<16xi32>,
    %swap3A_31 = vector.shape_cast %swap3A_30 : vector<16xi32> to vector<16xi32>
    %swap3A_32 = vector.shape_cast %get3A_29 : vector<16xi32> to vector<16xi32>
    tpu.vector_store %arg8[%swap3A], %swap3A_32 {strides = array<i32>} : memref<80xi32, #tpu.memory_space<vmem>>, vector<16xi32>,
    %get3A_33 = arith.constant 1 : i32
    %get3A_34 = arith.index_cast %get3A_33 : i32 to index
    %get3A_35 = arith.constant 16 : index
    %get3A_36 = tpu.vector_load %arg6[%get3A_34, %get3A_35] {strides = array<i32>} : memref<2x80xi32, #tpu.memory_space<vmem>>, vector<1x16xi32>,
    %get3A_37 = vector.shape_cast %get3A_36 : vector<1x16xi32> to vector<16xi32>
    %swap3A_38 = arith.constant 16 : index
    %swap3A_39 = tpu.vector_load %arg8[%swap3A_38] {strides = array<i32>} : memref<80xi32, #tpu.memory_space<vmem>>, vector<16xi32>,
    %swap3A_40 = vector.shape_cast %swap3A_39 : vector<16xi32> to vector<16xi32>
    %swap3A_41 = vector.shape_cast %get3A_37 : vector<16xi32> to vector<16xi32>
    tpu.vector_store %arg8[%swap3A_38], %swap3A_41 {strides = array<i32>} : memref<80xi32, #tpu.memory_space<vmem>>, vector<16xi32>,
    %get3A_42 = arith.constant 1 : i32
    %get3A_43 = arith.index_cast %get3A_42 : i32 to index
    %get3A_44 = arith.constant 32 : index
    %get3A_45 = tpu.vector_load %arg6[%get3A_43, %get3A_44] {strides = array<i32>} : memref<2x80xi32, #tpu.memory_space<vmem>>, vector<1x16xi32>,
    %get3A_46 = vector.shape_cast %get3A_45 : vector<1x16xi32> to vector<16xi32>
    %swap3A_47 = arith.constant 32 : index
    %swap3A_48 = tpu.vector_load %arg8[%swap3A_47] {strides = array<i32>} : memref<80xi32, #tpu.memory_space<vmem>>, vector<16xi32>,
    %swap3A_49 = vector.shape_cast %swap3A_48 : vector<16xi32> to vector<16xi32>
    %swap3A_50 = vector.shape_cast %get3A_46 : vector<16xi32> to vector<16xi32>
    tpu.vector_store %arg8[%swap3A_47], %swap3A_50 {strides = array<i32>} : memref<80xi32, #tpu.memory_space<vmem>>, vector<16xi32>,
    %get3A_51 = arith.constant 1 : i32
    %get3A_52 = arith.index_cast %get3A_51 : i32 to index
    %get3A_53 = arith.constant 48 : index
    %get3A_54 = tpu.vector_load %arg6[%get3A_52, %get3A_53] {strides = array<i32>} : memref<2x80xi32, #tpu.memory_space<vmem>>, vector<1x16xi32>,
    %get3A_55 = vector.shape_cast %get3A_54 : vector<1x16xi32> to vector<16xi32>
    %swap3A_56 = arith.constant 48 : index
    %swap3A_57 = tpu.vector_load %arg8[%swap3A_56] {strides = array<i32>} : memref<80xi32, #tpu.memory_space<vmem>>, vector<16xi32>,
    %swap3A_58 = vector.shape_cast %swap3A_57 : vector<16xi32> to vector<16xi32>
    %swap3A_59 = vector.shape_cast %get3A_55 : vector<16xi32> to vector<16xi32>
    tpu.vector_store %arg8[%swap3A_56], %swap3A_59 {strides = array<i32>} : memref<80xi32, #tpu.memory_space<vmem>>, vector<16xi32>,
    %get3A_60 = arith.constant 1 : i32
    %get3A_61 = arith.index_cast %get3A_60 : i32 to index
    %get3A_62 = arith.constant 64 : index
    %get3A_63 = tpu.vector_load %arg6[%get3A_61, %get3A_62] {strides = array<i32>} : memref<2x80xi32, #tpu.memory_space<vmem>>, vector<1x16xi32>,
    %get3A_64 = vector.shape_cast %get3A_63 : vector<1x16xi32> to vector<16xi32>
    %swap3A_65 = arith.constant 64 : index
    %swap3A_66 = tpu.vector_load %arg8[%swap3A_65] {strides = array<i32>} : memref<80xi32, #tpu.memory_space<vmem>>, vector<16xi32>,
    %swap3A_67 = vector.shape_cast %swap3A_66 : vector<16xi32> to vector<16xi32>
    %swap3A_68 = vector.shape_cast %get3A_64 : vector<16xi32> to vector<16xi32>
    tpu.vector_store %arg8[%swap3A_65], %swap3A_68 {strides = array<i32>} : memref<80xi32, #tpu.memory_space<vmem>>, vector<16xi32>,
    %dma_start3A_69 = arith.constant 0 : i32
    %dma_start3A_70 = arith.constant 0 : i32
    %dma_start3A_71 = tpu.memref_slice %arg6[%dma_start3A_69, %dma_start3A_70] : memref<2x80xi32, #tpu.memory_space<vmem>> -> memref<1x80xi32, #tpu.memory_space<vmem>>
    %dma_start3A_72 = tpu.memref_squeeze %dma_start3A_71 : memref<1x80xi32, #tpu.memory_space<vmem>> -> memref<80xi32, #tpu.memory_space<vmem>>
    %dma_start3A_73 = arith.constant 0 : i32
    %dma_start3A_74 = arith.constant 0 : i32
    %dma_start3A_75 = tpu.memref_slice %arg3[%dma_start3A_73, %dma_start3A_74] : memref<10000x16xf32, #tpu.memory_space<hbm>> -> memref<10000x16xf32, #tpu.memory_space<hbm>>
    tpu.enqueue_indirect_dma source(%dma_start3A_75 : memref<10000x16xf32, #tpu.memory_space<hbm>>) target(%arg10 : memref<80x16xf32, #tpu.memory_space<vmem>>) offsets(%dma_start3A_72 : memref<80xi32, #tpu.memory_space<vmem>>) semaphore(%arg15 : memref<!tpu.dma_semaphore, #tpu.memory_space<semaphore_mem>>)
    %scan3A_76 = arith.constant 0 : i32
    %scan3A_77 = arith.constant 0 : i32
    %scan3A_78 = arith.constant 62 : i32
    %scan3A_79 = arith.addi %scan3A_77, %scan3A_78 : i32
    %scan3A_80 = arith.constant 1 : i32
    scf.for %scan3A_96 = %scan3A_77 to %scan3A_79 step %scan3A_80  : i32 {
      %mul3A_97 = arith.constant 2 : i32
      %mul3A_98 = arith.muli %mul3A_97, %scan3A_96 : i32
      %add3A_99 = arith.constant 1 : i32
      %add3A_100 = arith.addi %mul3A_98, %add3A_99 : i32
      %mul3A_101 = arith.constant 80 : i32
      %mul3A_102 = arith.muli %add3A_100, %mul3A_101 : i32
      %add3A_103 = arith.addi %mul3A_9, %mul3A_102 : i32
      %dma_wait3A_104 = arith.constant 0 : i32
      %dma_wait3A_105 = tpu.memref_slice %arg2[%dma_wait3A_104, %add3A_103] : memref<2x320000xi32, #tpu.memory_space<hbm>> -> memref<2x80xi32, #tpu.memory_space<hbm>>
      %dma_wait3A_106 = arith.constant 0 : i32
      %dma_wait3A_107 = tpu.memref_slice %arg2[%dma_wait3A_106, %add3A_103] : memref<2x320000xi32, #tpu.memory_space<hbm>> -> memref<2x80xi32, #tpu.memory_space<hbm>>
      tpu.wait_dma2 semaphore(%arg14 : memref<!tpu.dma_semaphore, #tpu.memory_space<semaphore_mem>>) src(%dma_wait3A_107 : memref<2x80xi32, #tpu.memory_space<hbm>>) dst(%arg7 : memref<2x80xi32, #tpu.memory_space<vmem>>)
      %get3A_108 = arith.constant 1 : i32
      %get3A_109 = arith.index_cast %get3A_108 : i32 to index
      %get3A_110 = arith.constant 0 : index
      %get3A_111 = tpu.vector_load %arg7[%get3A_109, %get3A_110] {strides = array<i32>} : memref<2x80xi32, #tpu.memory_space<vmem>>, vector<1x16xi32>,
      %get3A_112 = vector.shape_cast %get3A_111 : vector<1x16xi32> to vector<16xi32>
      %swap3A_113 = arith.constant 0 : index
      %swap3A_114 = tpu.vector_load %arg9[%swap3A_113] {strides = array<i32>} : memref<80xi32, #tpu.memory_space<vmem>>, vector<16xi32>,
      %swap3A_115 = vector.shape_cast %swap3A_114 : vector<16xi32> to vector<16xi32>
      %swap3A_116 = vector.shape_cast %get3A_112 : vector<16xi32> to vector<16xi32>
      tpu.vector_store %arg9[%swap3A_113], %swap3A_116 {strides = array<i32>} : memref<80xi32, #tpu.memory_space<vmem>>, vector<16xi32>,
      %get3A_117 = arith.constant 1 : i32
      %get3A_118 = arith.index_cast %get3A_117 : i32 to index
      %get3A_119 = arith.constant 16 : index
      %get3A_120 = tpu.vector_load %arg7[%get3A_118, %get3A_119] {strides = array<i32>} : memref<2x80xi32, #tpu.memory_space<vmem>>, vector<1x16xi32>,
      %get3A_121 = vector.shape_cast %get3A_120 : vector<1x16xi32> to vector<16xi32>
      %swap3A_122 = arith.constant 16 : index
      %swap3A_123 = tpu.vector_load %arg9[%swap3A_122] {strides = array<i32>} : memref<80xi32, #tpu.memory_space<vmem>>, vector<16xi32>,
      %swap3A_124 = vector.shape_cast %swap3A_123 : vector<16xi32> to vector<16xi32>
      %swap3A_125 = vector.shape_cast %get3A_121 : vector<16xi32> to vector<16xi32>
      tpu.vector_store %arg9[%swap3A_122], %swap3A_125 {strides = array<i32>} : memref<80xi32, #tpu.memory_space<vmem>>, vector<16xi32>,
      %get3A_126 = arith.constant 1 : i32
      %get3A_127 = arith.index_cast %get3A_126 : i32 to index
      %get3A_128 = arith.constant 32 : index
      %get3A_129 = tpu.vector_load %arg7[%get3A_127, %get3A_128] {strides = array<i32>} : memref<2x80xi32, #tpu.memory_space<vmem>>, vector<1x16xi32>,
      %get3A_130 = vector.shape_cast %get3A_129 : vector<1x16xi32> to vector<16xi32>
      %swap3A_131 = arith.constant 32 : index
      %swap3A_132 = tpu.vector_load %arg9[%swap3A_131] {strides = array<i32>} : memref<80xi32, #tpu.memory_space<vmem>>, vector<16xi32>,
      %swap3A_133 = vector.shape_cast %swap3A_132 : vector<16xi32> to vector<16xi32>
      %swap3A_134 = vector.shape_cast %get3A_130 : vector<16xi32> to vector<16xi32>
      tpu.vector_store %arg9[%swap3A_131], %swap3A_134 {strides = array<i32>} : memref<80xi32, #tpu.memory_space<vmem>>, vector<16xi32>,
      %get3A_135 = arith.constant 1 : i32
      %get3A_136 = arith.index_cast %get3A_135 : i32 to index
      %get3A_137 = arith.constant 48 : index
      %get3A_138 = tpu.vector_load %arg7[%get3A_136, %get3A_137] {strides = array<i32>} : memref<2x80xi32, #tpu.memory_space<vmem>>, vector<1x16xi32>,
      %get3A_139 = vector.shape_cast %get3A_138 : vector<1x16xi32> to vector<16xi32>
      %swap3A_140 = arith.constant 48 : index
      %swap3A_141 = tpu.vector_load %arg9[%swap3A_140] {strides = array<i32>} : memref<80xi32, #tpu.memory_space<vmem>>, vector<16xi32>,
      %swap3A_142 = vector.shape_cast %swap3A_141 : vector<16xi32> to vector<16xi32>
      %swap3A_143 = vector.shape_cast %get3A_139 : vector<16xi32> to vector<16xi32>
      tpu.vector_store %arg9[%swap3A_140], %swap3A_143 {strides = array<i32>} : memref<80xi32, #tpu.memory_space<vmem>>, vector<16xi32>,
      %get3A_144 = arith.constant 1 : i32
      %get3A_145 = arith.index_cast %get3A_144 : i32 to index
      %get3A_146 = arith.constant 64 : index
      %get3A_147 = tpu.vector_load %arg7[%get3A_145, %get3A_146] {strides = array<i32>} : memref<2x80xi32, #tpu.memory_space<vmem>>, vector<1x16xi32>,
      %get3A_148 = vector.shape_cast %get3A_147 : vector<1x16xi32> to vector<16xi32>
      %swap3A_149 = arith.constant 64 : index
      %swap3A_150 = tpu.vector_load %arg9[%swap3A_149] {strides = array<i32>} : memref<80xi32, #tpu.memory_space<vmem>>, vector<16xi32>,
      %swap3A_151 = vector.shape_cast %swap3A_150 : vector<16xi32> to vector<16xi32>
      %swap3A_152 = vector.shape_cast %get3A_148 : vector<16xi32> to vector<16xi32>
      tpu.vector_store %arg9[%swap3A_149], %swap3A_152 {strides = array<i32>} : memref<80xi32, #tpu.memory_space<vmem>>, vector<16xi32>,
      %dma_start3A_153 = arith.constant 0 : i32
      %dma_start3A_154 = arith.constant 0 : i32
      %dma_start3A_155 = tpu.memref_slice %arg7[%dma_start3A_153, %dma_start3A_154] : memref<2x80xi32, #tpu.memory_space<vmem>> -> memref<1x80xi32, #tpu.memory_space<vmem>>
      %dma_start3A_156 = tpu.memref_squeeze %dma_start3A_155 : memref<1x80xi32, #tpu.memory_space<vmem>> -> memref<80xi32, #tpu.memory_space<vmem>>
      %dma_start3A_157 = arith.constant 0 : i32
      %dma_start3A_158 = arith.constant 0 : i32
      %dma_start3A_159 = tpu.memref_slice %arg3[%dma_start3A_157, %dma_start3A_158] : memref<10000x16xf32, #tpu.memory_space<hbm>> -> memref<10000x16xf32, #tpu.memory_space<hbm>>
      tpu.enqueue_indirect_dma source(%dma_start3A_159 : memref<10000x16xf32, #tpu.memory_space<hbm>>) target(%arg11 : memref<80x16xf32, #tpu.memory_space<vmem>>) offsets(%dma_start3A_156 : memref<80xi32, #tpu.memory_space<vmem>>) semaphore(%arg16 : memref<!tpu.dma_semaphore, #tpu.memory_space<semaphore_mem>>)
      %dma_wait3A_160 = arith.constant 0 : i32
      %dma_wait3A_161 = arith.constant 0 : i32
      %dma_wait3A_162 = tpu.memref_slice %arg6[%dma_wait3A_160, %dma_wait3A_161] : memref<2x80xi32, #tpu.memory_space<vmem>> -> memref<1x80xi32, #tpu.memory_space<vmem>>
      %dma_wait3A_163 = tpu.memref_squeeze %dma_wait3A_162 : memref<1x80xi32, #tpu.memory_space<vmem>> -> memref<80xi32, #tpu.memory_space<vmem>>
      %dma_wait3A_164 = arith.constant 0 : i32
      %dma_wait3A_165 = arith.constant 0 : i32
      %dma_wait3A_166 = tpu.memref_slice %arg3[%dma_wait3A_164, %dma_wait3A_165] : memref<10000x16xf32, #tpu.memory_space<hbm>> -> memref<10000x16xf32, #tpu.memory_space<hbm>>
      tpu.wait_indirect_dma semaphore(%arg15 : memref<!tpu.dma_semaphore, #tpu.memory_space<semaphore_mem>>) src(%dma_wait3A_166 : memref<10000x16xf32, #tpu.memory_space<hbm>>) dst(%arg10 : memref<80x16xf32, #tpu.memory_space<vmem>>)
      %add3A_167 = arith.constant 2 : i32
      %add3A_168 = arith.addi %mul3A_98, %add3A_167 : i32
      %lt3A = arith.constant 125 : i32
      %lt3A_169 = arith.cmpi slt, %add3A_168, %lt3A : i32
      %convert_element_type3A = arith.extui %lt3A_169 : i1 to i32
      %cond3A = arith.constant 0 : i32
      %cond3A_170 = arith.cmpi ne, %convert_element_type3A, %cond3A : i32
      scf.if %cond3A_170 {
        %add3A_192 = arith.constant 2 : i32
        %add3A_193 = arith.addi %mul3A_98, %add3A_192 : i32
        %mul3A_194 = arith.constant 80 : i32
        %mul3A_195 = arith.muli %add3A_193, %mul3A_194 : i32
        %add3A_196 = arith.addi %mul3A_9, %mul3A_195 : i32
        %dma_start3A_197 = arith.constant 0 : i32
        %dma_start3A_198 = tpu.memref_slice %arg2[%dma_start3A_197, %add3A_196] : memref<2x320000xi32, #tpu.memory_space<hbm>> -> memref<2x80xi32, #tpu.memory_space<hbm>>
        %dma_start3A_199 = arith.constant 0 : i32
        %dma_start3A_200 = tpu.memref_slice %arg2[%dma_start3A_199, %add3A_196] : memref<2x320000xi32, #tpu.memory_space<hbm>> -> memref<2x80xi32, #tpu.memory_space<hbm>>
        tpu.enqueue_dma source(%dma_start3A_200 : memref<2x80xi32, #tpu.memory_space<hbm>>) target(%arg6 : memref<2x80xi32, #tpu.memory_space<vmem>>) target_semaphore(%arg13 : memref<!tpu.dma_semaphore, #tpu.memory_space<semaphore_mem>>)
      } else {
      }
      "tpu.region"() ({
        %run_scoped3A = tpu.sem_alloc : memref<!tpu.dma_semaphore, #tpu.memory_space<semaphore_mem>>
        %dma_start3A_192 = arith.constant 0 : i32
        %dma_start3A_193 = arith.constant 0 : i32
        %dma_start3A_194 = tpu.memref_slice %arg12[%dma_start3A_192, %dma_start3A_193] : memref<10240x16xf32, #tpu.memory_space<vmem_shared>> -> memref<10240x16xf32, #tpu.memory_space<vmem_shared>>
        tpu.enqueue_indirect_dma source(%arg10 : memref<80x16xf32, #tpu.memory_space<vmem>>) target(%dma_start3A_194 : memref<10240x16xf32, #tpu.memory_space<vmem_shared>>) offsets(%arg8 : memref<80xi32, #tpu.memory_space<vmem>>) semaphore(%run_scoped3A : memref<!tpu.dma_semaphore, #tpu.memory_space<semaphore_mem>>) {add = true}
        %dma_wait3A_195 = arith.constant 0 : i32
        %dma_wait3A_196 = arith.constant 0 : i32
        %dma_wait3A_197 = tpu.memref_slice %arg12[%dma_wait3A_195, %dma_wait3A_196] : memref<10240x16xf32, #tpu.memory_space<vmem_shared>> -> memref<10240x16xf32, #tpu.memory_space<vmem_shared>>
        tpu.wait_indirect_dma semaphore(%run_scoped3A : memref<!tpu.dma_semaphore, #tpu.memory_space<semaphore_mem>>) src(%arg10 : memref<80x16xf32, #tpu.memory_space<vmem>>) dst(%dma_wait3A_197 : memref<10240x16xf32, #tpu.memory_space<vmem_shared>>)
        tpu.yield
      }) : () -> ()
      %add3A_171 = arith.constant 2 : i32
      %add3A_172 = arith.addi %mul3A_98, %add3A_171 : i32
      %lt3A_173 = arith.constant 125 : i32
      %lt3A_174 = arith.cmpi slt, %add3A_172, %lt3A_173 : i32
      %convert_element_type3A_175 = arith.extui %lt3A_174 : i1 to i32
      %cond3A_176 = arith.constant 0 : i32
      %cond3A_177 = arith.cmpi ne, %convert_element_type3A_175, %cond3A_176 : i32
      scf.if %cond3A_177 {
        %add3A_192 = arith.constant 2 : i32
        %add3A_193 = arith.addi %mul3A_98, %add3A_192 : i32
        %mul3A_194 = arith.constant 80 : i32
        %mul3A_195 = arith.muli %add3A_193, %mul3A_194 : i32
        %add3A_196 = arith.addi %mul3A_9, %mul3A_195 : i32
        %dma_wait3A_197 = arith.constant 0 : i32
        %dma_wait3A_198 = tpu.memref_slice %arg2[%dma_wait3A_197, %add3A_196] : memref<2x320000xi32, #tpu.memory_space<hbm>> -> memref<2x80xi32, #tpu.memory_space<hbm>>
        %dma_wait3A_199 = arith.constant 0 : i32
        %dma_wait3A_200 = tpu.memref_slice %arg2[%dma_wait3A_199, %add3A_196] : memref<2x320000xi32, #tpu.memory_space<hbm>> -> memref<2x80xi32, #tpu.memory_space<hbm>>
        tpu.wait_dma2 semaphore(%arg13 : memref<!tpu.dma_semaphore, #tpu.memory_space<semaphore_mem>>) src(%dma_wait3A_200 : memref<2x80xi32, #tpu.memory_space<hbm>>) dst(%arg6 : memref<2x80xi32, #tpu.memory_space<vmem>>)
        %get3A_201 = arith.constant 1 : i32
        %get3A_202 = arith.index_cast %get3A_201 : i32 to index
        %get3A_203 = arith.constant 0 : index
        %get3A_204 = tpu.vector_load %arg6[%get3A_202, %get3A_203] {strides = array<i32>} : memref<2x80xi32, #tpu.memory_space<vmem>>, vector<1x16xi32>,
        %get3A_205 = vector.shape_cast %get3A_204 : vector<1x16xi32> to vector<16xi32>
        %swap3A_206 = arith.constant 0 : index
        %swap3A_207 = tpu.vector_load %arg8[%swap3A_206] {strides = array<i32>} : memref<80xi32, #tpu.memory_space<vmem>>, vector<16xi32>,
        %swap3A_208 = vector.shape_cast %swap3A_207 : vector<16xi32> to vector<16xi32>
        %swap3A_209 = vector.shape_cast %get3A_205 : vector<16xi32> to vector<16xi32>
        tpu.vector_store %arg8[%swap3A_206], %swap3A_209 {strides = array<i32>} : memref<80xi32, #tpu.memory_space<vmem>>, vector<16xi32>,
        %get3A_210 = arith.constant 1 : i32
        %get3A_211 = arith.index_cast %get3A_210 : i32 to index
        %get3A_212 = arith.constant 16 : index
        %get3A_213 = tpu.vector_load %arg6[%get3A_211, %get3A_212] {strides = array<i32>} : memref<2x80xi32, #tpu.memory_space<vmem>>, vector<1x16xi32>,
        %get3A_214 = vector.shape_cast %get3A_213 : vector<1x16xi32> to vector<16xi32>
        %swap3A_215 = arith.constant 16 : index
        %swap3A_216 = tpu.vector_load %arg8[%swap3A_215] {strides = array<i32>} : memref<80xi32, #tpu.memory_space<vmem>>, vector<16xi32>,
        %swap3A_217 = vector.shape_cast %swap3A_216 : vector<16xi32> to vector<16xi32>
        %swap3A_218 = vector.shape_cast %get3A_214 : vector<16xi32> to vector<16xi32>
        tpu.vector_store %arg8[%swap3A_215], %swap3A_218 {strides = array<i32>} : memref<80xi32, #tpu.memory_space<vmem>>, vector<16xi32>,
        %get3A_219 = arith.constant 1 : i32
        %get3A_220 = arith.index_cast %get3A_219 : i32 to index
        %get3A_221 = arith.constant 32 : index
        %get3A_222 = tpu.vector_load %arg6[%get3A_220, %get3A_221] {strides = array<i32>} : memref<2x80xi32, #tpu.memory_space<vmem>>, vector<1x16xi32>,
        %get3A_223 = vector.shape_cast %get3A_222 : vector<1x16xi32> to vector<16xi32>
        %swap3A_224 = arith.constant 32 : index
        %swap3A_225 = tpu.vector_load %arg8[%swap3A_224] {strides = array<i32>} : memref<80xi32, #tpu.memory_space<vmem>>, vector<16xi32>,
        %swap3A_226 = vector.shape_cast %swap3A_225 : vector<16xi32> to vector<16xi32>
        %swap3A_227 = vector.shape_cast %get3A_223 : vector<16xi32> to vector<16xi32>
        tpu.vector_store %arg8[%swap3A_224], %swap3A_227 {strides = array<i32>} : memref<80xi32, #tpu.memory_space<vmem>>, vector<16xi32>,
        %get3A_228 = arith.constant 1 : i32
        %get3A_229 = arith.index_cast %get3A_228 : i32 to index
        %get3A_230 = arith.constant 48 : index
        %get3A_231 = tpu.vector_load %arg6[%get3A_229, %get3A_230] {strides = array<i32>} : memref<2x80xi32, #tpu.memory_space<vmem>>, vector<1x16xi32>,
        %get3A_232 = vector.shape_cast %get3A_231 : vector<1x16xi32> to vector<16xi32>
        %swap3A_233 = arith.constant 48 : index
        %swap3A_234 = tpu.vector_load %arg8[%swap3A_233] {strides = array<i32>} : memref<80xi32, #tpu.memory_space<vmem>>, vector<16xi32>,
        %swap3A_235 = vector.shape_cast %swap3A_234 : vector<16xi32> to vector<16xi32>
        %swap3A_236 = vector.shape_cast %get3A_232 : vector<16xi32> to vector<16xi32>
        tpu.vector_store %arg8[%swap3A_233], %swap3A_236 {strides = array<i32>} : memref<80xi32, #tpu.memory_space<vmem>>, vector<16xi32>,
        %get3A_237 = arith.constant 1 : i32
        %get3A_238 = arith.index_cast %get3A_237 : i32 to index
        %get3A_239 = arith.constant 64 : index
        %get3A_240 = tpu.vector_load %arg6[%get3A_238, %get3A_239] {strides = array<i32>} : memref<2x80xi32, #tpu.memory_space<vmem>>, vector<1x16xi32>,
        %get3A_241 = vector.shape_cast %get3A_240 : vector<1x16xi32> to vector<16xi32>
        %swap3A_242 = arith.constant 64 : index
        %swap3A_243 = tpu.vector_load %arg8[%swap3A_242] {strides = array<i32>} : memref<80xi32, #tpu.memory_space<vmem>>, vector<16xi32>,
        %swap3A_244 = vector.shape_cast %swap3A_243 : vector<16xi32> to vector<16xi32>
        %swap3A_245 = vector.shape_cast %get3A_241 : vector<16xi32> to vector<16xi32>
        tpu.vector_store %arg8[%swap3A_242], %swap3A_245 {strides = array<i32>} : memref<80xi32, #tpu.memory_space<vmem>>, vector<16xi32>,
        %dma_start3A_246 = arith.constant 0 : i32
        %dma_start3A_247 = arith.constant 0 : i32
        %dma_start3A_248 = tpu.memref_slice %arg6[%dma_start3A_246, %dma_start3A_247] : memref<2x80xi32, #tpu.memory_space<vmem>> -> memref<1x80xi32, #tpu.memory_space<vmem>>
        %dma_start3A_249 = tpu.memref_squeeze %dma_start3A_248 : memref<1x80xi32, #tpu.memory_space<vmem>> -> memref<80xi32, #tpu.memory_space<vmem>>
        %dma_start3A_250 = arith.constant 0 : i32
        %dma_start3A_251 = arith.constant 0 : i32
        %dma_start3A_252 = tpu.memref_slice %arg3[%dma_start3A_250, %dma_start3A_251] : memref<10000x16xf32, #tpu.memory_space<hbm>> -> memref<10000x16xf32, #tpu.memory_space<hbm>>
        tpu.enqueue_indirect_dma source(%dma_start3A_252 : memref<10000x16xf32, #tpu.memory_space<hbm>>) target(%arg10 : memref<80x16xf32, #tpu.memory_space<vmem>>) offsets(%dma_start3A_249 : memref<80xi32, #tpu.memory_space<vmem>>) semaphore(%arg15 : memref<!tpu.dma_semaphore, #tpu.memory_space<semaphore_mem>>)
      } else {
      }
      %dma_wait3A_178 = arith.constant 0 : i32
      %dma_wait3A_179 = arith.constant 0 : i32
      %dma_wait3A_180 = tpu.memref_slice %arg7[%dma_wait3A_178, %dma_wait3A_179] : memref<2x80xi32, #tpu.memory_space<vmem>> -> memref<1x80xi32, #tpu.memory_space<vmem>>
      %dma_wait3A_181 = tpu.memref_squeeze %dma_wait3A_180 : memref<1x80xi32, #tpu.memory_space<vmem>> -> memref<80xi32, #tpu.memory_space<vmem>>
      %dma_wait3A_182 = arith.constant 0 : i32
      %dma_wait3A_183 = arith.constant 0 : i32
      %dma_wait3A_184 = tpu.memref_slice %arg3[%dma_wait3A_182, %dma_wait3A_183] : memref<10000x16xf32, #tpu.memory_space<hbm>> -> memref<10000x16xf32, #tpu.memory_space<hbm>>
      tpu.wait_indirect_dma semaphore(%arg16 : memref<!tpu.dma_semaphore, #tpu.memory_space<semaphore_mem>>) src(%dma_wait3A_184 : memref<10000x16xf32, #tpu.memory_space<hbm>>) dst(%arg11 : memref<80x16xf32, #tpu.memory_space<vmem>>)
      %add3A_185 = arith.constant 3 : i32
      %add3A_186 = arith.addi %mul3A_98, %add3A_185 : i32
      %lt3A_187 = arith.constant 125 : i32
      %lt3A_188 = arith.cmpi slt, %add3A_186, %lt3A_187 : i32
      %convert_element_type3A_189 = arith.extui %lt3A_188 : i1 to i32
      %cond3A_190 = arith.constant 0 : i32
      %cond3A_191 = arith.cmpi ne, %convert_element_type3A_189, %cond3A_190 : i32
      scf.if %cond3A_191 {
        %add3A_192 = arith.constant 3 : i32
        %add3A_193 = arith.addi %mul3A_98, %add3A_192 : i32
        %mul3A_194 = arith.constant 80 : i32
        %mul3A_195 = arith.muli %add3A_193, %mul3A_194 : i32
        %add3A_196 = arith.addi %mul3A_9, %mul3A_195 : i32
        %dma_start3A_197 = arith.constant 0 : i32
        %dma_start3A_198 = tpu.memref_slice %arg2[%dma_start3A_197, %add3A_196] : memref<2x320000xi32, #tpu.memory_space<hbm>> -> memref<2x80xi32, #tpu.memory_space<hbm>>
        %dma_start3A_199 = arith.constant 0 : i32
        %dma_start3A_200 = tpu.memref_slice %arg2[%dma_start3A_199, %add3A_196] : memref<2x320000xi32, #tpu.memory_space<hbm>> -> memref<2x80xi32, #tpu.memory_space<hbm>>
        tpu.enqueue_dma source(%dma_start3A_200 : memref<2x80xi32, #tpu.memory_space<hbm>>) target(%arg7 : memref<2x80xi32, #tpu.memory_space<vmem>>) target_semaphore(%arg14 : memref<!tpu.dma_semaphore, #tpu.memory_space<semaphore_mem>>)
      } else {
      }
      "tpu.region"() ({
        %run_scoped3A = tpu.sem_alloc : memref<!tpu.dma_semaphore, #tpu.memory_space<semaphore_mem>>
        %dma_start3A_192 = arith.constant 0 : i32
        %dma_start3A_193 = arith.constant 0 : i32
        %dma_start3A_194 = tpu.memref_slice %arg12[%dma_start3A_192, %dma_start3A_193] : memref<10240x16xf32, #tpu.memory_space<vmem_shared>> -> memref<10240x16xf32, #tpu.memory_space<vmem_shared>>
        tpu.enqueue_indirect_dma source(%arg11 : memref<80x16xf32, #tpu.memory_space<vmem>>) target(%dma_start3A_194 : memref<10240x16xf32, #tpu.memory_space<vmem_shared>>) offsets(%arg9 : memref<80xi32, #tpu.memory_space<vmem>>) semaphore(%run_scoped3A : memref<!tpu.dma_semaphore, #tpu.memory_space<semaphore_mem>>) {add = true}
        %dma_wait3A_195 = arith.constant 0 : i32
        %dma_wait3A_196 = arith.constant 0 : i32
        %dma_wait3A_197 = tpu.memref_slice %arg12[%dma_wait3A_195, %dma_wait3A_196] : memref<10240x16xf32, #tpu.memory_space<vmem_shared>> -> memref<10240x16xf32, #tpu.memory_space<vmem_shared>>
        tpu.wait_indirect_dma semaphore(%run_scoped3A : memref<!tpu.dma_semaphore, #tpu.memory_space<semaphore_mem>>) src(%arg11 : memref<80x16xf32, #tpu.memory_space<vmem>>) dst(%dma_wait3A_197 : memref<10240x16xf32, #tpu.memory_space<vmem_shared>>)
        tpu.yield
      }) : () -> ()
    }
    %scan3A_81 = arith.constant 62 : i32
    %dma_wait3A_82 = arith.constant 0 : i32
    %dma_wait3A_83 = arith.constant 0 : i32
    %dma_wait3A_84 = tpu.memref_slice %arg6[%dma_wait3A_82, %dma_wait3A_83] : memref<2x80xi32, #tpu.memory_space<vmem>> -> memref<1x80xi32, #tpu.memory_space<vmem>>
    %dma_wait3A_85 = tpu.memref_squeeze %dma_wait3A_84 : memref<1x80xi32, #tpu.memory_space<vmem>> -> memref<80xi32, #tpu.memory_space<vmem>>
    %dma_wait3A_86 = arith.constant 0 : i32
    %dma_wait3A_87 = arith.constant 0 : i32
    %dma_wait3A_88 = tpu.memref_slice %arg3[%dma_wait3A_86, %dma_wait3A_87] : memref<10000x16xf32, #tpu.memory_space<hbm>> -> memref<10000x16xf32, #tpu.memory_space<hbm>>
    tpu.wait_indirect_dma semaphore(%arg15 : memref<!tpu.dma_semaphore, #tpu.memory_space<semaphore_mem>>) src(%dma_wait3A_88 : memref<10000x16xf32, #tpu.memory_space<hbm>>) dst(%arg10 : memref<80x16xf32, #tpu.memory_space<vmem>>)
    "tpu.region"() ({
      %run_scoped3A = tpu.sem_alloc : memref<!tpu.dma_semaphore, #tpu.memory_space<semaphore_mem>>
      %dma_start3A_96 = arith.constant 0 : i32
      %dma_start3A_97 = arith.constant 0 : i32
      %dma_start3A_98 = tpu.memref_slice %arg12[%dma_start3A_96, %dma_start3A_97] : memref<10240x16xf32, #tpu.memory_space<vmem_shared>> -> memref<10240x16xf32, #tpu.memory_space<vmem_shared>>
      tpu.enqueue_indirect_dma source(%arg10 : memref<80x16xf32, #tpu.memory_space<vmem>>) target(%dma_start3A_98 : memref<10240x16xf32, #tpu.memory_space<vmem_shared>>) offsets(%arg8 : memref<80xi32, #tpu.memory_space<vmem>>) semaphore(%run_scoped3A : memref<!tpu.dma_semaphore, #tpu.memory_space<semaphore_mem>>) {add = true}
      %dma_wait3A_99 = arith.constant 0 : i32
      %dma_wait3A_100 = arith.constant 0 : i32
      %dma_wait3A_101 = tpu.memref_slice %arg12[%dma_wait3A_99, %dma_wait3A_100] : memref<10240x16xf32, #tpu.memory_space<vmem_shared>> -> memref<10240x16xf32, #tpu.memory_space<vmem_shared>>
      tpu.wait_indirect_dma semaphore(%run_scoped3A : memref<!tpu.dma_semaphore, #tpu.memory_space<semaphore_mem>>) src(%arg10 : memref<80x16xf32, #tpu.memory_space<vmem>>) dst(%dma_wait3A_101 : memref<10240x16xf32, #tpu.memory_space<vmem_shared>>)
      tpu.yield
    }) : () -> ()
    %barrier3A_89 = arith.constant 0 : index
    tpu.barrier barrier_id(%barrier3A_89)
    %scan3A_90 = arith.constant 0 : i32
    %scan3A_91 = arith.constant 0 : i32
    %scan3A_92 = arith.constant 8 : i32
    %scan3A_93 = arith.addi %scan3A_91, %scan3A_92 : i32
    %scan3A_94 = arith.constant 1 : i32
    scf.for %scan3A_96 = %scan3A_91 to %scan3A_93 step %scan3A_94  : i32 {
      %mul3A_97 = arith.constant 80 : i32
      %mul3A_98 = arith.muli %scan3A_96, %mul3A_97 : i32
      %add3A_99 = arith.addi %mul3A_0, %mul3A_98 : i32
      "tpu.region"() ({
        %run_scoped3A = tpu.sem_alloc : memref<!tpu.dma_semaphore, #tpu.memory_space<semaphore_mem>>
        %dma_start3A_100 = arith.constant 0 : i32
        %dma_start3A_101 = tpu.memref_slice %arg12[%add3A_99, %dma_start3A_100] : memref<10240x16xf32, #tpu.memory_space<vmem_shared>> -> memref<80x16xf32, #tpu.memory_space<vmem_shared>>
        %dma_start3A_102 = arith.constant 0 : i32
        %dma_start3A_103 = tpu.memref_slice %arg12[%add3A_99, %dma_start3A_102] : memref<10240x16xf32, #tpu.memory_space<vmem_shared>> -> memref<80x16xf32, #tpu.memory_space<vmem_shared>>
        tpu.enqueue_dma source(%dma_start3A_103 : memref<80x16xf32, #tpu.memory_space<vmem_shared>>) target(%arg10 : memref<80x16xf32, #tpu.memory_space<vmem>>) target_semaphore(%run_scoped3A : memref<!tpu.dma_semaphore, #tpu.memory_space<semaphore_mem>>)
        %dma_wait3A_104 = arith.constant 0 : i32
        %dma_wait3A_105 = tpu.memref_slice %arg12[%add3A_99, %dma_wait3A_104] : memref<10240x16xf32, #tpu.memory_space<vmem_shared>> -> memref<80x16xf32, #tpu.memory_space<vmem_shared>>
        %dma_wait3A_106 = arith.constant 0 : i32
        %dma_wait3A_107 = tpu.memref_slice %arg12[%add3A_99, %dma_wait3A_106] : memref<10240x16xf32, #tpu.memory_space<vmem_shared>> -> memref<80x16xf32, #tpu.memory_space<vmem_shared>>
        tpu.wait_dma2 semaphore(%run_scoped3A : memref<!tpu.dma_semaphore, #tpu.memory_space<semaphore_mem>>) src(%dma_wait3A_107 : memref<80x16xf32, #tpu.memory_space<vmem_shared>>) dst(%arg10 : memref<80x16xf32, #tpu.memory_space<vmem>>)
        tpu.yield
      }) : () -> ()
      "tpu.region"() ({
        %run_scoped3A = tpu.sem_alloc : memref<!tpu.dma_semaphore, #tpu.memory_space<semaphore_mem>>
        %dma_start3A_100 = arith.constant 0 : i32
        %dma_start3A_101 = tpu.memref_slice %arg5[%arg0, %add3A_99, %dma_start3A_100] : memref<2x10240x16xf32, #tpu.memory_space<hbm>> -> memref<1x80x16xf32, #tpu.memory_space<hbm>>
        %dma_start3A_102 = tpu.memref_squeeze %dma_start3A_101 : memref<1x80x16xf32, #tpu.memory_space<hbm>> -> memref<80x16xf32, #tpu.memory_space<hbm>>
        %dma_start3A_103 = arith.constant 0 : i32
        %dma_start3A_104 = tpu.memref_slice %arg5[%arg0, %add3A_99, %dma_start3A_103] : memref<2x10240x16xf32, #tpu.memory_space<hbm>> -> memref<1x80x16xf32, #tpu.memory_space<hbm>>
        %dma_start3A_105 = tpu.memref_squeeze %dma_start3A_104 : memref<1x80x16xf32, #tpu.memory_space<hbm>> -> memref<80x16xf32, #tpu.memory_space<hbm>>
        tpu.enqueue_dma source(%arg10 : memref<80x16xf32, #tpu.memory_space<vmem>>) target(%dma_start3A_105 : memref<80x16xf32, #tpu.memory_space<hbm>>) target_semaphore(%run_scoped3A : memref<!tpu.dma_semaphore, #tpu.memory_space<semaphore_mem>>)
        %dma_wait3A_106 = arith.constant 0 : i32
        %dma_wait3A_107 = tpu.memref_slice %arg5[%arg0, %add3A_99, %dma_wait3A_106] : memref<2x10240x16xf32, #tpu.memory_space<hbm>> -> memref<1x80x16xf32, #tpu.memory_space<hbm>>
        %dma_wait3A_108 = tpu.memref_squeeze %dma_wait3A_107 : memref<1x80x16xf32, #tpu.memory_space<hbm>> -> memref<80x16xf32, #tpu.memory_space<hbm>>
        %dma_wait3A_109 = arith.constant 0 : i32
        %dma_wait3A_110 = tpu.memref_slice %arg5[%arg0, %add3A_99, %dma_wait3A_109] : memref<2x10240x16xf32, #tpu.memory_space<hbm>> -> memref<1x80x16xf32, #tpu.memory_space<hbm>>
        %dma_wait3A_111 = tpu.memref_squeeze %dma_wait3A_110 : memref<1x80x16xf32, #tpu.memory_space<hbm>> -> memref<80x16xf32, #tpu.memory_space<hbm>>
        tpu.wait_dma2 semaphore(%run_scoped3A : memref<!tpu.dma_semaphore, #tpu.memory_space<semaphore_mem>>) src(%arg10 : memref<80x16xf32, #tpu.memory_space<vmem>>) dst(%dma_wait3A_111 : memref<80x16xf32, #tpu.memory_space<hbm>>)
        tpu.yield
      }) : () -> ()
    }
    %scan3A_95 = arith.constant 8 : i32
    return
  }
}

#map = affine_map<(d0, d1) -> (0)>
#map1 = affine_map<(d0, d1) -> (0, 0)>
#map2 = affine_map<(d0, d1) -> (0, 0, 0)>
module attributes {stable_mosaic.version = 14 : i64} {
  func.func @sc_count(%arg0: i32, %arg1: i32, %arg2: memref<320000xi32, #tpu.memory_space<hbm>>, %arg3: memref<10240x16xf32, #tpu.memory_space<hbm>>, %arg4: memref<80x16xf32, #tpu.memory_space<hbm>>, %arg5: memref<2x10240x16xf32, #tpu.memory_space<hbm>>, %arg6: memref<80xi32, #tpu.memory_space<vmem>>, %arg7: memref<80xi32, #tpu.memory_space<vmem>>, %arg8: memref<80x16xf32, #tpu.memory_space<vmem>>, %arg9: memref<10240x16xf32, #tpu.memory_space<vmem_shared>>, %arg10: memref<!tpu.dma_semaphore, #tpu.memory_space<semaphore_mem>>, %arg11: memref<!tpu.dma_semaphore, #tpu.memory_space<semaphore_mem>>) attributes {dimension_semantics = [#tpu.dimension_semantics<core_parallel>, #tpu.dimension_semantics<subcore_parallel>], iteration_bounds = array<i64: 2, 16>, scalar_prefetch = 0 : i64, scratch_operands = 6 : i64, tpu.core_type = #tpu.core_type<sc_vector_subcore>, window_params = [{transform_indices = #map}, {transform_indices = #map1}, {transform_indices = #map1}, {transform_indices = #map2}]} {
    %mul3A = arith.constant 640 : i32
    %mul3A_0 = arith.muli %arg1, %mul3A : i32
    %scan3A = arith.constant 0 : i32
    %scan3A_1 = arith.constant 0 : i32
    %scan3A_2 = arith.constant 8 : i32
    %scan3A_3 = arith.addi %scan3A_1, %scan3A_2 : i32
    %scan3A_4 = arith.constant 1 : i32
    scf.for %scan3A_33 = %scan3A_1 to %scan3A_3 step %scan3A_4  : i32 {
      %mul3A_34 = arith.constant 80 : i32
      %mul3A_35 = arith.muli %scan3A_33, %mul3A_34 : i32
      %add3A_36 = arith.addi %mul3A_0, %mul3A_35 : i32
      "tpu.region"() ({
        %run_scoped3A = tpu.sem_alloc : memref<!tpu.dma_semaphore, #tpu.memory_space<semaphore_mem>>
        %dma_start3A_37 = arith.constant 0 : i32
        %dma_start3A_38 = tpu.memref_slice %arg3[%add3A_36, %dma_start3A_37] : memref<10240x16xf32, #tpu.memory_space<hbm>> -> memref<80x16xf32, #tpu.memory_space<hbm>>
        %dma_start3A_39 = arith.constant 0 : i32
        %dma_start3A_40 = tpu.memref_slice %arg3[%add3A_36, %dma_start3A_39] : memref<10240x16xf32, #tpu.memory_space<hbm>> -> memref<80x16xf32, #tpu.memory_space<hbm>>
        tpu.enqueue_dma source(%dma_start3A_40 : memref<80x16xf32, #tpu.memory_space<hbm>>) target(%arg8 : memref<80x16xf32, #tpu.memory_space<vmem>>) target_semaphore(%run_scoped3A : memref<!tpu.dma_semaphore, #tpu.memory_space<semaphore_mem>>)
        %dma_wait3A_41 = arith.constant 0 : i32
        %dma_wait3A_42 = tpu.memref_slice %arg3[%add3A_36, %dma_wait3A_41] : memref<10240x16xf32, #tpu.memory_space<hbm>> -> memref<80x16xf32, #tpu.memory_space<hbm>>
        %dma_wait3A_43 = arith.constant 0 : i32
        %dma_wait3A_44 = tpu.memref_slice %arg3[%add3A_36, %dma_wait3A_43] : memref<10240x16xf32, #tpu.memory_space<hbm>> -> memref<80x16xf32, #tpu.memory_space<hbm>>
        tpu.wait_dma2 semaphore(%run_scoped3A : memref<!tpu.dma_semaphore, #tpu.memory_space<semaphore_mem>>) src(%dma_wait3A_44 : memref<80x16xf32, #tpu.memory_space<hbm>>) dst(%arg8 : memref<80x16xf32, #tpu.memory_space<vmem>>)
        tpu.yield
      }) : () -> ()
      "tpu.region"() ({
        %run_scoped3A = tpu.sem_alloc : memref<!tpu.dma_semaphore, #tpu.memory_space<semaphore_mem>>
        %dma_start3A_37 = arith.constant 0 : i32
        %dma_start3A_38 = tpu.memref_slice %arg9[%add3A_36, %dma_start3A_37] : memref<10240x16xf32, #tpu.memory_space<vmem_shared>> -> memref<80x16xf32, #tpu.memory_space<vmem_shared>>
        %dma_start3A_39 = arith.constant 0 : i32
        %dma_start3A_40 = tpu.memref_slice %arg9[%add3A_36, %dma_start3A_39] : memref<10240x16xf32, #tpu.memory_space<vmem_shared>> -> memref<80x16xf32, #tpu.memory_space<vmem_shared>>
        tpu.enqueue_dma source(%arg8 : memref<80x16xf32, #tpu.memory_space<vmem>>) target(%dma_start3A_40 : memref<80x16xf32, #tpu.memory_space<vmem_shared>>) target_semaphore(%run_scoped3A : memref<!tpu.dma_semaphore, #tpu.memory_space<semaphore_mem>>)
        %dma_wait3A_41 = arith.constant 0 : i32
        %dma_wait3A_42 = tpu.memref_slice %arg9[%add3A_36, %dma_wait3A_41] : memref<10240x16xf32, #tpu.memory_space<vmem_shared>> -> memref<80x16xf32, #tpu.memory_space<vmem_shared>>
        %dma_wait3A_43 = arith.constant 0 : i32
        %dma_wait3A_44 = tpu.memref_slice %arg9[%add3A_36, %dma_wait3A_43] : memref<10240x16xf32, #tpu.memory_space<vmem_shared>> -> memref<80x16xf32, #tpu.memory_space<vmem_shared>>
        tpu.wait_dma2 semaphore(%run_scoped3A : memref<!tpu.dma_semaphore, #tpu.memory_space<semaphore_mem>>) src(%arg8 : memref<80x16xf32, #tpu.memory_space<vmem>>) dst(%dma_wait3A_44 : memref<80x16xf32, #tpu.memory_space<vmem_shared>>)
        tpu.yield
      }) : () -> ()
    }
    %scan3A_5 = arith.constant 8 : i32
    "tpu.region"() ({
      %run_scoped3A = tpu.sem_alloc : memref<!tpu.dma_semaphore, #tpu.memory_space<semaphore_mem>>
      tpu.enqueue_dma source(%arg4 : memref<80x16xf32, #tpu.memory_space<hbm>>) target(%arg8 : memref<80x16xf32, #tpu.memory_space<vmem>>) target_semaphore(%run_scoped3A : memref<!tpu.dma_semaphore, #tpu.memory_space<semaphore_mem>>)
      tpu.wait_dma2 semaphore(%run_scoped3A : memref<!tpu.dma_semaphore, #tpu.memory_space<semaphore_mem>>) src(%arg4 : memref<80x16xf32, #tpu.memory_space<hbm>>) dst(%arg8 : memref<80x16xf32, #tpu.memory_space<vmem>>)
      tpu.yield
    }) : () -> ()
    %barrier3A = arith.constant 0 : index
    tpu.barrier barrier_id(%barrier3A)
    %mul3A_6 = arith.constant 16 : i32
    %mul3A_7 = arith.muli %arg0, %mul3A_6 : i32
    %add3A = arith.addi %mul3A_7, %arg1 : i32
    %mul3A_8 = arith.constant 10000 : i32
    %mul3A_9 = arith.muli %add3A, %mul3A_8 : i32
    %add3A_10 = arith.constant 0 : i32
    %add3A_11 = arith.addi %mul3A_9, %add3A_10 : i32
    %dma_start3A = tpu.memref_slice %arg2[%add3A_11] : memref<320000xi32, #tpu.memory_space<hbm>> -> memref<80xi32, #tpu.memory_space<hbm>>
    %dma_start3A_12 = tpu.memref_slice %arg2[%add3A_11] : memref<320000xi32, #tpu.memory_space<hbm>> -> memref<80xi32, #tpu.memory_space<hbm>>
    tpu.enqueue_dma source(%dma_start3A_12 : memref<80xi32, #tpu.memory_space<hbm>>) target(%arg6 : memref<80xi32, #tpu.memory_space<vmem>>) target_semaphore(%arg10 : memref<!tpu.dma_semaphore, #tpu.memory_space<semaphore_mem>>)
    %add3A_13 = arith.constant 80 : i32
    %add3A_14 = arith.addi %mul3A_9, %add3A_13 : i32
    %dma_start3A_15 = tpu.memref_slice %arg2[%add3A_14] : memref<320000xi32, #tpu.memory_space<hbm>> -> memref<80xi32, #tpu.memory_space<hbm>>
    %dma_start3A_16 = tpu.memref_slice %arg2[%add3A_14] : memref<320000xi32, #tpu.memory_space<hbm>> -> memref<80xi32, #tpu.memory_space<hbm>>
    tpu.enqueue_dma source(%dma_start3A_16 : memref<80xi32, #tpu.memory_space<hbm>>) target(%arg7 : memref<80xi32, #tpu.memory_space<vmem>>) target_semaphore(%arg11 : memref<!tpu.dma_semaphore, #tpu.memory_space<semaphore_mem>>)
    %scan3A_17 = arith.constant 0 : i32
    %scan3A_18 = arith.constant 0 : i32
    %scan3A_19 = arith.constant 62 : i32
    %scan3A_20 = arith.addi %scan3A_18, %scan3A_19 : i32
    %scan3A_21 = arith.constant 1 : i32
    scf.for %scan3A_33 = %scan3A_18 to %scan3A_20 step %scan3A_21  : i32 {
      %mul3A_34 = arith.constant 2 : i32
      %mul3A_35 = arith.muli %mul3A_34, %scan3A_33 : i32
      %mul3A_36 = arith.constant 80 : i32
      %mul3A_37 = arith.muli %mul3A_35, %mul3A_36 : i32
      %add3A_38 = arith.addi %mul3A_9, %mul3A_37 : i32
      %dma_wait3A_39 = tpu.memref_slice %arg2[%add3A_38] : memref<320000xi32, #tpu.memory_space<hbm>> -> memref<80xi32, #tpu.memory_space<hbm>>
      %dma_wait3A_40 = tpu.memref_slice %arg2[%add3A_38] : memref<320000xi32, #tpu.memory_space<hbm>> -> memref<80xi32, #tpu.memory_space<hbm>>
      tpu.wait_dma2 semaphore(%arg10 : memref<!tpu.dma_semaphore, #tpu.memory_space<semaphore_mem>>) src(%dma_wait3A_40 : memref<80xi32, #tpu.memory_space<hbm>>) dst(%arg6 : memref<80xi32, #tpu.memory_space<vmem>>)
      "tpu.region"() ({
        %run_scoped3A = tpu.sem_alloc : memref<!tpu.dma_semaphore, #tpu.memory_space<semaphore_mem>>
        %dma_start3A_59 = arith.constant 0 : i32
        %dma_start3A_60 = arith.constant 0 : i32
        %dma_start3A_61 = tpu.memref_slice %arg9[%dma_start3A_59, %dma_start3A_60] : memref<10240x16xf32, #tpu.memory_space<vmem_shared>> -> memref<10240x16xf32, #tpu.memory_space<vmem_shared>>
        tpu.enqueue_indirect_dma source(%arg8 : memref<80x16xf32, #tpu.memory_space<vmem>>) target(%dma_start3A_61 : memref<10240x16xf32, #tpu.memory_space<vmem_shared>>) offsets(%arg6 : memref<80xi32, #tpu.memory_space<vmem>>) semaphore(%run_scoped3A : memref<!tpu.dma_semaphore, #tpu.memory_space<semaphore_mem>>) {add = true}
        %dma_wait3A_62 = arith.constant 0 : i32
        %dma_wait3A_63 = arith.constant 0 : i32
        %dma_wait3A_64 = tpu.memref_slice %arg9[%dma_wait3A_62, %dma_wait3A_63] : memref<10240x16xf32, #tpu.memory_space<vmem_shared>> -> memref<10240x16xf32, #tpu.memory_space<vmem_shared>>
        tpu.wait_indirect_dma semaphore(%run_scoped3A : memref<!tpu.dma_semaphore, #tpu.memory_space<semaphore_mem>>) src(%arg8 : memref<80x16xf32, #tpu.memory_space<vmem>>) dst(%dma_wait3A_64 : memref<10240x16xf32, #tpu.memory_space<vmem_shared>>)
        tpu.yield
      }) : () -> ()
      %add3A_41 = arith.constant 2 : i32
      %add3A_42 = arith.addi %mul3A_35, %add3A_41 : i32
      %lt3A = arith.constant 125 : i32
      %lt3A_43 = arith.cmpi slt, %add3A_42, %lt3A : i32
      %convert_element_type3A = arith.extui %lt3A_43 : i1 to i32
      %cond3A = arith.constant 0 : i32
      %cond3A_44 = arith.cmpi ne, %convert_element_type3A, %cond3A : i32
      scf.if %cond3A_44 {
        %add3A_59 = arith.constant 2 : i32
        %add3A_60 = arith.addi %mul3A_35, %add3A_59 : i32
        %mul3A_61 = arith.constant 80 : i32
        %mul3A_62 = arith.muli %add3A_60, %mul3A_61 : i32
        %add3A_63 = arith.addi %mul3A_9, %mul3A_62 : i32
        %dma_start3A_64 = tpu.memref_slice %arg2[%add3A_63] : memref<320000xi32, #tpu.memory_space<hbm>> -> memref<80xi32, #tpu.memory_space<hbm>>
        %dma_start3A_65 = tpu.memref_slice %arg2[%add3A_63] : memref<320000xi32, #tpu.memory_space<hbm>> -> memref<80xi32, #tpu.memory_space<hbm>>
        tpu.enqueue_dma source(%dma_start3A_65 : memref<80xi32, #tpu.memory_space<hbm>>) target(%arg6 : memref<80xi32, #tpu.memory_space<vmem>>) target_semaphore(%arg10 : memref<!tpu.dma_semaphore, #tpu.memory_space<semaphore_mem>>)
      } else {
      }
      %add3A_45 = arith.constant 1 : i32
      %add3A_46 = arith.addi %mul3A_35, %add3A_45 : i32
      %mul3A_47 = arith.constant 80 : i32
      %mul3A_48 = arith.muli %add3A_46, %mul3A_47 : i32
      %add3A_49 = arith.addi %mul3A_9, %mul3A_48 : i32
      %dma_wait3A_50 = tpu.memref_slice %arg2[%add3A_49] : memref<320000xi32, #tpu.memory_space<hbm>> -> memref<80xi32, #tpu.memory_space<hbm>>
      %dma_wait3A_51 = tpu.memref_slice %arg2[%add3A_49] : memref<320000xi32, #tpu.memory_space<hbm>> -> memref<80xi32, #tpu.memory_space<hbm>>
      tpu.wait_dma2 semaphore(%arg11 : memref<!tpu.dma_semaphore, #tpu.memory_space<semaphore_mem>>) src(%dma_wait3A_51 : memref<80xi32, #tpu.memory_space<hbm>>) dst(%arg7 : memref<80xi32, #tpu.memory_space<vmem>>)
      "tpu.region"() ({
        %run_scoped3A = tpu.sem_alloc : memref<!tpu.dma_semaphore, #tpu.memory_space<semaphore_mem>>
        %dma_start3A_59 = arith.constant 0 : i32
        %dma_start3A_60 = arith.constant 0 : i32
        %dma_start3A_61 = tpu.memref_slice %arg9[%dma_start3A_59, %dma_start3A_60] : memref<10240x16xf32, #tpu.memory_space<vmem_shared>> -> memref<10240x16xf32, #tpu.memory_space<vmem_shared>>
        tpu.enqueue_indirect_dma source(%arg8 : memref<80x16xf32, #tpu.memory_space<vmem>>) target(%dma_start3A_61 : memref<10240x16xf32, #tpu.memory_space<vmem_shared>>) offsets(%arg7 : memref<80xi32, #tpu.memory_space<vmem>>) semaphore(%run_scoped3A : memref<!tpu.dma_semaphore, #tpu.memory_space<semaphore_mem>>) {add = true}
        %dma_wait3A_62 = arith.constant 0 : i32
        %dma_wait3A_63 = arith.constant 0 : i32
        %dma_wait3A_64 = tpu.memref_slice %arg9[%dma_wait3A_62, %dma_wait3A_63] : memref<10240x16xf32, #tpu.memory_space<vmem_shared>> -> memref<10240x16xf32, #tpu.memory_space<vmem_shared>>
        tpu.wait_indirect_dma semaphore(%run_scoped3A : memref<!tpu.dma_semaphore, #tpu.memory_space<semaphore_mem>>) src(%arg8 : memref<80x16xf32, #tpu.memory_space<vmem>>) dst(%dma_wait3A_64 : memref<10240x16xf32, #tpu.memory_space<vmem_shared>>)
        tpu.yield
      }) : () -> ()
      %add3A_52 = arith.constant 3 : i32
      %add3A_53 = arith.addi %mul3A_35, %add3A_52 : i32
      %lt3A_54 = arith.constant 125 : i32
      %lt3A_55 = arith.cmpi slt, %add3A_53, %lt3A_54 : i32
      %convert_element_type3A_56 = arith.extui %lt3A_55 : i1 to i32
      %cond3A_57 = arith.constant 0 : i32
      %cond3A_58 = arith.cmpi ne, %convert_element_type3A_56, %cond3A_57 : i32
      scf.if %cond3A_58 {
        %add3A_59 = arith.constant 3 : i32
        %add3A_60 = arith.addi %mul3A_35, %add3A_59 : i32
        %mul3A_61 = arith.constant 80 : i32
        %mul3A_62 = arith.muli %add3A_60, %mul3A_61 : i32
        %add3A_63 = arith.addi %mul3A_9, %mul3A_62 : i32
        %dma_start3A_64 = tpu.memref_slice %arg2[%add3A_63] : memref<320000xi32, #tpu.memory_space<hbm>> -> memref<80xi32, #tpu.memory_space<hbm>>
        %dma_start3A_65 = tpu.memref_slice %arg2[%add3A_63] : memref<320000xi32, #tpu.memory_space<hbm>> -> memref<80xi32, #tpu.memory_space<hbm>>
        tpu.enqueue_dma source(%dma_start3A_65 : memref<80xi32, #tpu.memory_space<hbm>>) target(%arg7 : memref<80xi32, #tpu.memory_space<vmem>>) target_semaphore(%arg11 : memref<!tpu.dma_semaphore, #tpu.memory_space<semaphore_mem>>)
      } else {
      }
    }
    %scan3A_22 = arith.constant 62 : i32
    %add3A_23 = arith.constant 9920 : i32
    %add3A_24 = arith.addi %mul3A_9, %add3A_23 : i32
    %dma_wait3A = tpu.memref_slice %arg2[%add3A_24] : memref<320000xi32, #tpu.memory_space<hbm>> -> memref<80xi32, #tpu.memory_space<hbm>>
    %dma_wait3A_25 = tpu.memref_slice %arg2[%add3A_24] : memref<320000xi32, #tpu.memory_space<hbm>> -> memref<80xi32, #tpu.memory_space<hbm>>
    tpu.wait_dma2 semaphore(%arg10 : memref<!tpu.dma_semaphore, #tpu.memory_space<semaphore_mem>>) src(%dma_wait3A_25 : memref<80xi32, #tpu.memory_space<hbm>>) dst(%arg6 : memref<80xi32, #tpu.memory_space<vmem>>)
    "tpu.region"() ({
      %run_scoped3A = tpu.sem_alloc : memref<!tpu.dma_semaphore, #tpu.memory_space<semaphore_mem>>
      %dma_start3A_33 = arith.constant 0 : i32
      %dma_start3A_34 = arith.constant 0 : i32
      %dma_start3A_35 = tpu.memref_slice %arg9[%dma_start3A_33, %dma_start3A_34] : memref<10240x16xf32, #tpu.memory_space<vmem_shared>> -> memref<10240x16xf32, #tpu.memory_space<vmem_shared>>
      tpu.enqueue_indirect_dma source(%arg8 : memref<80x16xf32, #tpu.memory_space<vmem>>) target(%dma_start3A_35 : memref<10240x16xf32, #tpu.memory_space<vmem_shared>>) offsets(%arg6 : memref<80xi32, #tpu.memory_space<vmem>>) semaphore(%run_scoped3A : memref<!tpu.dma_semaphore, #tpu.memory_space<semaphore_mem>>) {add = true}
      %dma_wait3A_36 = arith.constant 0 : i32
      %dma_wait3A_37 = arith.constant 0 : i32
      %dma_wait3A_38 = tpu.memref_slice %arg9[%dma_wait3A_36, %dma_wait3A_37] : memref<10240x16xf32, #tpu.memory_space<vmem_shared>> -> memref<10240x16xf32, #tpu.memory_space<vmem_shared>>
      tpu.wait_indirect_dma semaphore(%run_scoped3A : memref<!tpu.dma_semaphore, #tpu.memory_space<semaphore_mem>>) src(%arg8 : memref<80x16xf32, #tpu.memory_space<vmem>>) dst(%dma_wait3A_38 : memref<10240x16xf32, #tpu.memory_space<vmem_shared>>)
      tpu.yield
    }) : () -> ()
    %barrier3A_26 = arith.constant 0 : index
    tpu.barrier barrier_id(%barrier3A_26)
    %scan3A_27 = arith.constant 0 : i32
    %scan3A_28 = arith.constant 0 : i32
    %scan3A_29 = arith.constant 8 : i32
    %scan3A_30 = arith.addi %scan3A_28, %scan3A_29 : i32
    %scan3A_31 = arith.constant 1 : i32
    scf.for %scan3A_33 = %scan3A_28 to %scan3A_30 step %scan3A_31  : i32 {
      %mul3A_34 = arith.constant 80 : i32
      %mul3A_35 = arith.muli %scan3A_33, %mul3A_34 : i32
      %add3A_36 = arith.addi %mul3A_0, %mul3A_35 : i32
      "tpu.region"() ({
        %run_scoped3A = tpu.sem_alloc : memref<!tpu.dma_semaphore, #tpu.memory_space<semaphore_mem>>
        %dma_start3A_37 = arith.constant 0 : i32
        %dma_start3A_38 = tpu.memref_slice %arg9[%add3A_36, %dma_start3A_37] : memref<10240x16xf32, #tpu.memory_space<vmem_shared>> -> memref<80x16xf32, #tpu.memory_space<vmem_shared>>
        %dma_start3A_39 = arith.constant 0 : i32
        %dma_start3A_40 = tpu.memref_slice %arg9[%add3A_36, %dma_start3A_39] : memref<10240x16xf32, #tpu.memory_space<vmem_shared>> -> memref<80x16xf32, #tpu.memory_space<vmem_shared>>
        tpu.enqueue_dma source(%dma_start3A_40 : memref<80x16xf32, #tpu.memory_space<vmem_shared>>) target(%arg8 : memref<80x16xf32, #tpu.memory_space<vmem>>) target_semaphore(%run_scoped3A : memref<!tpu.dma_semaphore, #tpu.memory_space<semaphore_mem>>)
        %dma_wait3A_41 = arith.constant 0 : i32
        %dma_wait3A_42 = tpu.memref_slice %arg9[%add3A_36, %dma_wait3A_41] : memref<10240x16xf32, #tpu.memory_space<vmem_shared>> -> memref<80x16xf32, #tpu.memory_space<vmem_shared>>
        %dma_wait3A_43 = arith.constant 0 : i32
        %dma_wait3A_44 = tpu.memref_slice %arg9[%add3A_36, %dma_wait3A_43] : memref<10240x16xf32, #tpu.memory_space<vmem_shared>> -> memref<80x16xf32, #tpu.memory_space<vmem_shared>>
        tpu.wait_dma2 semaphore(%run_scoped3A : memref<!tpu.dma_semaphore, #tpu.memory_space<semaphore_mem>>) src(%dma_wait3A_44 : memref<80x16xf32, #tpu.memory_space<vmem_shared>>) dst(%arg8 : memref<80x16xf32, #tpu.memory_space<vmem>>)
        tpu.yield
      }) : () -> ()
      "tpu.region"() ({
        %run_scoped3A = tpu.sem_alloc : memref<!tpu.dma_semaphore, #tpu.memory_space<semaphore_mem>>
        %dma_start3A_37 = arith.constant 0 : i32
        %dma_start3A_38 = tpu.memref_slice %arg5[%arg0, %add3A_36, %dma_start3A_37] : memref<2x10240x16xf32, #tpu.memory_space<hbm>> -> memref<1x80x16xf32, #tpu.memory_space<hbm>>
        %dma_start3A_39 = tpu.memref_squeeze %dma_start3A_38 : memref<1x80x16xf32, #tpu.memory_space<hbm>> -> memref<80x16xf32, #tpu.memory_space<hbm>>
        %dma_start3A_40 = arith.constant 0 : i32
        %dma_start3A_41 = tpu.memref_slice %arg5[%arg0, %add3A_36, %dma_start3A_40] : memref<2x10240x16xf32, #tpu.memory_space<hbm>> -> memref<1x80x16xf32, #tpu.memory_space<hbm>>
        %dma_start3A_42 = tpu.memref_squeeze %dma_start3A_41 : memref<1x80x16xf32, #tpu.memory_space<hbm>> -> memref<80x16xf32, #tpu.memory_space<hbm>>
        tpu.enqueue_dma source(%arg8 : memref<80x16xf32, #tpu.memory_space<vmem>>) target(%dma_start3A_42 : memref<80x16xf32, #tpu.memory_space<hbm>>) target_semaphore(%run_scoped3A : memref<!tpu.dma_semaphore, #tpu.memory_space<semaphore_mem>>)
        %dma_wait3A_43 = arith.constant 0 : i32
        %dma_wait3A_44 = tpu.memref_slice %arg5[%arg0, %add3A_36, %dma_wait3A_43] : memref<2x10240x16xf32, #tpu.memory_space<hbm>> -> memref<1x80x16xf32, #tpu.memory_space<hbm>>
        %dma_wait3A_45 = tpu.memref_squeeze %dma_wait3A_44 : memref<1x80x16xf32, #tpu.memory_space<hbm>> -> memref<80x16xf32, #tpu.memory_space<hbm>>
        %dma_wait3A_46 = arith.constant 0 : i32
        %dma_wait3A_47 = tpu.memref_slice %arg5[%arg0, %add3A_36, %dma_wait3A_46] : memref<2x10240x16xf32, #tpu.memory_space<hbm>> -> memref<1x80x16xf32, #tpu.memory_space<hbm>>
        %dma_wait3A_48 = tpu.memref_squeeze %dma_wait3A_47 : memref<1x80x16xf32, #tpu.memory_space<hbm>> -> memref<80x16xf32, #tpu.memory_space<hbm>>
        tpu.wait_dma2 semaphore(%run_scoped3A : memref<!tpu.dma_semaphore, #tpu.memory_space<semaphore_mem>>) src(%arg8 : memref<80x16xf32, #tpu.memory_space<vmem>>) dst(%dma_wait3A_48 : memref<80x16xf32, #tpu.memory_space<hbm>>)
        tpu.yield
      }) : () -> ()
    }
    %scan3A_32 = arith.constant 8 : i32
    return
  }
}

#map = affine_map<(d0, d1) -> (0, 0)>
#map1 = affine_map<(d0, d1) -> (0, 0, 0)>
module attributes {stable_mosaic.version = 14 : i64} {
  func.func @sc_segsum_x(%arg0: i32, %arg1: i32, %arg2: memref<2x320000xi32, #tpu.memory_space<hbm>>, %arg3: memref<20000x64xf32, #tpu.memory_space<hbm>>, %arg4: memref<10240x64xf32, #tpu.memory_space<hbm>>, %arg5: memref<2x10240x64xf32, #tpu.memory_space<hbm>>, %arg6: memref<2x80xi32, #tpu.memory_space<vmem>>, %arg7: memref<2x80xi32, #tpu.memory_space<vmem>>, %arg8: memref<80xi32, #tpu.memory_space<vmem>>, %arg9: memref<80xi32, #tpu.memory_space<vmem>>, %arg10: memref<80x64xf32, #tpu.memory_space<vmem>>, %arg11: memref<80x64xf32, #tpu.memory_space<vmem>>, %arg12: memref<10240x64xf32, #tpu.memory_space<vmem_shared>>, %arg13: memref<!tpu.dma_semaphore, #tpu.memory_space<semaphore_mem>>, %arg14: memref<!tpu.dma_semaphore, #tpu.memory_space<semaphore_mem>>, %arg15: memref<!tpu.dma_semaphore, #tpu.memory_space<semaphore_mem>>, %arg16: memref<!tpu.dma_semaphore, #tpu.memory_space<semaphore_mem>>) attributes {dimension_semantics = [#tpu.dimension_semantics<core_parallel>, #tpu.dimension_semantics<subcore_parallel>], iteration_bounds = array<i64: 2, 16>, scalar_prefetch = 0 : i64, scratch_operands = 11 : i64, tpu.core_type = #tpu.core_type<sc_vector_subcore>, window_params = [{transform_indices = #map}, {transform_indices = #map}, {transform_indices = #map}, {transform_indices = #map1}]} {
    %mul3A = arith.constant 640 : i32
    %mul3A_0 = arith.muli %arg1, %mul3A : i32
    %scan3A = arith.constant 0 : i32
    %scan3A_1 = arith.constant 0 : i32
    %scan3A_2 = arith.constant 8 : i32
    %scan3A_3 = arith.addi %scan3A_1, %scan3A_2 : i32
    %scan3A_4 = arith.constant 1 : i32
    scf.for %scan3A_153 = %scan3A_1 to %scan3A_3 step %scan3A_4  : i32 {
      %mul3A_154 = arith.constant 80 : i32
      %mul3A_155 = arith.muli %scan3A_153, %mul3A_154 : i32
      %add3A_156 = arith.addi %mul3A_0, %mul3A_155 : i32
      "tpu.region"() ({
        %run_scoped3A = tpu.sem_alloc : memref<!tpu.dma_semaphore, #tpu.memory_space<semaphore_mem>>
        %dma_start3A_157 = arith.constant 0 : i32
        %dma_start3A_158 = tpu.memref_slice %arg4[%add3A_156, %dma_start3A_157] : memref<10240x64xf32, #tpu.memory_space<hbm>> -> memref<80x64xf32, #tpu.memory_space<hbm>>
        %dma_start3A_159 = arith.constant 0 : i32
        %dma_start3A_160 = tpu.memref_slice %arg4[%add3A_156, %dma_start3A_159] : memref<10240x64xf32, #tpu.memory_space<hbm>> -> memref<80x64xf32, #tpu.memory_space<hbm>>
        tpu.enqueue_dma source(%dma_start3A_160 : memref<80x64xf32, #tpu.memory_space<hbm>>) target(%arg10 : memref<80x64xf32, #tpu.memory_space<vmem>>) target_semaphore(%run_scoped3A : memref<!tpu.dma_semaphore, #tpu.memory_space<semaphore_mem>>)
        %dma_wait3A_161 = arith.constant 0 : i32
        %dma_wait3A_162 = tpu.memref_slice %arg4[%add3A_156, %dma_wait3A_161] : memref<10240x64xf32, #tpu.memory_space<hbm>> -> memref<80x64xf32, #tpu.memory_space<hbm>>
        %dma_wait3A_163 = arith.constant 0 : i32
        %dma_wait3A_164 = tpu.memref_slice %arg4[%add3A_156, %dma_wait3A_163] : memref<10240x64xf32, #tpu.memory_space<hbm>> -> memref<80x64xf32, #tpu.memory_space<hbm>>
        tpu.wait_dma2 semaphore(%run_scoped3A : memref<!tpu.dma_semaphore, #tpu.memory_space<semaphore_mem>>) src(%dma_wait3A_164 : memref<80x64xf32, #tpu.memory_space<hbm>>) dst(%arg10 : memref<80x64xf32, #tpu.memory_space<vmem>>)
        tpu.yield
      }) : () -> ()
      "tpu.region"() ({
        %run_scoped3A = tpu.sem_alloc : memref<!tpu.dma_semaphore, #tpu.memory_space<semaphore_mem>>
        %dma_start3A_157 = arith.constant 0 : i32
        %dma_start3A_158 = tpu.memref_slice %arg12[%add3A_156, %dma_start3A_157] : memref<10240x64xf32, #tpu.memory_space<vmem_shared>> -> memref<80x64xf32, #tpu.memory_space<vmem_shared>>
        %dma_start3A_159 = arith.constant 0 : i32
        %dma_start3A_160 = tpu.memref_slice %arg12[%add3A_156, %dma_start3A_159] : memref<10240x64xf32, #tpu.memory_space<vmem_shared>> -> memref<80x64xf32, #tpu.memory_space<vmem_shared>>
        tpu.enqueue_dma source(%arg10 : memref<80x64xf32, #tpu.memory_space<vmem>>) target(%dma_start3A_160 : memref<80x64xf32, #tpu.memory_space<vmem_shared>>) target_semaphore(%run_scoped3A : memref<!tpu.dma_semaphore, #tpu.memory_space<semaphore_mem>>)
        %dma_wait3A_161 = arith.constant 0 : i32
        %dma_wait3A_162 = tpu.memref_slice %arg12[%add3A_156, %dma_wait3A_161] : memref<10240x64xf32, #tpu.memory_space<vmem_shared>> -> memref<80x64xf32, #tpu.memory_space<vmem_shared>>
        %dma_wait3A_163 = arith.constant 0 : i32
        %dma_wait3A_164 = tpu.memref_slice %arg12[%add3A_156, %dma_wait3A_163] : memref<10240x64xf32, #tpu.memory_space<vmem_shared>> -> memref<80x64xf32, #tpu.memory_space<vmem_shared>>
        tpu.wait_dma2 semaphore(%run_scoped3A : memref<!tpu.dma_semaphore, #tpu.memory_space<semaphore_mem>>) src(%arg10 : memref<80x64xf32, #tpu.memory_space<vmem>>) dst(%dma_wait3A_164 : memref<80x64xf32, #tpu.memory_space<vmem_shared>>)
        tpu.yield
      }) : () -> ()
    }
    %scan3A_5 = arith.constant 8 : i32
    %barrier3A = arith.constant 0 : index
    tpu.barrier barrier_id(%barrier3A)
    %mul3A_6 = arith.constant 20000 : i32
    %mul3A_7 = arith.muli %arg1, %mul3A_6 : i32
    %mul3A_8 = arith.constant 10000 : i32
    %mul3A_9 = arith.muli %arg0, %mul3A_8 : i32
    %add3A = arith.constant 0 : i32
    %add3A_10 = arith.addi %mul3A_7, %add3A : i32
    %dma_start3A = arith.constant 0 : i32
    %dma_start3A_11 = tpu.memref_slice %arg2[%dma_start3A, %add3A_10] : memref<2x320000xi32, #tpu.memory_space<hbm>> -> memref<2x80xi32, #tpu.memory_space<hbm>>
    %dma_start3A_12 = arith.constant 0 : i32
    %dma_start3A_13 = tpu.memref_slice %arg2[%dma_start3A_12, %add3A_10] : memref<2x320000xi32, #tpu.memory_space<hbm>> -> memref<2x80xi32, #tpu.memory_space<hbm>>
    tpu.enqueue_dma source(%dma_start3A_13 : memref<2x80xi32, #tpu.memory_space<hbm>>) target(%arg6 : memref<2x80xi32, #tpu.memory_space<vmem>>) target_semaphore(%arg13 : memref<!tpu.dma_semaphore, #tpu.memory_space<semaphore_mem>>)
    %add3A_14 = arith.constant 80 : i32
    %add3A_15 = arith.addi %mul3A_7, %add3A_14 : i32
    %dma_start3A_16 = arith.constant 0 : i32
    %dma_start3A_17 = tpu.memref_slice %arg2[%dma_start3A_16, %add3A_15] : memref<2x320000xi32, #tpu.memory_space<hbm>> -> memref<2x80xi32, #tpu.memory_space<hbm>>
    %dma_start3A_18 = arith.constant 0 : i32
    %dma_start3A_19 = tpu.memref_slice %arg2[%dma_start3A_18, %add3A_15] : memref<2x320000xi32, #tpu.memory_space<hbm>> -> memref<2x80xi32, #tpu.memory_space<hbm>>
    tpu.enqueue_dma source(%dma_start3A_19 : memref<2x80xi32, #tpu.memory_space<hbm>>) target(%arg7 : memref<2x80xi32, #tpu.memory_space<vmem>>) target_semaphore(%arg14 : memref<!tpu.dma_semaphore, #tpu.memory_space<semaphore_mem>>)
    %add3A_20 = arith.constant 0 : i32
    %add3A_21 = arith.addi %mul3A_7, %add3A_20 : i32
    %dma_wait3A = arith.constant 0 : i32
    %dma_wait3A_22 = tpu.memref_slice %arg2[%dma_wait3A, %add3A_21] : memref<2x320000xi32, #tpu.memory_space<hbm>> -> memref<2x80xi32, #tpu.memory_space<hbm>>
    %dma_wait3A_23 = arith.constant 0 : i32
    %dma_wait3A_24 = tpu.memref_slice %arg2[%dma_wait3A_23, %add3A_21] : memref<2x320000xi32, #tpu.memory_space<hbm>> -> memref<2x80xi32, #tpu.memory_space<hbm>>
    tpu.wait_dma2 semaphore(%arg13 : memref<!tpu.dma_semaphore, #tpu.memory_space<semaphore_mem>>) src(%dma_wait3A_24 : memref<2x80xi32, #tpu.memory_space<hbm>>) dst(%arg6 : memref<2x80xi32, #tpu.memory_space<vmem>>)
    %get3A = arith.constant 0 : i32
    %get3A_25 = arith.index_cast %get3A : i32 to index
    %get3A_26 = arith.constant 0 : index
    %get3A_27 = tpu.vector_load %arg6[%get3A_25, %get3A_26] {strides = array<i32>} : memref<2x80xi32, #tpu.memory_space<vmem>>, vector<1x16xi32>,
    %get3A_28 = vector.shape_cast %get3A_27 : vector<1x16xi32> to vector<16xi32>
    %add3A_29 = vector.broadcast %mul3A_9 : i32 to vector<16xi32>
    %add3A_30 = arith.addi %get3A_28, %add3A_29 : vector<16xi32>
    %swap3A = arith.constant 0 : i32
    %swap3A_31 = arith.index_cast %swap3A : i32 to index
    %swap3A_32 = arith.constant 0 : index
    %swap3A_33 = tpu.vector_load %arg6[%swap3A_31, %swap3A_32] {strides = array<i32>} : memref<2x80xi32, #tpu.memory_space<vmem>>, vector<1x16xi32>,
    %swap3A_34 = vector.shape_cast %swap3A_33 : vector<1x16xi32> to vector<16xi32>
    %swap3A_35 = vector.shape_cast %add3A_30 : vector<16xi32> to vector<1x16xi32>
    tpu.vector_store %arg6[%swap3A_31, %swap3A_32], %swap3A_35 {strides = array<i32>} : memref<2x80xi32, #tpu.memory_space<vmem>>, vector<1x16xi32>,
    %get3A_36 = arith.constant 1 : i32
    %get3A_37 = arith.index_cast %get3A_36 : i32 to index
    %get3A_38 = arith.constant 0 : index
    %get3A_39 = tpu.vector_load %arg6[%get3A_37, %get3A_38] {strides = array<i32>} : memref<2x80xi32, #tpu.memory_space<vmem>>, vector<1x16xi32>,
    %get3A_40 = vector.shape_cast %get3A_39 : vector<1x16xi32> to vector<16xi32>
    %swap3A_41 = arith.constant 0 : index
    %swap3A_42 = tpu.vector_load %arg8[%swap3A_41] {strides = array<i32>} : memref<80xi32, #tpu.memory_space<vmem>>, vector<16xi32>,
    %swap3A_43 = vector.shape_cast %swap3A_42 : vector<16xi32> to vector<16xi32>
    %swap3A_44 = vector.shape_cast %get3A_40 : vector<16xi32> to vector<16xi32>
    tpu.vector_store %arg8[%swap3A_41], %swap3A_44 {strides = array<i32>} : memref<80xi32, #tpu.memory_space<vmem>>, vector<16xi32>,
    %get3A_45 = arith.constant 0 : i32
    %get3A_46 = arith.index_cast %get3A_45 : i32 to index
    %get3A_47 = arith.constant 16 : index
    %get3A_48 = tpu.vector_load %arg6[%get3A_46, %get3A_47] {strides = array<i32>} : memref<2x80xi32, #tpu.memory_space<vmem>>, vector<1x16xi32>,
    %get3A_49 = vector.shape_cast %get3A_48 : vector<1x16xi32> to vector<16xi32>
    %add3A_50 = vector.broadcast %mul3A_9 : i32 to vector<16xi32>
    %add3A_51 = arith.addi %get3A_49, %add3A_50 : vector<16xi32>
    %swap3A_52 = arith.constant 0 : i32
    %swap3A_53 = arith.index_cast %swap3A_52 : i32 to index
    %swap3A_54 = arith.constant 16 : index
    %swap3A_55 = tpu.vector_load %arg6[%swap3A_53, %swap3A_54] {strides = array<i32>} : memref<2x80xi32, #tpu.memory_space<vmem>>, vector<1x16xi32>,
    %swap3A_56 = vector.shape_cast %swap3A_55 : vector<1x16xi32> to vector<16xi32>
    %swap3A_57 = vector.shape_cast %add3A_51 : vector<16xi32> to vector<1x16xi32>
    tpu.vector_store %arg6[%swap3A_53, %swap3A_54], %swap3A_57 {strides = array<i32>} : memref<2x80xi32, #tpu.memory_space<vmem>>, vector<1x16xi32>,
    %get3A_58 = arith.constant 1 : i32
    %get3A_59 = arith.index_cast %get3A_58 : i32 to index
    %get3A_60 = arith.constant 16 : index
    %get3A_61 = tpu.vector_load %arg6[%get3A_59, %get3A_60] {strides = array<i32>} : memref<2x80xi32, #tpu.memory_space<vmem>>, vector<1x16xi32>,
    %get3A_62 = vector.shape_cast %get3A_61 : vector<1x16xi32> to vector<16xi32>
    %swap3A_63 = arith.constant 16 : index
    %swap3A_64 = tpu.vector_load %arg8[%swap3A_63] {strides = array<i32>} : memref<80xi32, #tpu.memory_space<vmem>>, vector<16xi32>,
    %swap3A_65 = vector.shape_cast %swap3A_64 : vector<16xi32> to vector<16xi32>
    %swap3A_66 = vector.shape_cast %get3A_62 : vector<16xi32> to vector<16xi32>
    tpu.vector_store %arg8[%swap3A_63], %swap3A_66 {strides = array<i32>} : memref<80xi32, #tpu.memory_space<vmem>>, vector<16xi32>,
    %get3A_67 = arith.constant 0 : i32
    %get3A_68 = arith.index_cast %get3A_67 : i32 to index
    %get3A_69 = arith.constant 32 : index
    %get3A_70 = tpu.vector_load %arg6[%get3A_68, %get3A_69] {strides = array<i32>} : memref<2x80xi32, #tpu.memory_space<vmem>>, vector<1x16xi32>,
    %get3A_71 = vector.shape_cast %get3A_70 : vector<1x16xi32> to vector<16xi32>
    %add3A_72 = vector.broadcast %mul3A_9 : i32 to vector<16xi32>
    %add3A_73 = arith.addi %get3A_71, %add3A_72 : vector<16xi32>
    %swap3A_74 = arith.constant 0 : i32
    %swap3A_75 = arith.index_cast %swap3A_74 : i32 to index
    %swap3A_76 = arith.constant 32 : index
    %swap3A_77 = tpu.vector_load %arg6[%swap3A_75, %swap3A_76] {strides = array<i32>} : memref<2x80xi32, #tpu.memory_space<vmem>>, vector<1x16xi32>,
    %swap3A_78 = vector.shape_cast %swap3A_77 : vector<1x16xi32> to vector<16xi32>
    %swap3A_79 = vector.shape_cast %add3A_73 : vector<16xi32> to vector<1x16xi32>
    tpu.vector_store %arg6[%swap3A_75, %swap3A_76], %swap3A_79 {strides = array<i32>} : memref<2x80xi32, #tpu.memory_space<vmem>>, vector<1x16xi32>,
    %get3A_80 = arith.constant 1 : i32
    %get3A_81 = arith.index_cast %get3A_80 : i32 to index
    %get3A_82 = arith.constant 32 : index
    %get3A_83 = tpu.vector_load %arg6[%get3A_81, %get3A_82] {strides = array<i32>} : memref<2x80xi32, #tpu.memory_space<vmem>>, vector<1x16xi32>,
    %get3A_84 = vector.shape_cast %get3A_83 : vector<1x16xi32> to vector<16xi32>
    %swap3A_85 = arith.constant 32 : index
    %swap3A_86 = tpu.vector_load %arg8[%swap3A_85] {strides = array<i32>} : memref<80xi32, #tpu.memory_space<vmem>>, vector<16xi32>,
    %swap3A_87 = vector.shape_cast %swap3A_86 : vector<16xi32> to vector<16xi32>
    %swap3A_88 = vector.shape_cast %get3A_84 : vector<16xi32> to vector<16xi32>
    tpu.vector_store %arg8[%swap3A_85], %swap3A_88 {strides = array<i32>} : memref<80xi32, #tpu.memory_space<vmem>>, vector<16xi32>,
    %get3A_89 = arith.constant 0 : i32
    %get3A_90 = arith.index_cast %get3A_89 : i32 to index
    %get3A_91 = arith.constant 48 : index
    %get3A_92 = tpu.vector_load %arg6[%get3A_90, %get3A_91] {strides = array<i32>} : memref<2x80xi32, #tpu.memory_space<vmem>>, vector<1x16xi32>,
    %get3A_93 = vector.shape_cast %get3A_92 : vector<1x16xi32> to vector<16xi32>
    %add3A_94 = vector.broadcast %mul3A_9 : i32 to vector<16xi32>
    %add3A_95 = arith.addi %get3A_93, %add3A_94 : vector<16xi32>
    %swap3A_96 = arith.constant 0 : i32
    %swap3A_97 = arith.index_cast %swap3A_96 : i32 to index
    %swap3A_98 = arith.constant 48 : index
    %swap3A_99 = tpu.vector_load %arg6[%swap3A_97, %swap3A_98] {strides = array<i32>} : memref<2x80xi32, #tpu.memory_space<vmem>>, vector<1x16xi32>,
    %swap3A_100 = vector.shape_cast %swap3A_99 : vector<1x16xi32> to vector<16xi32>
    %swap3A_101 = vector.shape_cast %add3A_95 : vector<16xi32> to vector<1x16xi32>
    tpu.vector_store %arg6[%swap3A_97, %swap3A_98], %swap3A_101 {strides = array<i32>} : memref<2x80xi32, #tpu.memory_space<vmem>>, vector<1x16xi32>,
    %get3A_102 = arith.constant 1 : i32
    %get3A_103 = arith.index_cast %get3A_102 : i32 to index
    %get3A_104 = arith.constant 48 : index
    %get3A_105 = tpu.vector_load %arg6[%get3A_103, %get3A_104] {strides = array<i32>} : memref<2x80xi32, #tpu.memory_space<vmem>>, vector<1x16xi32>,
    %get3A_106 = vector.shape_cast %get3A_105 : vector<1x16xi32> to vector<16xi32>
    %swap3A_107 = arith.constant 48 : index
    %swap3A_108 = tpu.vector_load %arg8[%swap3A_107] {strides = array<i32>} : memref<80xi32, #tpu.memory_space<vmem>>, vector<16xi32>,
    %swap3A_109 = vector.shape_cast %swap3A_108 : vector<16xi32> to vector<16xi32>
    %swap3A_110 = vector.shape_cast %get3A_106 : vector<16xi32> to vector<16xi32>
    tpu.vector_store %arg8[%swap3A_107], %swap3A_110 {strides = array<i32>} : memref<80xi32, #tpu.memory_space<vmem>>, vector<16xi32>,
    %get3A_111 = arith.constant 0 : i32
    %get3A_112 = arith.index_cast %get3A_111 : i32 to index
    %get3A_113 = arith.constant 64 : index
    %get3A_114 = tpu.vector_load %arg6[%get3A_112, %get3A_113] {strides = array<i32>} : memref<2x80xi32, #tpu.memory_space<vmem>>, vector<1x16xi32>,
    %get3A_115 = vector.shape_cast %get3A_114 : vector<1x16xi32> to vector<16xi32>
    %add3A_116 = vector.broadcast %mul3A_9 : i32 to vector<16xi32>
    %add3A_117 = arith.addi %get3A_115, %add3A_116 : vector<16xi32>
    %swap3A_118 = arith.constant 0 : i32
    %swap3A_119 = arith.index_cast %swap3A_118 : i32 to index
    %swap3A_120 = arith.constant 64 : index
    %swap3A_121 = tpu.vector_load %arg6[%swap3A_119, %swap3A_120] {strides = array<i32>} : memref<2x80xi32, #tpu.memory_space<vmem>>, vector<1x16xi32>,
    %swap3A_122 = vector.shape_cast %swap3A_121 : vector<1x16xi32> to vector<16xi32>
    %swap3A_123 = vector.shape_cast %add3A_117 : vector<16xi32> to vector<1x16xi32>
    tpu.vector_store %arg6[%swap3A_119, %swap3A_120], %swap3A_123 {strides = array<i32>} : memref<2x80xi32, #tpu.memory_space<vmem>>, vector<1x16xi32>,
    %get3A_124 = arith.constant 1 : i32
    %get3A_125 = arith.index_cast %get3A_124 : i32 to index
    %get3A_126 = arith.constant 64 : index
    %get3A_127 = tpu.vector_load %arg6[%get3A_125, %get3A_126] {strides = array<i32>} : memref<2x80xi32, #tpu.memory_space<vmem>>, vector<1x16xi32>,
    %get3A_128 = vector.shape_cast %get3A_127 : vector<1x16xi32> to vector<16xi32>
    %swap3A_129 = arith.constant 64 : index
    %swap3A_130 = tpu.vector_load %arg8[%swap3A_129] {strides = array<i32>} : memref<80xi32, #tpu.memory_space<vmem>>, vector<16xi32>,
    %swap3A_131 = vector.shape_cast %swap3A_130 : vector<16xi32> to vector<16xi32>
    %swap3A_132 = vector.shape_cast %get3A_128 : vector<16xi32> to vector<16xi32>
    tpu.vector_store %arg8[%swap3A_129], %swap3A_132 {strides = array<i32>} : memref<80xi32, #tpu.memory_space<vmem>>, vector<16xi32>,
    %dma_start3A_133 = arith.constant 0 : i32
    %dma_start3A_134 = arith.constant 0 : i32
    %dma_start3A_135 = tpu.memref_slice %arg6[%dma_start3A_133, %dma_start3A_134] : memref<2x80xi32, #tpu.memory_space<vmem>> -> memref<1x80xi32, #tpu.memory_space<vmem>>
    %dma_start3A_136 = tpu.memref_squeeze %dma_start3A_135 : memref<1x80xi32, #tpu.memory_space<vmem>> -> memref<80xi32, #tpu.memory_space<vmem>>
    %dma_start3A_137 = arith.constant 0 : i32
    %dma_start3A_138 = arith.constant 0 : i32
    %dma_start3A_139 = tpu.memref_slice %arg3[%dma_start3A_137, %dma_start3A_138] : memref<20000x64xf32, #tpu.memory_space<hbm>> -> memref<20000x64xf32, #tpu.memory_space<hbm>>
    tpu.enqueue_indirect_dma source(%dma_start3A_139 : memref<20000x64xf32, #tpu.memory_space<hbm>>) target(%arg10 : memref<80x64xf32, #tpu.memory_space<vmem>>) offsets(%dma_start3A_136 : memref<80xi32, #tpu.memory_space<vmem>>) semaphore(%arg15 : memref<!tpu.dma_semaphore, #tpu.memory_space<semaphore_mem>>)
    %scan3A_140 = arith.constant 0 : i32
    %scan3A_141 = arith.constant 0 : i32
    %scan3A_142 = arith.constant 125 : i32
    %scan3A_143 = arith.addi %scan3A_141, %scan3A_142 : i32
    %scan3A_144 = arith.constant 1 : i32
    scf.for %scan3A_153 = %scan3A_141 to %scan3A_143 step %scan3A_144  : i32 {
      %mul3A_154 = arith.constant 2 : i32
      %mul3A_155 = arith.muli %mul3A_154, %scan3A_153 : i32
      %add3A_156 = arith.constant 1 : i32
      %add3A_157 = arith.addi %mul3A_155, %add3A_156 : i32
      %mul3A_158 = arith.constant 80 : i32
      %mul3A_159 = arith.muli %add3A_157, %mul3A_158 : i32
      %add3A_160 = arith.addi %mul3A_7, %mul3A_159 : i32
      %dma_wait3A_161 = arith.constant 0 : i32
      %dma_wait3A_162 = tpu.memref_slice %arg2[%dma_wait3A_161, %add3A_160] : memref<2x320000xi32, #tpu.memory_space<hbm>> -> memref<2x80xi32, #tpu.memory_space<hbm>>
      %dma_wait3A_163 = arith.constant 0 : i32
      %dma_wait3A_164 = tpu.memref_slice %arg2[%dma_wait3A_163, %add3A_160] : memref<2x320000xi32, #tpu.memory_space<hbm>> -> memref<2x80xi32, #tpu.memory_space<hbm>>
      tpu.wait_dma2 semaphore(%arg14 : memref<!tpu.dma_semaphore, #tpu.memory_space<semaphore_mem>>) src(%dma_wait3A_164 : memref<2x80xi32, #tpu.memory_space<hbm>>) dst(%arg7 : memref<2x80xi32, #tpu.memory_space<vmem>>)
      %get3A_165 = arith.constant 0 : i32
      %get3A_166 = arith.index_cast %get3A_165 : i32 to index
      %get3A_167 = arith.constant 0 : index
      %get3A_168 = tpu.vector_load %arg7[%get3A_166, %get3A_167] {strides = array<i32>} : memref<2x80xi32, #tpu.memory_space<vmem>>, vector<1x16xi32>,
      %get3A_169 = vector.shape_cast %get3A_168 : vector<1x16xi32> to vector<16xi32>
      %add3A_170 = vector.broadcast %mul3A_9 : i32 to vector<16xi32>
      %add3A_171 = arith.addi %get3A_169, %add3A_170 : vector<16xi32>
      %swap3A_172 = arith.constant 0 : i32
      %swap3A_173 = arith.index_cast %swap3A_172 : i32 to index
      %swap3A_174 = arith.constant 0 : index
      %swap3A_175 = tpu.vector_load %arg7[%swap3A_173, %swap3A_174] {strides = array<i32>} : memref<2x80xi32, #tpu.memory_space<vmem>>, vector<1x16xi32>,
      %swap3A_176 = vector.shape_cast %swap3A_175 : vector<1x16xi32> to vector<16xi32>
      %swap3A_177 = vector.shape_cast %add3A_171 : vector<16xi32> to vector<1x16xi32>
      tpu.vector_store %arg7[%swap3A_173, %swap3A_174], %swap3A_177 {strides = array<i32>} : memref<2x80xi32, #tpu.memory_space<vmem>>, vector<1x16xi32>,
      %get3A_178 = arith.constant 1 : i32
      %get3A_179 = arith.index_cast %get3A_178 : i32 to index
      %get3A_180 = arith.constant 0 : index
      %get3A_181 = tpu.vector_load %arg7[%get3A_179, %get3A_180] {strides = array<i32>} : memref<2x80xi32, #tpu.memory_space<vmem>>, vector<1x16xi32>,
      %get3A_182 = vector.shape_cast %get3A_181 : vector<1x16xi32> to vector<16xi32>
      %swap3A_183 = arith.constant 0 : index
      %swap3A_184 = tpu.vector_load %arg9[%swap3A_183] {strides = array<i32>} : memref<80xi32, #tpu.memory_space<vmem>>, vector<16xi32>,
      %swap3A_185 = vector.shape_cast %swap3A_184 : vector<16xi32> to vector<16xi32>
      %swap3A_186 = vector.shape_cast %get3A_182 : vector<16xi32> to vector<16xi32>
      tpu.vector_store %arg9[%swap3A_183], %swap3A_186 {strides = array<i32>} : memref<80xi32, #tpu.memory_space<vmem>>, vector<16xi32>,
      %get3A_187 = arith.constant 0 : i32
      %get3A_188 = arith.index_cast %get3A_187 : i32 to index
      %get3A_189 = arith.constant 16 : index
      %get3A_190 = tpu.vector_load %arg7[%get3A_188, %get3A_189] {strides = array<i32>} : memref<2x80xi32, #tpu.memory_space<vmem>>, vector<1x16xi32>,
      %get3A_191 = vector.shape_cast %get3A_190 : vector<1x16xi32> to vector<16xi32>
      %add3A_192 = vector.broadcast %mul3A_9 : i32 to vector<16xi32>
      %add3A_193 = arith.addi %get3A_191, %add3A_192 : vector<16xi32>
      %swap3A_194 = arith.constant 0 : i32
      %swap3A_195 = arith.index_cast %swap3A_194 : i32 to index
      %swap3A_196 = arith.constant 16 : index
      %swap3A_197 = tpu.vector_load %arg7[%swap3A_195, %swap3A_196] {strides = array<i32>} : memref<2x80xi32, #tpu.memory_space<vmem>>, vector<1x16xi32>,
      %swap3A_198 = vector.shape_cast %swap3A_197 : vector<1x16xi32> to vector<16xi32>
      %swap3A_199 = vector.shape_cast %add3A_193 : vector<16xi32> to vector<1x16xi32>
      tpu.vector_store %arg7[%swap3A_195, %swap3A_196], %swap3A_199 {strides = array<i32>} : memref<2x80xi32, #tpu.memory_space<vmem>>, vector<1x16xi32>,
      %get3A_200 = arith.constant 1 : i32
      %get3A_201 = arith.index_cast %get3A_200 : i32 to index
      %get3A_202 = arith.constant 16 : index
      %get3A_203 = tpu.vector_load %arg7[%get3A_201, %get3A_202] {strides = array<i32>} : memref<2x80xi32, #tpu.memory_space<vmem>>, vector<1x16xi32>,
      %get3A_204 = vector.shape_cast %get3A_203 : vector<1x16xi32> to vector<16xi32>
      %swap3A_205 = arith.constant 16 : index
      %swap3A_206 = tpu.vector_load %arg9[%swap3A_205] {strides = array<i32>} : memref<80xi32, #tpu.memory_space<vmem>>, vector<16xi32>,
      %swap3A_207 = vector.shape_cast %swap3A_206 : vector<16xi32> to vector<16xi32>
      %swap3A_208 = vector.shape_cast %get3A_204 : vector<16xi32> to vector<16xi32>
      tpu.vector_store %arg9[%swap3A_205], %swap3A_208 {strides = array<i32>} : memref<80xi32, #tpu.memory_space<vmem>>, vector<16xi32>,
      %get3A_209 = arith.constant 0 : i32
      %get3A_210 = arith.index_cast %get3A_209 : i32 to index
      %get3A_211 = arith.constant 32 : index
      %get3A_212 = tpu.vector_load %arg7[%get3A_210, %get3A_211] {strides = array<i32>} : memref<2x80xi32, #tpu.memory_space<vmem>>, vector<1x16xi32>,
      %get3A_213 = vector.shape_cast %get3A_212 : vector<1x16xi32> to vector<16xi32>
      %add3A_214 = vector.broadcast %mul3A_9 : i32 to vector<16xi32>
      %add3A_215 = arith.addi %get3A_213, %add3A_214 : vector<16xi32>
      %swap3A_216 = arith.constant 0 : i32
      %swap3A_217 = arith.index_cast %swap3A_216 : i32 to index
      %swap3A_218 = arith.constant 32 : index
      %swap3A_219 = tpu.vector_load %arg7[%swap3A_217, %swap3A_218] {strides = array<i32>} : memref<2x80xi32, #tpu.memory_space<vmem>>, vector<1x16xi32>,
      %swap3A_220 = vector.shape_cast %swap3A_219 : vector<1x16xi32> to vector<16xi32>
      %swap3A_221 = vector.shape_cast %add3A_215 : vector<16xi32> to vector<1x16xi32>
      tpu.vector_store %arg7[%swap3A_217, %swap3A_218], %swap3A_221 {strides = array<i32>} : memref<2x80xi32, #tpu.memory_space<vmem>>, vector<1x16xi32>,
      %get3A_222 = arith.constant 1 : i32
      %get3A_223 = arith.index_cast %get3A_222 : i32 to index
      %get3A_224 = arith.constant 32 : index
      %get3A_225 = tpu.vector_load %arg7[%get3A_223, %get3A_224] {strides = array<i32>} : memref<2x80xi32, #tpu.memory_space<vmem>>, vector<1x16xi32>,
      %get3A_226 = vector.shape_cast %get3A_225 : vector<1x16xi32> to vector<16xi32>
      %swap3A_227 = arith.constant 32 : index
      %swap3A_228 = tpu.vector_load %arg9[%swap3A_227] {strides = array<i32>} : memref<80xi32, #tpu.memory_space<vmem>>, vector<16xi32>,
      %swap3A_229 = vector.shape_cast %swap3A_228 : vector<16xi32> to vector<16xi32>
      %swap3A_230 = vector.shape_cast %get3A_226 : vector<16xi32> to vector<16xi32>
      tpu.vector_store %arg9[%swap3A_227], %swap3A_230 {strides = array<i32>} : memref<80xi32, #tpu.memory_space<vmem>>, vector<16xi32>,
      %get3A_231 = arith.constant 0 : i32
      %get3A_232 = arith.index_cast %get3A_231 : i32 to index
      %get3A_233 = arith.constant 48 : index
      %get3A_234 = tpu.vector_load %arg7[%get3A_232, %get3A_233] {strides = array<i32>} : memref<2x80xi32, #tpu.memory_space<vmem>>, vector<1x16xi32>,
      %get3A_235 = vector.shape_cast %get3A_234 : vector<1x16xi32> to vector<16xi32>
      %add3A_236 = vector.broadcast %mul3A_9 : i32 to vector<16xi32>
      %add3A_237 = arith.addi %get3A_235, %add3A_236 : vector<16xi32>
      %swap3A_238 = arith.constant 0 : i32
      %swap3A_239 = arith.index_cast %swap3A_238 : i32 to index
      %swap3A_240 = arith.constant 48 : index
      %swap3A_241 = tpu.vector_load %arg7[%swap3A_239, %swap3A_240] {strides = array<i32>} : memref<2x80xi32, #tpu.memory_space<vmem>>, vector<1x16xi32>,
      %swap3A_242 = vector.shape_cast %swap3A_241 : vector<1x16xi32> to vector<16xi32>
      %swap3A_243 = vector.shape_cast %add3A_237 : vector<16xi32> to vector<1x16xi32>
      tpu.vector_store %arg7[%swap3A_239, %swap3A_240], %swap3A_243 {strides = array<i32>} : memref<2x80xi32, #tpu.memory_space<vmem>>, vector<1x16xi32>,
      %get3A_244 = arith.constant 1 : i32
      %get3A_245 = arith.index_cast %get3A_244 : i32 to index
      %get3A_246 = arith.constant 48 : index
      %get3A_247 = tpu.vector_load %arg7[%get3A_245, %get3A_246] {strides = array<i32>} : memref<2x80xi32, #tpu.memory_space<vmem>>, vector<1x16xi32>,
      %get3A_248 = vector.shape_cast %get3A_247 : vector<1x16xi32> to vector<16xi32>
      %swap3A_249 = arith.constant 48 : index
      %swap3A_250 = tpu.vector_load %arg9[%swap3A_249] {strides = array<i32>} : memref<80xi32, #tpu.memory_space<vmem>>, vector<16xi32>,
      %swap3A_251 = vector.shape_cast %swap3A_250 : vector<16xi32> to vector<16xi32>
      %swap3A_252 = vector.shape_cast %get3A_248 : vector<16xi32> to vector<16xi32>
      tpu.vector_store %arg9[%swap3A_249], %swap3A_252 {strides = array<i32>} : memref<80xi32, #tpu.memory_space<vmem>>, vector<16xi32>,
      %get3A_253 = arith.constant 0 : i32
      %get3A_254 = arith.index_cast %get3A_253 : i32 to index
      %get3A_255 = arith.constant 64 : index
      %get3A_256 = tpu.vector_load %arg7[%get3A_254, %get3A_255] {strides = array<i32>} : memref<2x80xi32, #tpu.memory_space<vmem>>, vector<1x16xi32>,
      %get3A_257 = vector.shape_cast %get3A_256 : vector<1x16xi32> to vector<16xi32>
      %add3A_258 = vector.broadcast %mul3A_9 : i32 to vector<16xi32>
      %add3A_259 = arith.addi %get3A_257, %add3A_258 : vector<16xi32>
      %swap3A_260 = arith.constant 0 : i32
      %swap3A_261 = arith.index_cast %swap3A_260 : i32 to index
      %swap3A_262 = arith.constant 64 : index
      %swap3A_263 = tpu.vector_load %arg7[%swap3A_261, %swap3A_262] {strides = array<i32>} : memref<2x80xi32, #tpu.memory_space<vmem>>, vector<1x16xi32>,
      %swap3A_264 = vector.shape_cast %swap3A_263 : vector<1x16xi32> to vector<16xi32>
      %swap3A_265 = vector.shape_cast %add3A_259 : vector<16xi32> to vector<1x16xi32>
      tpu.vector_store %arg7[%swap3A_261, %swap3A_262], %swap3A_265 {strides = array<i32>} : memref<2x80xi32, #tpu.memory_space<vmem>>, vector<1x16xi32>,
      %get3A_266 = arith.constant 1 : i32
      %get3A_267 = arith.index_cast %get3A_266 : i32 to index
      %get3A_268 = arith.constant 64 : index
      %get3A_269 = tpu.vector_load %arg7[%get3A_267, %get3A_268] {strides = array<i32>} : memref<2x80xi32, #tpu.memory_space<vmem>>, vector<1x16xi32>,
      %get3A_270 = vector.shape_cast %get3A_269 : vector<1x16xi32> to vector<16xi32>
      %swap3A_271 = arith.constant 64 : index
      %swap3A_272 = tpu.vector_load %arg9[%swap3A_271] {strides = array<i32>} : memref<80xi32, #tpu.memory_space<vmem>>, vector<16xi32>,
      %swap3A_273 = vector.shape_cast %swap3A_272 : vector<16xi32> to vector<16xi32>
      %swap3A_274 = vector.shape_cast %get3A_270 : vector<16xi32> to vector<16xi32>
      tpu.vector_store %arg9[%swap3A_271], %swap3A_274 {strides = array<i32>} : memref<80xi32, #tpu.memory_space<vmem>>, vector<16xi32>,
      %dma_start3A_275 = arith.constant 0 : i32
      %dma_start3A_276 = arith.constant 0 : i32
      %dma_start3A_277 = tpu.memref_slice %arg7[%dma_start3A_275, %dma_start3A_276] : memref<2x80xi32, #tpu.memory_space<vmem>> -> memref<1x80xi32, #tpu.memory_space<vmem>>
      %dma_start3A_278 = tpu.memref_squeeze %dma_start3A_277 : memref<1x80xi32, #tpu.memory_space<vmem>> -> memref<80xi32, #tpu.memory_space<vmem>>
      %dma_start3A_279 = arith.constant 0 : i32
      %dma_start3A_280 = arith.constant 0 : i32
      %dma_start3A_281 = tpu.memref_slice %arg3[%dma_start3A_279, %dma_start3A_280] : memref<20000x64xf32, #tpu.memory_space<hbm>> -> memref<20000x64xf32, #tpu.memory_space<hbm>>
      tpu.enqueue_indirect_dma source(%dma_start3A_281 : memref<20000x64xf32, #tpu.memory_space<hbm>>) target(%arg11 : memref<80x64xf32, #tpu.memory_space<vmem>>) offsets(%dma_start3A_278 : memref<80xi32, #tpu.memory_space<vmem>>) semaphore(%arg16 : memref<!tpu.dma_semaphore, #tpu.memory_space<semaphore_mem>>)
      %dma_wait3A_282 = arith.constant 0 : i32
      %dma_wait3A_283 = arith.constant 0 : i32
      %dma_wait3A_284 = tpu.memref_slice %arg6[%dma_wait3A_282, %dma_wait3A_283] : memref<2x80xi32, #tpu.memory_space<vmem>> -> memref<1x80xi32, #tpu.memory_space<vmem>>
      %dma_wait3A_285 = tpu.memref_squeeze %dma_wait3A_284 : memref<1x80xi32, #tpu.memory_space<vmem>> -> memref<80xi32, #tpu.memory_space<vmem>>
      %dma_wait3A_286 = arith.constant 0 : i32
      %dma_wait3A_287 = arith.constant 0 : i32
      %dma_wait3A_288 = tpu.memref_slice %arg3[%dma_wait3A_286, %dma_wait3A_287] : memref<20000x64xf32, #tpu.memory_space<hbm>> -> memref<20000x64xf32, #tpu.memory_space<hbm>>
      tpu.wait_indirect_dma semaphore(%arg15 : memref<!tpu.dma_semaphore, #tpu.memory_space<semaphore_mem>>) src(%dma_wait3A_288 : memref<20000x64xf32, #tpu.memory_space<hbm>>) dst(%arg10 : memref<80x64xf32, #tpu.memory_space<vmem>>)
      %add3A_289 = arith.constant 2 : i32
      %add3A_290 = arith.addi %mul3A_155, %add3A_289 : i32
      %lt3A = arith.constant 250 : i32
      %lt3A_291 = arith.cmpi slt, %add3A_290, %lt3A : i32
      %convert_element_type3A = arith.extui %lt3A_291 : i1 to i32
      %cond3A = arith.constant 0 : i32
      %cond3A_292 = arith.cmpi ne, %convert_element_type3A, %cond3A : i32
      scf.if %cond3A_292 {
        %add3A_314 = arith.constant 2 : i32
        %add3A_315 = arith.addi %mul3A_155, %add3A_314 : i32
        %mul3A_316 = arith.constant 80 : i32
        %mul3A_317 = arith.muli %add3A_315, %mul3A_316 : i32
        %add3A_318 = arith.addi %mul3A_7, %mul3A_317 : i32
        %dma_start3A_319 = arith.constant 0 : i32
        %dma_start3A_320 = tpu.memref_slice %arg2[%dma_start3A_319, %add3A_318] : memref<2x320000xi32, #tpu.memory_space<hbm>> -> memref<2x80xi32, #tpu.memory_space<hbm>>
        %dma_start3A_321 = arith.constant 0 : i32
        %dma_start3A_322 = tpu.memref_slice %arg2[%dma_start3A_321, %add3A_318] : memref<2x320000xi32, #tpu.memory_space<hbm>> -> memref<2x80xi32, #tpu.memory_space<hbm>>
        tpu.enqueue_dma source(%dma_start3A_322 : memref<2x80xi32, #tpu.memory_space<hbm>>) target(%arg6 : memref<2x80xi32, #tpu.memory_space<vmem>>) target_semaphore(%arg13 : memref<!tpu.dma_semaphore, #tpu.memory_space<semaphore_mem>>)
      } else {
      }
      "tpu.region"() ({
        %run_scoped3A = tpu.sem_alloc : memref<!tpu.dma_semaphore, #tpu.memory_space<semaphore_mem>>
        %dma_start3A_314 = arith.constant 0 : i32
        %dma_start3A_315 = arith.constant 0 : i32
        %dma_start3A_316 = tpu.memref_slice %arg12[%dma_start3A_314, %dma_start3A_315] : memref<10240x64xf32, #tpu.memory_space<vmem_shared>> -> memref<10240x64xf32, #tpu.memory_space<vmem_shared>>
        tpu.enqueue_indirect_dma source(%arg10 : memref<80x64xf32, #tpu.memory_space<vmem>>) target(%dma_start3A_316 : memref<10240x64xf32, #tpu.memory_space<vmem_shared>>) offsets(%arg8 : memref<80xi32, #tpu.memory_space<vmem>>) semaphore(%run_scoped3A : memref<!tpu.dma_semaphore, #tpu.memory_space<semaphore_mem>>) {add = true}
        %dma_wait3A_317 = arith.constant 0 : i32
        %dma_wait3A_318 = arith.constant 0 : i32
        %dma_wait3A_319 = tpu.memref_slice %arg12[%dma_wait3A_317, %dma_wait3A_318] : memref<10240x64xf32, #tpu.memory_space<vmem_shared>> -> memref<10240x64xf32, #tpu.memory_space<vmem_shared>>
        tpu.wait_indirect_dma semaphore(%run_scoped3A : memref<!tpu.dma_semaphore, #tpu.memory_space<semaphore_mem>>) src(%arg10 : memref<80x64xf32, #tpu.memory_space<vmem>>) dst(%dma_wait3A_319 : memref<10240x64xf32, #tpu.memory_space<vmem_shared>>)
        tpu.yield
      }) : () -> ()
      %add3A_293 = arith.constant 2 : i32
      %add3A_294 = arith.addi %mul3A_155, %add3A_293 : i32
      %lt3A_295 = arith.constant 250 : i32
      %lt3A_296 = arith.cmpi slt, %add3A_294, %lt3A_295 : i32
      %convert_element_type3A_297 = arith.extui %lt3A_296 : i1 to i32
      %cond3A_298 = arith.constant 0 : i32
      %cond3A_299 = arith.cmpi ne, %convert_element_type3A_297, %cond3A_298 : i32
      scf.if %cond3A_299 {
        %add3A_314 = arith.constant 2 : i32
        %add3A_315 = arith.addi %mul3A_155, %add3A_314 : i32
        %mul3A_316 = arith.constant 80 : i32
        %mul3A_317 = arith.muli %add3A_315, %mul3A_316 : i32
        %add3A_318 = arith.addi %mul3A_7, %mul3A_317 : i32
        %dma_wait3A_319 = arith.constant 0 : i32
        %dma_wait3A_320 = tpu.memref_slice %arg2[%dma_wait3A_319, %add3A_318] : memref<2x320000xi32, #tpu.memory_space<hbm>> -> memref<2x80xi32, #tpu.memory_space<hbm>>
        %dma_wait3A_321 = arith.constant 0 : i32
        %dma_wait3A_322 = tpu.memref_slice %arg2[%dma_wait3A_321, %add3A_318] : memref<2x320000xi32, #tpu.memory_space<hbm>> -> memref<2x80xi32, #tpu.memory_space<hbm>>
        tpu.wait_dma2 semaphore(%arg13 : memref<!tpu.dma_semaphore, #tpu.memory_space<semaphore_mem>>) src(%dma_wait3A_322 : memref<2x80xi32, #tpu.memory_space<hbm>>) dst(%arg6 : memref<2x80xi32, #tpu.memory_space<vmem>>)
        %get3A_323 = arith.constant 0 : i32
        %get3A_324 = arith.index_cast %get3A_323 : i32 to index
        %get3A_325 = arith.constant 0 : index
        %get3A_326 = tpu.vector_load %arg6[%get3A_324, %get3A_325] {strides = array<i32>} : memref<2x80xi32, #tpu.memory_space<vmem>>, vector<1x16xi32>,
        %get3A_327 = vector.shape_cast %get3A_326 : vector<1x16xi32> to vector<16xi32>
        %add3A_328 = vector.broadcast %mul3A_9 : i32 to vector<16xi32>
        %add3A_329 = arith.addi %get3A_327, %add3A_328 : vector<16xi32>
        %swap3A_330 = arith.constant 0 : i32
        %swap3A_331 = arith.index_cast %swap3A_330 : i32 to index
        %swap3A_332 = arith.constant 0 : index
        %swap3A_333 = tpu.vector_load %arg6[%swap3A_331, %swap3A_332] {strides = array<i32>} : memref<2x80xi32, #tpu.memory_space<vmem>>, vector<1x16xi32>,
        %swap3A_334 = vector.shape_cast %swap3A_333 : vector<1x16xi32> to vector<16xi32>
        %swap3A_335 = vector.shape_cast %add3A_329 : vector<16xi32> to vector<1x16xi32>
        tpu.vector_store %arg6[%swap3A_331, %swap3A_332], %swap3A_335 {strides = array<i32>} : memref<2x80xi32, #tpu.memory_space<vmem>>, vector<1x16xi32>,
        %get3A_336 = arith.constant 1 : i32
        %get3A_337 = arith.index_cast %get3A_336 : i32 to index
        %get3A_338 = arith.constant 0 : index
        %get3A_339 = tpu.vector_load %arg6[%get3A_337, %get3A_338] {strides = array<i32>} : memref<2x80xi32, #tpu.memory_space<vmem>>, vector<1x16xi32>,
        %get3A_340 = vector.shape_cast %get3A_339 : vector<1x16xi32> to vector<16xi32>
        %swap3A_341 = arith.constant 0 : index
        %swap3A_342 = tpu.vector_load %arg8[%swap3A_341] {strides = array<i32>} : memref<80xi32, #tpu.memory_space<vmem>>, vector<16xi32>,
        %swap3A_343 = vector.shape_cast %swap3A_342 : vector<16xi32> to vector<16xi32>
        %swap3A_344 = vector.shape_cast %get3A_340 : vector<16xi32> to vector<16xi32>
        tpu.vector_store %arg8[%swap3A_341], %swap3A_344 {strides = array<i32>} : memref<80xi32, #tpu.memory_space<vmem>>, vector<16xi32>,
        %get3A_345 = arith.constant 0 : i32
        %get3A_346 = arith.index_cast %get3A_345 : i32 to index
        %get3A_347 = arith.constant 16 : index
        %get3A_348 = tpu.vector_load %arg6[%get3A_346, %get3A_347] {strides = array<i32>} : memref<2x80xi32, #tpu.memory_space<vmem>>, vector<1x16xi32>,
        %get3A_349 = vector.shape_cast %get3A_348 : vector<1x16xi32> to vector<16xi32>
        %add3A_350 = vector.broadcast %mul3A_9 : i32 to vector<16xi32>
        %add3A_351 = arith.addi %get3A_349, %add3A_350 : vector<16xi32>
        %swap3A_352 = arith.constant 0 : i32
        %swap3A_353 = arith.index_cast %swap3A_352 : i32 to index
        %swap3A_354 = arith.constant 16 : index
        %swap3A_355 = tpu.vector_load %arg6[%swap3A_353, %swap3A_354] {strides = array<i32>} : memref<2x80xi32, #tpu.memory_space<vmem>>, vector<1x16xi32>,
        %swap3A_356 = vector.shape_cast %swap3A_355 : vector<1x16xi32> to vector<16xi32>
        %swap3A_357 = vector.shape_cast %add3A_351 : vector<16xi32> to vector<1x16xi32>
        tpu.vector_store %arg6[%swap3A_353, %swap3A_354], %swap3A_357 {strides = array<i32>} : memref<2x80xi32, #tpu.memory_space<vmem>>, vector<1x16xi32>,
        %get3A_358 = arith.constant 1 : i32
        %get3A_359 = arith.index_cast %get3A_358 : i32 to index
        %get3A_360 = arith.constant 16 : index
        %get3A_361 = tpu.vector_load %arg6[%get3A_359, %get3A_360] {strides = array<i32>} : memref<2x80xi32, #tpu.memory_space<vmem>>, vector<1x16xi32>,
        %get3A_362 = vector.shape_cast %get3A_361 : vector<1x16xi32> to vector<16xi32>
        %swap3A_363 = arith.constant 16 : index
        %swap3A_364 = tpu.vector_load %arg8[%swap3A_363] {strides = array<i32>} : memref<80xi32, #tpu.memory_space<vmem>>, vector<16xi32>,
        %swap3A_365 = vector.shape_cast %swap3A_364 : vector<16xi32> to vector<16xi32>
        %swap3A_366 = vector.shape_cast %get3A_362 : vector<16xi32> to vector<16xi32>
        tpu.vector_store %arg8[%swap3A_363], %swap3A_366 {strides = array<i32>} : memref<80xi32, #tpu.memory_space<vmem>>, vector<16xi32>,
        %get3A_367 = arith.constant 0 : i32
        %get3A_368 = arith.index_cast %get3A_367 : i32 to index
        %get3A_369 = arith.constant 32 : index
        %get3A_370 = tpu.vector_load %arg6[%get3A_368, %get3A_369] {strides = array<i32>} : memref<2x80xi32, #tpu.memory_space<vmem>>, vector<1x16xi32>,
        %get3A_371 = vector.shape_cast %get3A_370 : vector<1x16xi32> to vector<16xi32>
        %add3A_372 = vector.broadcast %mul3A_9 : i32 to vector<16xi32>
        %add3A_373 = arith.addi %get3A_371, %add3A_372 : vector<16xi32>
        %swap3A_374 = arith.constant 0 : i32
        %swap3A_375 = arith.index_cast %swap3A_374 : i32 to index
        %swap3A_376 = arith.constant 32 : index
        %swap3A_377 = tpu.vector_load %arg6[%swap3A_375, %swap3A_376] {strides = array<i32>} : memref<2x80xi32, #tpu.memory_space<vmem>>, vector<1x16xi32>,
        %swap3A_378 = vector.shape_cast %swap3A_377 : vector<1x16xi32> to vector<16xi32>
        %swap3A_379 = vector.shape_cast %add3A_373 : vector<16xi32> to vector<1x16xi32>
        tpu.vector_store %arg6[%swap3A_375, %swap3A_376], %swap3A_379 {strides = array<i32>} : memref<2x80xi32, #tpu.memory_space<vmem>>, vector<1x16xi32>,
        %get3A_380 = arith.constant 1 : i32
        %get3A_381 = arith.index_cast %get3A_380 : i32 to index
        %get3A_382 = arith.constant 32 : index
        %get3A_383 = tpu.vector_load %arg6[%get3A_381, %get3A_382] {strides = array<i32>} : memref<2x80xi32, #tpu.memory_space<vmem>>, vector<1x16xi32>,
        %get3A_384 = vector.shape_cast %get3A_383 : vector<1x16xi32> to vector<16xi32>
        %swap3A_385 = arith.constant 32 : index
        %swap3A_386 = tpu.vector_load %arg8[%swap3A_385] {strides = array<i32>} : memref<80xi32, #tpu.memory_space<vmem>>, vector<16xi32>,
        %swap3A_387 = vector.shape_cast %swap3A_386 : vector<16xi32> to vector<16xi32>
        %swap3A_388 = vector.shape_cast %get3A_384 : vector<16xi32> to vector<16xi32>
        tpu.vector_store %arg8[%swap3A_385], %swap3A_388 {strides = array<i32>} : memref<80xi32, #tpu.memory_space<vmem>>, vector<16xi32>,
        %get3A_389 = arith.constant 0 : i32
        %get3A_390 = arith.index_cast %get3A_389 : i32 to index
        %get3A_391 = arith.constant 48 : index
        %get3A_392 = tpu.vector_load %arg6[%get3A_390, %get3A_391] {strides = array<i32>} : memref<2x80xi32, #tpu.memory_space<vmem>>, vector<1x16xi32>,
        %get3A_393 = vector.shape_cast %get3A_392 : vector<1x16xi32> to vector<16xi32>
        %add3A_394 = vector.broadcast %mul3A_9 : i32 to vector<16xi32>
        %add3A_395 = arith.addi %get3A_393, %add3A_394 : vector<16xi32>
        %swap3A_396 = arith.constant 0 : i32
        %swap3A_397 = arith.index_cast %swap3A_396 : i32 to index
        %swap3A_398 = arith.constant 48 : index
        %swap3A_399 = tpu.vector_load %arg6[%swap3A_397, %swap3A_398] {strides = array<i32>} : memref<2x80xi32, #tpu.memory_space<vmem>>, vector<1x16xi32>,
        %swap3A_400 = vector.shape_cast %swap3A_399 : vector<1x16xi32> to vector<16xi32>
        %swap3A_401 = vector.shape_cast %add3A_395 : vector<16xi32> to vector<1x16xi32>
        tpu.vector_store %arg6[%swap3A_397, %swap3A_398], %swap3A_401 {strides = array<i32>} : memref<2x80xi32, #tpu.memory_space<vmem>>, vector<1x16xi32>,
        %get3A_402 = arith.constant 1 : i32
        %get3A_403 = arith.index_cast %get3A_402 : i32 to index
        %get3A_404 = arith.constant 48 : index
        %get3A_405 = tpu.vector_load %arg6[%get3A_403, %get3A_404] {strides = array<i32>} : memref<2x80xi32, #tpu.memory_space<vmem>>, vector<1x16xi32>,
        %get3A_406 = vector.shape_cast %get3A_405 : vector<1x16xi32> to vector<16xi32>
        %swap3A_407 = arith.constant 48 : index
        %swap3A_408 = tpu.vector_load %arg8[%swap3A_407] {strides = array<i32>} : memref<80xi32, #tpu.memory_space<vmem>>, vector<16xi32>,
        %swap3A_409 = vector.shape_cast %swap3A_408 : vector<16xi32> to vector<16xi32>
        %swap3A_410 = vector.shape_cast %get3A_406 : vector<16xi32> to vector<16xi32>
        tpu.vector_store %arg8[%swap3A_407], %swap3A_410 {strides = array<i32>} : memref<80xi32, #tpu.memory_space<vmem>>, vector<16xi32>,
        %get3A_411 = arith.constant 0 : i32
        %get3A_412 = arith.index_cast %get3A_411 : i32 to index
        %get3A_413 = arith.constant 64 : index
        %get3A_414 = tpu.vector_load %arg6[%get3A_412, %get3A_413] {strides = array<i32>} : memref<2x80xi32, #tpu.memory_space<vmem>>, vector<1x16xi32>,
        %get3A_415 = vector.shape_cast %get3A_414 : vector<1x16xi32> to vector<16xi32>
        %add3A_416 = vector.broadcast %mul3A_9 : i32 to vector<16xi32>
        %add3A_417 = arith.addi %get3A_415, %add3A_416 : vector<16xi32>
        %swap3A_418 = arith.constant 0 : i32
        %swap3A_419 = arith.index_cast %swap3A_418 : i32 to index
        %swap3A_420 = arith.constant 64 : index
        %swap3A_421 = tpu.vector_load %arg6[%swap3A_419, %swap3A_420] {strides = array<i32>} : memref<2x80xi32, #tpu.memory_space<vmem>>, vector<1x16xi32>,
        %swap3A_422 = vector.shape_cast %swap3A_421 : vector<1x16xi32> to vector<16xi32>
        %swap3A_423 = vector.shape_cast %add3A_417 : vector<16xi32> to vector<1x16xi32>
        tpu.vector_store %arg6[%swap3A_419, %swap3A_420], %swap3A_423 {strides = array<i32>} : memref<2x80xi32, #tpu.memory_space<vmem>>, vector<1x16xi32>,
        %get3A_424 = arith.constant 1 : i32
        %get3A_425 = arith.index_cast %get3A_424 : i32 to index
        %get3A_426 = arith.constant 64 : index
        %get3A_427 = tpu.vector_load %arg6[%get3A_425, %get3A_426] {strides = array<i32>} : memref<2x80xi32, #tpu.memory_space<vmem>>, vector<1x16xi32>,
        %get3A_428 = vector.shape_cast %get3A_427 : vector<1x16xi32> to vector<16xi32>
        %swap3A_429 = arith.constant 64 : index
        %swap3A_430 = tpu.vector_load %arg8[%swap3A_429] {strides = array<i32>} : memref<80xi32, #tpu.memory_space<vmem>>, vector<16xi32>,
        %swap3A_431 = vector.shape_cast %swap3A_430 : vector<16xi32> to vector<16xi32>
        %swap3A_432 = vector.shape_cast %get3A_428 : vector<16xi32> to vector<16xi32>
        tpu.vector_store %arg8[%swap3A_429], %swap3A_432 {strides = array<i32>} : memref<80xi32, #tpu.memory_space<vmem>>, vector<16xi32>,
        %dma_start3A_433 = arith.constant 0 : i32
        %dma_start3A_434 = arith.constant 0 : i32
        %dma_start3A_435 = tpu.memref_slice %arg6[%dma_start3A_433, %dma_start3A_434] : memref<2x80xi32, #tpu.memory_space<vmem>> -> memref<1x80xi32, #tpu.memory_space<vmem>>
        %dma_start3A_436 = tpu.memref_squeeze %dma_start3A_435 : memref<1x80xi32, #tpu.memory_space<vmem>> -> memref<80xi32, #tpu.memory_space<vmem>>
        %dma_start3A_437 = arith.constant 0 : i32
        %dma_start3A_438 = arith.constant 0 : i32
        %dma_start3A_439 = tpu.memref_slice %arg3[%dma_start3A_437, %dma_start3A_438] : memref<20000x64xf32, #tpu.memory_space<hbm>> -> memref<20000x64xf32, #tpu.memory_space<hbm>>
        tpu.enqueue_indirect_dma source(%dma_start3A_439 : memref<20000x64xf32, #tpu.memory_space<hbm>>) target(%arg10 : memref<80x64xf32, #tpu.memory_space<vmem>>) offsets(%dma_start3A_436 : memref<80xi32, #tpu.memory_space<vmem>>) semaphore(%arg15 : memref<!tpu.dma_semaphore, #tpu.memory_space<semaphore_mem>>)
      } else {
      }
      %dma_wait3A_300 = arith.constant 0 : i32
      %dma_wait3A_301 = arith.constant 0 : i32
      %dma_wait3A_302 = tpu.memref_slice %arg7[%dma_wait3A_300, %dma_wait3A_301] : memref<2x80xi32, #tpu.memory_space<vmem>> -> memref<1x80xi32, #tpu.memory_space<vmem>>
      %dma_wait3A_303 = tpu.memref_squeeze %dma_wait3A_302 : memref<1x80xi32, #tpu.memory_space<vmem>> -> memref<80xi32, #tpu.memory_space<vmem>>
      %dma_wait3A_304 = arith.constant 0 : i32
      %dma_wait3A_305 = arith.constant 0 : i32
      %dma_wait3A_306 = tpu.memref_slice %arg3[%dma_wait3A_304, %dma_wait3A_305] : memref<20000x64xf32, #tpu.memory_space<hbm>> -> memref<20000x64xf32, #tpu.memory_space<hbm>>
      tpu.wait_indirect_dma semaphore(%arg16 : memref<!tpu.dma_semaphore, #tpu.memory_space<semaphore_mem>>) src(%dma_wait3A_306 : memref<20000x64xf32, #tpu.memory_space<hbm>>) dst(%arg11 : memref<80x64xf32, #tpu.memory_space<vmem>>)
      %add3A_307 = arith.constant 3 : i32
      %add3A_308 = arith.addi %mul3A_155, %add3A_307 : i32
      %lt3A_309 = arith.constant 250 : i32
      %lt3A_310 = arith.cmpi slt, %add3A_308, %lt3A_309 : i32
      %convert_element_type3A_311 = arith.extui %lt3A_310 : i1 to i32
      %cond3A_312 = arith.constant 0 : i32
      %cond3A_313 = arith.cmpi ne, %convert_element_type3A_311, %cond3A_312 : i32
      scf.if %cond3A_313 {
        %add3A_314 = arith.constant 3 : i32
        %add3A_315 = arith.addi %mul3A_155, %add3A_314 : i32
        %mul3A_316 = arith.constant 80 : i32
        %mul3A_317 = arith.muli %add3A_315, %mul3A_316 : i32
        %add3A_318 = arith.addi %mul3A_7, %mul3A_317 : i32
        %dma_start3A_319 = arith.constant 0 : i32
        %dma_start3A_320 = tpu.memref_slice %arg2[%dma_start3A_319, %add3A_318] : memref<2x320000xi32, #tpu.memory_space<hbm>> -> memref<2x80xi32, #tpu.memory_space<hbm>>
        %dma_start3A_321 = arith.constant 0 : i32
        %dma_start3A_322 = tpu.memref_slice %arg2[%dma_start3A_321, %add3A_318] : memref<2x320000xi32, #tpu.memory_space<hbm>> -> memref<2x80xi32, #tpu.memory_space<hbm>>
        tpu.enqueue_dma source(%dma_start3A_322 : memref<2x80xi32, #tpu.memory_space<hbm>>) target(%arg7 : memref<2x80xi32, #tpu.memory_space<vmem>>) target_semaphore(%arg14 : memref<!tpu.dma_semaphore, #tpu.memory_space<semaphore_mem>>)
      } else {
      }
      "tpu.region"() ({
        %run_scoped3A = tpu.sem_alloc : memref<!tpu.dma_semaphore, #tpu.memory_space<semaphore_mem>>
        %dma_start3A_314 = arith.constant 0 : i32
        %dma_start3A_315 = arith.constant 0 : i32
        %dma_start3A_316 = tpu.memref_slice %arg12[%dma_start3A_314, %dma_start3A_315] : memref<10240x64xf32, #tpu.memory_space<vmem_shared>> -> memref<10240x64xf32, #tpu.memory_space<vmem_shared>>
        tpu.enqueue_indirect_dma source(%arg11 : memref<80x64xf32, #tpu.memory_space<vmem>>) target(%dma_start3A_316 : memref<10240x64xf32, #tpu.memory_space<vmem_shared>>) offsets(%arg9 : memref<80xi32, #tpu.memory_space<vmem>>) semaphore(%run_scoped3A : memref<!tpu.dma_semaphore, #tpu.memory_space<semaphore_mem>>) {add = true}
        %dma_wait3A_317 = arith.constant 0 : i32
        %dma_wait3A_318 = arith.constant 0 : i32
        %dma_wait3A_319 = tpu.memref_slice %arg12[%dma_wait3A_317, %dma_wait3A_318] : memref<10240x64xf32, #tpu.memory_space<vmem_shared>> -> memref<10240x64xf32, #tpu.memory_space<vmem_shared>>
        tpu.wait_indirect_dma semaphore(%run_scoped3A : memref<!tpu.dma_semaphore, #tpu.memory_space<semaphore_mem>>) src(%arg11 : memref<80x64xf32, #tpu.memory_space<vmem>>) dst(%dma_wait3A_319 : memref<10240x64xf32, #tpu.memory_space<vmem_shared>>)
        tpu.yield
      }) : () -> ()
    }
    %scan3A_145 = arith.constant 125 : i32
    %barrier3A_146 = arith.constant 0 : index
    tpu.barrier barrier_id(%barrier3A_146)
    %scan3A_147 = arith.constant 0 : i32
    %scan3A_148 = arith.constant 0 : i32
    %scan3A_149 = arith.constant 8 : i32
    %scan3A_150 = arith.addi %scan3A_148, %scan3A_149 : i32
    %scan3A_151 = arith.constant 1 : i32
    scf.for %scan3A_153 = %scan3A_148 to %scan3A_150 step %scan3A_151  : i32 {
      %mul3A_154 = arith.constant 80 : i32
      %mul3A_155 = arith.muli %scan3A_153, %mul3A_154 : i32
      %add3A_156 = arith.addi %mul3A_0, %mul3A_155 : i32
      "tpu.region"() ({
        %run_scoped3A = tpu.sem_alloc : memref<!tpu.dma_semaphore, #tpu.memory_space<semaphore_mem>>
        %dma_start3A_157 = arith.constant 0 : i32
        %dma_start3A_158 = tpu.memref_slice %arg12[%add3A_156, %dma_start3A_157] : memref<10240x64xf32, #tpu.memory_space<vmem_shared>> -> memref<80x64xf32, #tpu.memory_space<vmem_shared>>
        %dma_start3A_159 = arith.constant 0 : i32
        %dma_start3A_160 = tpu.memref_slice %arg12[%add3A_156, %dma_start3A_159] : memref<10240x64xf32, #tpu.memory_space<vmem_shared>> -> memref<80x64xf32, #tpu.memory_space<vmem_shared>>
        tpu.enqueue_dma source(%dma_start3A_160 : memref<80x64xf32, #tpu.memory_space<vmem_shared>>) target(%arg10 : memref<80x64xf32, #tpu.memory_space<vmem>>) target_semaphore(%run_scoped3A : memref<!tpu.dma_semaphore, #tpu.memory_space<semaphore_mem>>)
        %dma_wait3A_161 = arith.constant 0 : i32
        %dma_wait3A_162 = tpu.memref_slice %arg12[%add3A_156, %dma_wait3A_161] : memref<10240x64xf32, #tpu.memory_space<vmem_shared>> -> memref<80x64xf32, #tpu.memory_space<vmem_shared>>
        %dma_wait3A_163 = arith.constant 0 : i32
        %dma_wait3A_164 = tpu.memref_slice %arg12[%add3A_156, %dma_wait3A_163] : memref<10240x64xf32, #tpu.memory_space<vmem_shared>> -> memref<80x64xf32, #tpu.memory_space<vmem_shared>>
        tpu.wait_dma2 semaphore(%run_scoped3A : memref<!tpu.dma_semaphore, #tpu.memory_space<semaphore_mem>>) src(%dma_wait3A_164 : memref<80x64xf32, #tpu.memory_space<vmem_shared>>) dst(%arg10 : memref<80x64xf32, #tpu.memory_space<vmem>>)
        tpu.yield
      }) : () -> ()
      "tpu.region"() ({
        %run_scoped3A = tpu.sem_alloc : memref<!tpu.dma_semaphore, #tpu.memory_space<semaphore_mem>>
        %dma_start3A_157 = arith.constant 0 : i32
        %dma_start3A_158 = tpu.memref_slice %arg5[%arg0, %add3A_156, %dma_start3A_157] : memref<2x10240x64xf32, #tpu.memory_space<hbm>> -> memref<1x80x64xf32, #tpu.memory_space<hbm>>
        %dma_start3A_159 = tpu.memref_squeeze %dma_start3A_158 : memref<1x80x64xf32, #tpu.memory_space<hbm>> -> memref<80x64xf32, #tpu.memory_space<hbm>>
        %dma_start3A_160 = arith.constant 0 : i32
        %dma_start3A_161 = tpu.memref_slice %arg5[%arg0, %add3A_156, %dma_start3A_160] : memref<2x10240x64xf32, #tpu.memory_space<hbm>> -> memref<1x80x64xf32, #tpu.memory_space<hbm>>
        %dma_start3A_162 = tpu.memref_squeeze %dma_start3A_161 : memref<1x80x64xf32, #tpu.memory_space<hbm>> -> memref<80x64xf32, #tpu.memory_space<hbm>>
        tpu.enqueue_dma source(%arg10 : memref<80x64xf32, #tpu.memory_space<vmem>>) target(%dma_start3A_162 : memref<80x64xf32, #tpu.memory_space<hbm>>) target_semaphore(%run_scoped3A : memref<!tpu.dma_semaphore, #tpu.memory_space<semaphore_mem>>)
        %dma_wait3A_163 = arith.constant 0 : i32
        %dma_wait3A_164 = tpu.memref_slice %arg5[%arg0, %add3A_156, %dma_wait3A_163] : memref<2x10240x64xf32, #tpu.memory_space<hbm>> -> memref<1x80x64xf32, #tpu.memory_space<hbm>>
        %dma_wait3A_165 = tpu.memref_squeeze %dma_wait3A_164 : memref<1x80x64xf32, #tpu.memory_space<hbm>> -> memref<80x64xf32, #tpu.memory_space<hbm>>
        %dma_wait3A_166 = arith.constant 0 : i32
        %dma_wait3A_167 = tpu.memref_slice %arg5[%arg0, %add3A_156, %dma_wait3A_166] : memref<2x10240x64xf32, #tpu.memory_space<hbm>> -> memref<1x80x64xf32, #tpu.memory_space<hbm>>
        %dma_wait3A_168 = tpu.memref_squeeze %dma_wait3A_167 : memref<1x80x64xf32, #tpu.memory_space<hbm>> -> memref<80x64xf32, #tpu.memory_space<hbm>>
        tpu.wait_dma2 semaphore(%run_scoped3A : memref<!tpu.dma_semaphore, #tpu.memory_space<semaphore_mem>>) src(%arg10 : memref<80x64xf32, #tpu.memory_space<vmem>>) dst(%dma_wait3A_168 : memref<80x64xf32, #tpu.memory_space<hbm>>)
        tpu.yield
      }) : () -> ()
    }
    %scan3A_152 = arith.constant 8 : i32
    return
  }
}

module attributes {stable_mosaic.version = 14 : i64} {
  func.func @_b1_body(%arg0: i32, %arg1: memref<1000x64xf32, #tpu.memory_space<vmem>>, %arg2: memref<1000x64xf32, #tpu.memory_space<vmem>>, %arg3: memref<1000x16xf32, #tpu.memory_space<vmem>>, %arg4: memref<1000x16xf32, #tpu.memory_space<vmem>>, %arg5: memref<1000x128xf32, #tpu.memory_space<vmem>>, %arg6: memref<64x256xf32, #tpu.memory_space<vmem>>, %arg7: memref<64x256xf32, #tpu.memory_space<vmem>>, %arg8: memref<128x256xf32, #tpu.memory_space<vmem>>, %arg9: memref<1x256xf32, #tpu.memory_space<vmem>>, %arg10: memref<1000x256xf32, #tpu.memory_space<vmem>>, %arg11: memref<8x256xf32, #tpu.memory_space<vmem>>, %arg12: memref<8x256xf32, #tpu.memory_space<vmem>>) attributes {dimension_semantics = [#tpu.dimension_semantics<arbitrary>], iteration_bounds = array<i64: 10>, scalar_prefetch = 0 : i64, scratch_operands = 1 : i64, tpu.core_type = #tpu.core_type<tc>, window_params = [{transform_indices = @transform_0, window_bounds = array<i64: 1000, 64>}, {transform_indices = @transform_1, window_bounds = array<i64: 1000, 64>}, {transform_indices = @transform_2, window_bounds = array<i64: 1000, 16>}, {transform_indices = @transform_3, window_bounds = array<i64: 1000, 16>}, {transform_indices = @transform_4, window_bounds = array<i64: 1000, 128>}, {pipeline_mode = #tpu.pipeline_mode<synchronous>, transform_indices = @transform_5, window_bounds = array<i64: 64, 256>}, {pipeline_mode = #tpu.pipeline_mode<synchronous>, transform_indices = @transform_6, window_bounds = array<i64: 64, 256>}, {pipeline_mode = #tpu.pipeline_mode<synchronous>, transform_indices = @transform_7, window_bounds = array<i64: 128, 256>}, {pipeline_mode = #tpu.pipeline_mode<synchronous>, transform_indices = @transform_8, window_bounds = array<i64: 1, 256>}, {transform_indices = @transform_9, window_bounds = array<i64: 1000, 256>}, {pipeline_mode = #tpu.pipeline_mode<synchronous>, transform_indices = @transform_10, window_bounds = array<i64: 8, 256>}]} {
    %get3A = arith.constant 0 : index
    %get3A_0 = arith.constant 0 : index
    %get3A_1 = vector.load %arg3[%get3A, %get3A_0] : memref<1000x16xf32, #tpu.memory_space<vmem>>, vector<1000x16xf32>
    %get3A_2 = arith.constant 0 : index
    %get3A_3 = arith.constant 0 : index
    %get3A_4 = vector.load %arg4[%get3A_2, %get3A_3] : memref<1000x16xf32, #tpu.memory_space<vmem>>, vector<1000x16xf32>
    %add3A = arith.addf %get3A_1, %get3A_4 : vector<1000x16xf32>
    %reduce_max3A = arith.constant dense<0xFF800000> : vector<1000xf32>
    %reduce_max3A_5 = vector.multi_reduction <maximumf>, %add3A, %reduce_max3A [1] : vector<1000x16xf32> to vector<1000xf32>
    %broadcast_in_dim3A = vector.shape_cast %reduce_max3A_5 : vector<1000xf32> to vector<1000x1xf32>
    %max3A = arith.constant 1.000000e+00 : f32
    %max3A_6 = vector.broadcast %max3A : f32 to vector<1000x1xf32>
    %max3A_7 = arith.maximumf %broadcast_in_dim3A, %max3A_6 : vector<1000x1xf32>
    %div3A = arith.constant 1.000000e+00 : f32
    %div3A_8 = vector.broadcast %div3A : f32 to vector<1000x1xf32>
    %div3A_9 = arith.divf %div3A_8, %max3A_7 : vector<1000x1xf32>
    %get3A_10 = arith.constant 0 : index
    %get3A_11 = arith.constant 0 : index
    %get3A_12 = vector.load %arg1[%get3A_10, %get3A_11] : memref<1000x64xf32, #tpu.memory_space<vmem>>, vector<1000x64xf32>
    %mul3A = vector.broadcast %div3A_9 : vector<1000x1xf32> to vector<1000x64xf32>
    %mul3A_13 = arith.mulf %get3A_12, %mul3A : vector<1000x64xf32>
    %get3A_14 = arith.constant 0 : index
    %get3A_15 = arith.constant 0 : index
    %get3A_16 = vector.load %arg6[%get3A_14, %get3A_15] : memref<64x256xf32, #tpu.memory_space<vmem>>, vector<64x256xf32>
    %dot_general3A = arith.constant dense<0.000000e+00> : vector<1000x256xf32>
    %dot_general3A_17 = tpu.matmul %mul3A_13, %get3A_16, %dot_general3A {dimension_numbers = #tpu.dot_dimension_numbers<[1], [0], [0], [1], [0, 0, 1, 1], [], []>, transpose_lhs_hint = false} : vector<1000x64xf32>, vector<64x256xf32>, vector<1000x256xf32> -> vector<1000x256xf32>
    %get3A_18 = arith.constant 0 : index
    %get3A_19 = arith.constant 0 : index
    %get3A_20 = vector.load %arg2[%get3A_18, %get3A_19] : memref<1000x64xf32, #tpu.memory_space<vmem>>, vector<1000x64xf32>
    %mul3A_21 = vector.broadcast %div3A_9 : vector<1000x1xf32> to vector<1000x64xf32>
    %mul3A_22 = arith.mulf %get3A_20, %mul3A_21 : vector<1000x64xf32>
    %get3A_23 = arith.constant 0 : index
    %get3A_24 = arith.constant 0 : index
    %get3A_25 = vector.load %arg7[%get3A_23, %get3A_24] : memref<64x256xf32, #tpu.memory_space<vmem>>, vector<64x256xf32>
    %dot_general3A_26 = arith.constant dense<0.000000e+00> : vector<1000x256xf32>
    %dot_general3A_27 = tpu.matmul %mul3A_22, %get3A_25, %dot_general3A_26 {dimension_numbers = #tpu.dot_dimension_numbers<[1], [0], [0], [1], [0, 0, 1, 1], [], []>, transpose_lhs_hint = false} : vector<1000x64xf32>, vector<64x256xf32>, vector<1000x256xf32> -> vector<1000x256xf32>
    %add3A_28 = arith.addf %dot_general3A_17, %dot_general3A_27 : vector<1000x256xf32>
    %get3A_29 = arith.constant 0 : index
    %get3A_30 = arith.constant 0 : index
    %get3A_31 = vector.load %arg5[%get3A_29, %get3A_30] : memref<1000x128xf32, #tpu.memory_space<vmem>>, vector<1000x128xf32>
    %get3A_32 = arith.constant 0 : index
    %get3A_33 = arith.constant 0 : index
    %get3A_34 = vector.load %arg8[%get3A_32, %get3A_33] : memref<128x256xf32, #tpu.memory_space<vmem>>, vector<128x256xf32>
    %dot_general3A_35 = arith.constant dense<0.000000e+00> : vector<1000x256xf32>
    %dot_general3A_36 = tpu.matmul %get3A_31, %get3A_34, %dot_general3A_35 {dimension_numbers = #tpu.dot_dimension_numbers<[1], [0], [0], [1], [0, 0, 1, 1], [], []>, transpose_lhs_hint = false} : vector<1000x128xf32>, vector<128x256xf32>, vector<1000x256xf32> -> vector<1000x256xf32>
    %add3A_37 = arith.addf %add3A_28, %dot_general3A_36 : vector<1000x256xf32>
    %get3A_38 = arith.constant 0 : index
    %get3A_39 = arith.constant 0 : index
    %get3A_40 = vector.load %arg9[%get3A_38, %get3A_39] : memref<1x256xf32, #tpu.memory_space<vmem>>, vector<1x256xf32>
    %add3A_41 = vector.broadcast %get3A_40 : vector<1x256xf32> to vector<1000x256xf32>
    %add3A_42 = arith.addf %add3A_37, %add3A_41 : vector<1000x256xf32>
    %swap3A = arith.constant 0 : index
    %swap3A_43 = arith.constant 0 : index
    %swap3A_44 = vector.load %arg10[%swap3A, %swap3A_43] : memref<1000x256xf32, #tpu.memory_space<vmem>>, vector<1000x256xf32>
    tpu.vector_store %arg10[%swap3A, %swap3A_43], %add3A_42 {strides = array<i32>} : memref<1000x256xf32, #tpu.memory_space<vmem>>, vector<1000x256xf32>,
    %eq3A = arith.constant 0 : i32
    %eq3A_45 = arith.cmpi eq, %arg0, %eq3A : i32
    %convert_element_type3A = arith.extui %eq3A_45 : i1 to i32
    %cond3A = arith.constant 0 : i32
    %cond3A_46 = arith.cmpi ne, %convert_element_type3A, %cond3A : i32
    scf.if %cond3A_46 {
      %broadcast_in_dim3A_72 = arith.constant 0.000000e+00 : f32
      %broadcast_in_dim3A_73 = vector.broadcast %broadcast_in_dim3A_72 : f32 to vector<8x256xf32>
      %swap3A_74 = arith.constant 0 : index
      %swap3A_75 = arith.constant 0 : index
      %swap3A_76 = vector.load %arg12[%swap3A_74, %swap3A_75] : memref<8x256xf32, #tpu.memory_space<vmem>>, vector<8x256xf32>
      tpu.vector_store %arg12[%swap3A_74, %swap3A_75], %broadcast_in_dim3A_73 {strides = array<i32>} : memref<8x256xf32, #tpu.memory_space<vmem>>, vector<8x256xf32>,
    } else {
    }
    %get3A_47 = arith.constant 0 : index
    %get3A_48 = arith.constant 0 : index
    %get3A_49 = vector.load %arg12[%get3A_47, %get3A_48] : memref<8x256xf32, #tpu.memory_space<vmem>>, vector<1x256xf32>
    %reduce_sum3A = arith.constant dense<0.000000e+00> : vector<256xf32>
    %reduce_sum3A_50 = vector.multi_reduction <add>, %add3A_42, %reduce_sum3A [0] : vector<1000x256xf32> to vector<256xf32>
    %broadcast_in_dim3A_51 = vector.shape_cast %reduce_sum3A_50 : vector<256xf32> to vector<1x256xf32>
    %add3A_52 = arith.addf %get3A_49, %broadcast_in_dim3A_51 : vector<1x256xf32>
    %swap3A_53 = arith.constant 0 : index
    %swap3A_54 = arith.constant 0 : index
    %swap3A_55 = vector.load %arg12[%swap3A_53, %swap3A_54] : memref<8x256xf32, #tpu.memory_space<vmem>>, vector<1x256xf32>
    tpu.vector_store %arg12[%swap3A_53, %swap3A_54], %add3A_52 {strides = array<i32>} : memref<8x256xf32, #tpu.memory_space<vmem>>, vector<1x256xf32>,
    %get3A_56 = arith.constant 1 : index
    %get3A_57 = arith.constant 0 : index
    %get3A_58 = vector.load %arg12[%get3A_56, %get3A_57] : memref<8x256xf32, #tpu.memory_space<vmem>>, vector<1x256xf32>
    %mul3A_59 = arith.mulf %add3A_42, %add3A_42 : vector<1000x256xf32>
    %reduce_sum3A_60 = arith.constant dense<0.000000e+00> : vector<256xf32>
    %reduce_sum3A_61 = vector.multi_reduction <add>, %mul3A_59, %reduce_sum3A_60 [0] : vector<1000x256xf32> to vector<256xf32>
    %broadcast_in_dim3A_62 = vector.shape_cast %reduce_sum3A_61 : vector<256xf32> to vector<1x256xf32>
    %add3A_63 = arith.addf %get3A_58, %broadcast_in_dim3A_62 : vector<1x256xf32>
    %swap3A_64 = arith.constant 1 : index
    %swap3A_65 = arith.constant 0 : index
    %swap3A_66 = vector.load %arg12[%swap3A_64, %swap3A_65] : memref<8x256xf32, #tpu.memory_space<vmem>>, vector<1x256xf32>
    tpu.vector_store %arg12[%swap3A_64, %swap3A_65], %add3A_63 {strides = array<i32>} : memref<8x256xf32, #tpu.memory_space<vmem>>, vector<1x256xf32>,
    %eq3A_67 = arith.constant 9 : i32
    %eq3A_68 = arith.cmpi eq, %arg0, %eq3A_67 : i32
    %convert_element_type3A_69 = arith.extui %eq3A_68 : i1 to i32
    %cond3A_70 = arith.constant 0 : i32
    %cond3A_71 = arith.cmpi ne, %convert_element_type3A_69, %cond3A_70 : i32
    scf.if %cond3A_71 {
      %get3A_72 = arith.constant 0 : index
      %get3A_73 = arith.constant 0 : index
      %get3A_74 = vector.load %arg12[%get3A_72, %get3A_73] : memref<8x256xf32, #tpu.memory_space<vmem>>, vector<8x256xf32>
      %swap3A_75 = arith.constant 0 : index
      %swap3A_76 = arith.constant 0 : index
      %swap3A_77 = vector.load %arg11[%swap3A_75, %swap3A_76] : memref<8x256xf32, #tpu.memory_space<vmem>>, vector<8x256xf32>
      tpu.vector_store %arg11[%swap3A_75, %swap3A_76], %get3A_74 {strides = array<i32>} : memref<8x256xf32, #tpu.memory_space<vmem>>, vector<8x256xf32>,
    } else {
    }
    return
  }
  func.func @transform_0(%arg0: i32) -> (i32, i32) {
    %c0_i32 = arith.constant 0 : i32
    %c0_i32_0 = arith.constant 0 : i32
    return %arg0, %c0_i32 : i32, i32
  }
  func.func @transform_1(%arg0: i32) -> (i32, i32) {
    %c0_i32 = arith.constant 0 : i32
    %c0_i32_0 = arith.constant 0 : i32
    return %arg0, %c0_i32 : i32, i32
  }
  func.func @transform_2(%arg0: i32) -> (i32, i32) {
    %c0_i32 = arith.constant 0 : i32
    %c0_i32_0 = arith.constant 0 : i32
    return %arg0, %c0_i32 : i32, i32
  }
  func.func @transform_3(%arg0: i32) -> (i32, i32) {
    %c0_i32 = arith.constant 0 : i32
    %c0_i32_0 = arith.constant 0 : i32
    return %arg0, %c0_i32 : i32, i32
  }
  func.func @transform_4(%arg0: i32) -> (i32, i32) {
    %c0_i32 = arith.constant 0 : i32
    %c0_i32_0 = arith.constant 0 : i32
    return %arg0, %c0_i32 : i32, i32
  }
  func.func @transform_5(%arg0: i32) -> (i32, i32) {
    %c0_i32 = arith.constant 0 : i32
    %c0_i32_0 = arith.constant 0 : i32
    %c0_i32_1 = arith.constant 0 : i32
    return %c0_i32, %c0_i32_0 : i32, i32
  }
  func.func @transform_6(%arg0: i32) -> (i32, i32) {
    %c0_i32 = arith.constant 0 : i32
    %c0_i32_0 = arith.constant 0 : i32
    %c0_i32_1 = arith.constant 0 : i32
    return %c0_i32, %c0_i32_0 : i32, i32
  }
  func.func @transform_7(%arg0: i32) -> (i32, i32) {
    %c0_i32 = arith.constant 0 : i32
    %c0_i32_0 = arith.constant 0 : i32
    %c0_i32_1 = arith.constant 0 : i32
    return %c0_i32, %c0_i32_0 : i32, i32
  }
  func.func @transform_8(%arg0: i32) -> (i32, i32) {
    %c0_i32 = arith.constant 0 : i32
    %c0_i32_0 = arith.constant 0 : i32
    %c0_i32_1 = arith.constant 0 : i32
    return %c0_i32, %c0_i32_0 : i32, i32
  }
  func.func @transform_9(%arg0: i32) -> (i32, i32) {
    %c0_i32 = arith.constant 0 : i32
    %c0_i32_0 = arith.constant 0 : i32
    return %arg0, %c0_i32 : i32, i32
  }
  func.func @transform_10(%arg0: i32) -> (i32, i32) {
    %c0_i32 = arith.constant 0 : i32
    %c0_i32_0 = arith.constant 0 : i32
    %c0_i32_1 = arith.constant 0 : i32
    return %c0_i32, %c0_i32_0 : i32, i32
  }
}

module attributes {stable_mosaic.version = 14 : i64} {
  func.func @_b2_body(%arg0: i32, %arg1: memref<1000x256xf32, #tpu.memory_space<vmem>>, %arg2: memref<8x256xf32, #tpu.memory_space<vmem>>, %arg3: memref<1x256xf32, #tpu.memory_space<vmem>>, %arg4: memref<1x256xf32, #tpu.memory_space<vmem>>, %arg5: memref<256x16xf32, #tpu.memory_space<vmem>>, %arg6: memref<256x16xf32, #tpu.memory_space<vmem>>, %arg7: memref<1000x16xf32, #tpu.memory_space<vmem>>, %arg8: memref<1000x16xf32, #tpu.memory_space<vmem>>) attributes {dimension_semantics = [#tpu.dimension_semantics<arbitrary>], iteration_bounds = array<i64: 10>, scalar_prefetch = 0 : i64, scratch_operands = 0 : i64, tpu.core_type = #tpu.core_type<tc>, window_params = [{transform_indices = @transform_0, window_bounds = array<i64: 1000, 256>}, {pipeline_mode = #tpu.pipeline_mode<synchronous>, transform_indices = @transform_1, window_bounds = array<i64: 8, 256>}, {pipeline_mode = #tpu.pipeline_mode<synchronous>, transform_indices = @transform_2, window_bounds = array<i64: 1, 256>}, {pipeline_mode = #tpu.pipeline_mode<synchronous>, transform_indices = @transform_3, window_bounds = array<i64: 1, 256>}, {pipeline_mode = #tpu.pipeline_mode<synchronous>, transform_indices = @transform_4, window_bounds = array<i64: 256, 16>}, {pipeline_mode = #tpu.pipeline_mode<synchronous>, transform_indices = @transform_5, window_bounds = array<i64: 256, 16>}, {transform_indices = @transform_6, window_bounds = array<i64: 1000, 16>}, {transform_indices = @transform_7, window_bounds = array<i64: 1000, 16>}]} {
    %get3A = arith.constant 0 : index
    %get3A_0 = arith.constant 0 : index
    %get3A_1 = vector.load %arg2[%get3A, %get3A_0] : memref<8x256xf32, #tpu.memory_space<vmem>>, vector<1x256xf32>
    %mul3A = arith.constant 9.99999974E-5 : f32
    %mul3A_2 = vector.broadcast %mul3A : f32 to vector<1x256xf32>
    %mul3A_3 = arith.mulf %get3A_1, %mul3A_2 : vector<1x256xf32>
    %get3A_4 = arith.constant 1 : index
    %get3A_5 = arith.constant 0 : index
    %get3A_6 = vector.load %arg2[%get3A_4, %get3A_5] : memref<8x256xf32, #tpu.memory_space<vmem>>, vector<1x256xf32>
    %mul3A_7 = arith.constant 9.99999974E-5 : f32
    %mul3A_8 = vector.broadcast %mul3A_7 : f32 to vector<1x256xf32>
    %mul3A_9 = arith.mulf %get3A_6, %mul3A_8 : vector<1x256xf32>
    %mul3A_10 = arith.mulf %mul3A_3, %mul3A_3 : vector<1x256xf32>
    %sub3A = arith.subf %mul3A_9, %mul3A_10 : vector<1x256xf32>
    %get3A_11 = arith.constant 0 : index
    %get3A_12 = arith.constant 0 : index
    %get3A_13 = vector.load %arg1[%get3A_11, %get3A_12] : memref<1000x256xf32, #tpu.memory_space<vmem>>, vector<1000x256xf32>
    %sub3A_14 = vector.broadcast %mul3A_3 : vector<1x256xf32> to vector<1000x256xf32>
    %sub3A_15 = arith.subf %get3A_13, %sub3A_14 : vector<1000x256xf32>
    %add3A = arith.constant 9.99999974E-6 : f32
    %add3A_16 = vector.broadcast %add3A : f32 to vector<1x256xf32>
    %add3A_17 = arith.addf %sub3A, %add3A_16 : vector<1x256xf32>
    %rsqrt3A = math.rsqrt %add3A_17 : vector<1x256xf32>
    %mul3A_18 = vector.broadcast %rsqrt3A : vector<1x256xf32> to vector<1000x256xf32>
    %mul3A_19 = arith.mulf %sub3A_15, %mul3A_18 : vector<1000x256xf32>
    %get3A_20 = arith.constant 0 : index
    %get3A_21 = arith.constant 0 : index
    %get3A_22 = vector.load %arg3[%get3A_20, %get3A_21] : memref<1x256xf32, #tpu.memory_space<vmem>>, vector<1x256xf32>
    %mul3A_23 = vector.broadcast %get3A_22 : vector<1x256xf32> to vector<1000x256xf32>
    %mul3A_24 = arith.mulf %mul3A_19, %mul3A_23 : vector<1000x256xf32>
    %get3A_25 = arith.constant 0 : index
    %get3A_26 = arith.constant 0 : index
    %get3A_27 = vector.load %arg4[%get3A_25, %get3A_26] : memref<1x256xf32, #tpu.memory_space<vmem>>, vector<1x256xf32>
    %add3A_28 = vector.broadcast %get3A_27 : vector<1x256xf32> to vector<1000x256xf32>
    %add3A_29 = arith.addf %mul3A_24, %add3A_28 : vector<1000x256xf32>
    %gt3A = arith.constant 0.000000e+00 : f32
    %gt3A_30 = vector.broadcast %gt3A : f32 to vector<1000x256xf32>
    %gt3A_31 = arith.cmpf ogt, %add3A_29, %gt3A_30 : vector<1000x256xf32>
    %min3A = arith.constant 0.000000e+00 : f32
    %min3A_32 = vector.broadcast %min3A : f32 to vector<1000x256xf32>
    %min3A_33 = arith.minimumf %add3A_29, %min3A_32 : vector<1000x256xf32>
    %exp3A = math.exp %min3A_33 : vector<1000x256xf32>
    %sub3A_34 = arith.constant 1.000000e+00 : f32
    %sub3A_35 = vector.broadcast %sub3A_34 : f32 to vector<1000x256xf32>
    %sub3A_36 = arith.subf %exp3A, %sub3A_35 : vector<1000x256xf32>
    %select_n3A = arith.select %gt3A_31, %add3A_29, %sub3A_36 : vector<1000x256xi1>, vector<1000x256xf32>
    %get3A_37 = arith.constant 0 : index
    %get3A_38 = arith.constant 0 : index
    %get3A_39 = vector.load %arg5[%get3A_37, %get3A_38] : memref<256x16xf32, #tpu.memory_space<vmem>>, vector<256x16xf32>
    %dot_general3A = arith.constant dense<0.000000e+00> : vector<1000x16xf32>
    %dot_general3A_40 = tpu.matmul %select_n3A, %get3A_39, %dot_general3A {dimension_numbers = #tpu.dot_dimension_numbers<[1], [0], [0], [1], [0, 0, 1, 1], [], []>, transpose_lhs_hint = false} : vector<1000x256xf32>, vector<256x16xf32>, vector<1000x16xf32> -> vector<1000x16xf32>
    %swap3A = arith.constant 0 : index
    %swap3A_41 = arith.constant 0 : index
    %swap3A_42 = vector.load %arg7[%swap3A, %swap3A_41] : memref<1000x16xf32, #tpu.memory_space<vmem>>, vector<1000x16xf32>
    tpu.vector_store %arg7[%swap3A, %swap3A_41], %dot_general3A_40 {strides = array<i32>} : memref<1000x16xf32, #tpu.memory_space<vmem>>, vector<1000x16xf32>,
    %get3A_43 = arith.constant 0 : index
    %get3A_44 = arith.constant 0 : index
    %get3A_45 = vector.load %arg6[%get3A_43, %get3A_44] : memref<256x16xf32, #tpu.memory_space<vmem>>, vector<256x16xf32>
    %dot_general3A_46 = arith.constant dense<0.000000e+00> : vector<1000x16xf32>
    %dot_general3A_47 = tpu.matmul %select_n3A, %get3A_45, %dot_general3A_46 {dimension_numbers = #tpu.dot_dimension_numbers<[1], [0], [0], [1], [0, 0, 1, 1], [], []>, transpose_lhs_hint = false} : vector<1000x256xf32>, vector<256x16xf32>, vector<1000x16xf32> -> vector<1000x16xf32>
    %swap3A_48 = arith.constant 0 : index
    %swap3A_49 = arith.constant 0 : index
    %swap3A_50 = vector.load %arg8[%swap3A_48, %swap3A_49] : memref<1000x16xf32, #tpu.memory_space<vmem>>, vector<1000x16xf32>
    tpu.vector_store %arg8[%swap3A_48, %swap3A_49], %dot_general3A_47 {strides = array<i32>} : memref<1000x16xf32, #tpu.memory_space<vmem>>, vector<1000x16xf32>,
    return
  }
  func.func @transform_0(%arg0: i32) -> (i32, i32) {
    %c0_i32 = arith.constant 0 : i32
    %c0_i32_0 = arith.constant 0 : i32
    return %arg0, %c0_i32 : i32, i32
  }
  func.func @transform_1(%arg0: i32) -> (i32, i32) {
    %c0_i32 = arith.constant 0 : i32
    %c0_i32_0 = arith.constant 0 : i32
    %c0_i32_1 = arith.constant 0 : i32
    return %c0_i32, %c0_i32_0 : i32, i32
  }
  func.func @transform_2(%arg0: i32) -> (i32, i32) {
    %c0_i32 = arith.constant 0 : i32
    %c0_i32_0 = arith.constant 0 : i32
    %c0_i32_1 = arith.constant 0 : i32
    return %c0_i32, %c0_i32_0 : i32, i32
  }
  func.func @transform_3(%arg0: i32) -> (i32, i32) {
    %c0_i32 = arith.constant 0 : i32
    %c0_i32_0 = arith.constant 0 : i32
    %c0_i32_1 = arith.constant 0 : i32
    return %c0_i32, %c0_i32_0 : i32, i32
  }
  func.func @transform_4(%arg0: i32) -> (i32, i32) {
    %c0_i32 = arith.constant 0 : i32
    %c0_i32_0 = arith.constant 0 : i32
    %c0_i32_1 = arith.constant 0 : i32
    return %c0_i32, %c0_i32_0 : i32, i32
  }
  func.func @transform_5(%arg0: i32) -> (i32, i32) {
    %c0_i32 = arith.constant 0 : i32
    %c0_i32_0 = arith.constant 0 : i32
    %c0_i32_1 = arith.constant 0 : i32
    return %c0_i32, %c0_i32_0 : i32, i32
  }
  func.func @transform_6(%arg0: i32) -> (i32, i32) {
    %c0_i32 = arith.constant 0 : i32
    %c0_i32_0 = arith.constant 0 : i32
    return %arg0, %c0_i32 : i32, i32
  }
  func.func @transform_7(%arg0: i32) -> (i32, i32) {
    %c0_i32 = arith.constant 0 : i32
    %c0_i32_0 = arith.constant 0 : i32
    return %arg0, %c0_i32 : i32, i32
  }
}

module attributes {stable_mosaic.version = 14 : i64} {
  func.func @_d_body(%arg0: i32, %arg1: memref<1000x16xf32, #tpu.memory_space<vmem>>, %arg2: memref<1000x16xf32, #tpu.memory_space<vmem>>, %arg3: memref<1000x16xf32, #tpu.memory_space<vmem>>, %arg4: memref<1000x16xf32, #tpu.memory_space<vmem>>, %arg5: memref<1000x16xf32, #tpu.memory_space<vmem>>, %arg6: memref<1x16xf32, #tpu.memory_space<vmem>>, %arg7: memref<1000x16xf32, #tpu.memory_space<vmem>>) attributes {dimension_semantics = [#tpu.dimension_semantics<arbitrary>], iteration_bounds = array<i64: 10>, scalar_prefetch = 0 : i64, scratch_operands = 0 : i64, tpu.core_type = #tpu.core_type<tc>, window_params = [{transform_indices = @transform_0, window_bounds = array<i64: 1000, 16>}, {transform_indices = @transform_1, window_bounds = array<i64: 1000, 16>}, {transform_indices = @transform_2, window_bounds = array<i64: 1000, 16>}, {transform_indices = @transform_3, window_bounds = array<i64: 1000, 16>}, {transform_indices = @transform_4, window_bounds = array<i64: 1000, 16>}, {pipeline_mode = #tpu.pipeline_mode<synchronous>, transform_indices = @transform_5, window_bounds = array<i64: 1, 16>}, {transform_indices = @transform_6, window_bounds = array<i64: 1000, 16>}]} {
    %get3A = arith.constant 0 : index
    %get3A_0 = arith.constant 0 : index
    %get3A_1 = vector.load %arg3[%get3A, %get3A_0] : memref<1000x16xf32, #tpu.memory_space<vmem>>, vector<1000x16xf32>
    %get3A_2 = arith.constant 0 : index
    %get3A_3 = arith.constant 0 : index
    %get3A_4 = vector.load %arg4[%get3A_2, %get3A_3] : memref<1000x16xf32, #tpu.memory_space<vmem>>, vector<1000x16xf32>
    %add3A = arith.addf %get3A_1, %get3A_4 : vector<1000x16xf32>
    %reduce_max3A = arith.constant dense<0xFF800000> : vector<1000xf32>
    %reduce_max3A_5 = vector.multi_reduction <maximumf>, %add3A, %reduce_max3A [1] : vector<1000x16xf32> to vector<1000xf32>
    %broadcast_in_dim3A = vector.shape_cast %reduce_max3A_5 : vector<1000xf32> to vector<1000x1xf32>
    %max3A = arith.constant 1.000000e+00 : f32
    %max3A_6 = vector.broadcast %max3A : f32 to vector<1000x1xf32>
    %max3A_7 = arith.maximumf %broadcast_in_dim3A, %max3A_6 : vector<1000x1xf32>
    %get3A_8 = arith.constant 0 : index
    %get3A_9 = arith.constant 0 : index
    %get3A_10 = vector.load %arg1[%get3A_8, %get3A_9] : memref<1000x16xf32, #tpu.memory_space<vmem>>, vector<1000x16xf32>
    %get3A_11 = arith.constant 0 : index
    %get3A_12 = arith.constant 0 : index
    %get3A_13 = vector.load %arg2[%get3A_11, %get3A_12] : memref<1000x16xf32, #tpu.memory_space<vmem>>, vector<1000x16xf32>
    %add3A_14 = arith.addf %get3A_10, %get3A_13 : vector<1000x16xf32>
    %div3A = arith.constant 1.000000e+00 : f32
    %div3A_15 = vector.broadcast %div3A : f32 to vector<1000x1xf32>
    %div3A_16 = arith.divf %div3A_15, %max3A_7 : vector<1000x1xf32>
    %mul3A = vector.broadcast %div3A_16 : vector<1000x1xf32> to vector<1000x16xf32>
    %mul3A_17 = arith.mulf %add3A_14, %mul3A : vector<1000x16xf32>
    %get3A_18 = arith.constant 0 : index
    %get3A_19 = arith.constant 0 : index
    %get3A_20 = vector.load %arg6[%get3A_18, %get3A_19] : memref<1x16xf32, #tpu.memory_space<vmem>>, vector<1x16xf32>
    %add3A_21 = vector.broadcast %get3A_20 : vector<1x16xf32> to vector<1000x16xf32>
    %add3A_22 = arith.addf %mul3A_17, %add3A_21 : vector<1000x16xf32>
    %get3A_23 = arith.constant 0 : index
    %get3A_24 = arith.constant 0 : index
    %get3A_25 = vector.load %arg5[%get3A_23, %get3A_24] : memref<1000x16xf32, #tpu.memory_space<vmem>>, vector<1000x16xf32>
    %add3A_26 = arith.addf %add3A_22, %get3A_25 : vector<1000x16xf32>
    %iota3A = tpu.iota {dimensions = array<i32: 1>} : vector<1000x16xi32>
    %lt3A = arith.constant 2 : i32
    %lt3A_27 = vector.broadcast %lt3A : i32 to vector<1000x16xi32>
    %lt3A_28 = arith.cmpi slt, %iota3A, %lt3A_27 : vector<1000x16xi32>
    %jit3A = arith.constant -1.000000e+30 : f32
    %broadcast_in_dim3A_29 = vector.broadcast %jit3A : f32 to vector<1000x16xf32>
    %select_n3A = arith.select %lt3A_28, %add3A_26, %broadcast_in_dim3A_29 : vector<1000x16xi1>, vector<1000x16xf32>
    %reduce_max3A_30 = arith.constant dense<0xFF800000> : vector<1000xf32>
    %reduce_max3A_31 = vector.multi_reduction <maximumf>, %select_n3A, %reduce_max3A_30 [1] : vector<1000x16xf32> to vector<1000xf32>
    %broadcast_in_dim3A_32 = vector.shape_cast %reduce_max3A_31 : vector<1000xf32> to vector<1000x1xf32>
    %sub3A = vector.broadcast %broadcast_in_dim3A_32 : vector<1000x1xf32> to vector<1000x16xf32>
    %sub3A_33 = arith.subf %add3A_26, %sub3A : vector<1000x16xf32>
    %exp3A = math.exp %sub3A_33 : vector<1000x16xf32>
    %jit3A_34 = arith.constant 0.000000e+00 : f32
    %broadcast_in_dim3A_35 = vector.broadcast %jit3A_34 : f32 to vector<1000x16xf32>
    %select_n3A_36 = arith.select %lt3A_28, %exp3A, %broadcast_in_dim3A_35 : vector<1000x16xi1>, vector<1000x16xf32>
    %reduce_sum3A = arith.constant dense<0.000000e+00> : vector<1000xf32>
    %reduce_sum3A_37 = vector.multi_reduction <add>, %select_n3A_36, %reduce_sum3A [1] : vector<1000x16xf32> to vector<1000xf32>
    %broadcast_in_dim3A_38 = vector.shape_cast %reduce_sum3A_37 : vector<1000xf32> to vector<1000x1xf32>
    %log3A = math.log %broadcast_in_dim3A_38 : vector<1000x1xf32>
    %add3A_39 = arith.addf %broadcast_in_dim3A_32, %log3A : vector<1000x1xf32>
    %sub3A_40 = vector.broadcast %add3A_39 : vector<1000x1xf32> to vector<1000x16xf32>
    %sub3A_41 = arith.subf %add3A_26, %sub3A_40 : vector<1000x16xf32>
    %swap3A = arith.constant 0 : index
    %swap3A_42 = arith.constant 0 : index
    %swap3A_43 = vector.load %arg7[%swap3A, %swap3A_42] : memref<1000x16xf32, #tpu.memory_space<vmem>>, vector<1000x16xf32>
    tpu.vector_store %arg7[%swap3A, %swap3A_42], %sub3A_41 {strides = array<i32>} : memref<1000x16xf32, #tpu.memory_space<vmem>>, vector<1000x16xf32>,
    return
  }
  func.func @transform_0(%arg0: i32) -> (i32, i32) {
    %c0_i32 = arith.constant 0 : i32
    %c0_i32_0 = arith.constant 0 : i32
    return %arg0, %c0_i32 : i32, i32
  }
  func.func @transform_1(%arg0: i32) -> (i32, i32) {
    %c0_i32 = arith.constant 0 : i32
    %c0_i32_0 = arith.constant 0 : i32
    return %arg0, %c0_i32 : i32, i32
  }
  func.func @transform_2(%arg0: i32) -> (i32, i32) {
    %c0_i32 = arith.constant 0 : i32
    %c0_i32_0 = arith.constant 0 : i32
    return %arg0, %c0_i32 : i32, i32
  }
  func.func @transform_3(%arg0: i32) -> (i32, i32) {
    %c0_i32 = arith.constant 0 : i32
    %c0_i32_0 = arith.constant 0 : i32
    return %arg0, %c0_i32 : i32, i32
  }
  func.func @transform_4(%arg0: i32) -> (i32, i32) {
    %c0_i32 = arith.constant 0 : i32
    %c0_i32_0 = arith.constant 0 : i32
    return %arg0, %c0_i32 : i32, i32
  }
  func.func @transform_5(%arg0: i32) -> (i32, i32) {
    %c0_i32 = arith.constant 0 : i32
    %c0_i32_0 = arith.constant 0 : i32
    %c0_i32_1 = arith.constant 0 : i32
    return %c0_i32, %c0_i32_0 : i32, i32
  }
  func.func @transform_6(%arg0: i32) -> (i32, i32) {
    %c0_i32 = arith.constant 0 : i32
    %c0_i32_0 = arith.constant 0 : i32
    return %arg0, %c0_i32 : i32, i32
  }
}

</mosaic_0001>

<sc_bundles>
// kernel: kernel.11.cloned.1.call-start
scs
__scs_entry_jumppad:
0x0: {  	(pc) =	sbr.rel $0x88, $3  }
0x1: {  	(tag) =	ssettag $0x0;
	lr =	simm.s32 $0x1  }
0x2: {  	[smem:$0x3F97] =	sst lr;
	_ =	strace $0xD0000000  }
0x3: {  	_ = 	snop  }
0x4: {  	_ = 	snop  }
0x5: {  	_ = 	snop  }
0x6: {  	_ = 	snop  }
0x7: {  	_ = 	snop  }
__scs_overlays_trampoline_lowered:
0x8: {  	[smem:$0x3FA6] =	sst s0  }
0x9: {  	[smem:$0x3FA7] =	sst s1  }
0xa: {  	[smem:$0x3FA8] =	sst s2  }
0xb: {  	[smem:$0x3FA9] =	sst s3  }
0xc: {  	[smem:$0x3FAA] =	sst s4  }
0xd: {  	[smem:$0x3FAB] =	sst s5  }
0xe: {  	[smem:$0x3FAC] =	sst s6  }
0xf: {  	[smem:$0x3FAD] =	sst s7  }
0x10: {  	[smem:$0x3FAE] =	sst s8  }
0x11: {  	[smem:$0x3FAF] =	sst s9;
	s0 =	simm.s32 @!p0 $0x0  }
0x12: {  	s1 =	sld [smem:$0x3F95];
	s0 =	simm.s32 @p0 $0x1  }
0x13: {  	[smem:$0x3FB0] =	sst s0;
	s0 =	simm.s32 @!p1 $0x0  }
0x14: {  	s2 =	sld [smem:$0x3F94];
	s0 =	simm.s32 @p1 $0x1  }
0x15: {  	[smem:$0x3FB1] =	sst s0;
	s0 =	simm.s32 @!p2 $0x0  }
0x16: {  	s3 =	sld [smem:$0x3FDB];
	s0 =	simm.s32 @p2 $0x1  }
0x17: {  	s4 =	simm.s32 $0x1BF5;
	[smem:$0x3FB3] =	sst s0  }
0x18: {  	s0 =	sld [smem:$0x3F96];
	_ =	swait.ge [sflag:s4], $0x0  }
0x19: {  	s7 =	sld [smem:$0x3F97]  }
0x1a: {  	s8 =	sadd.s32 $0xFFFFE003, lr  }
0x1b: {  	s9 =	sadd.s32 $0xFFFFFEF7, lr;
	s5 =	simm.s32 $0xFFFFFFFF;
	p2 =	slt.u32 s8, $0xFFFFF086  }
0x1c: {  	p1 =	slt.u32 s9, $0xF7A;
	s5 =	simm.s32 @!p2 $0x0  }
0x1d: {  	s5 =	simm.s32 @p1 $0x1;
	p0 =	seq.s32 s7, s2  }
0x1e: {  	s7 =	smul.u32 @!p0 $0xF7A, s2;
	p2 =	seq.s32 @!p0 s5, $0x0  }
0x1f: {  	s9 =	smul.u32 $0xF7A, s1;
	s8 =	simm.s32 @!p0 $0x1BF5;
	p2 =	por !p2, p0  }
0x20: {  	[sflag:s8] =	ssyncset.s32 @!p0 $0xFFFFF086;
	s6 =	sadd.s32 @!p0 s3, s7;
	s7 =	simm.s32 @!p0 $0x108  }
0x21: {  	s3 =	sadd.s32 s3, s9;
	s6 =	sadd.s32 @!p0 $0x88, s6;
	s7 =	simm.s32 @p2 $0x1082  }
0x22: {  	[simem:s7], [sflag:s8] =	dma.local @!p0 [hbm:s6], $0xF7A  }
0x23: {  	s9 =	sor.u32 $0xD0000000, s2;
	s6 =	simm.s32 $0x108;
	_ =	swait.ge @!p0 [sflag:s8], $0x0  }
0x24: {  	s3 =	sadd.s32 $0x88, s3;
	s6 =	simm.s32 @!p1 $0x1082;
	[sflag:s4] =	ssyncset.s32 $0xFFFFF086  }
0x25: {  	[simem:s6], [sflag:s4] =	dma.local [hbm:s3], $0xF7A  }
0x26: {  	[smem:$0x3F97] =	sst s1;
	(tag) =	ssettag s2;
	_ =	strace s9  }
0x27: {  	s1 =	sld [smem:$0x3FA7]  }
0x28: {  	s2 =	sld [smem:$0x3FA8]  }
0x29: {  	s4 =	sld [smem:$0x3FAA]  }
0x2a: {  	p0 =	seq.s32 s5, $0x0;
	s5 =	sld [smem:$0x3FAB]  }
0x2b: {  	s6 =	sld [smem:$0x3FAC]  }
0x2c: {  	s7 =	sld [smem:$0x3FAD]  }
0x2d: {  	s3 =	simm.s32 $0x108;
	s8 =	sld [smem:$0x3FAE]  }
0x2e: {  	s3 =	simm.s32 @!p0 $0x1082;
	s9 =	sld [smem:$0x3FAF]  }
0x2f: {  	lr =	sadd.s32 s0, s3;
	s0 =	sld [smem:$0x3FA6]  }
0x30: {  	s3 =	sld [smem:$0x3FA9]  }
0x31: {  	[smem:$0x3FB2] =	sst s10  }
0x32: {  	s10 =	sld [smem:$0x3FB0];
	_ =	sdelay $0x3  }
0x33: {  	p0 =	seq.s32 s10, $0x1;
	s10 =	sld [smem:$0x3FB2];
	_ =	sdelay $0x3  }
0x34: {  	[smem:$0x3FB2] =	sst s10  }
0x35: {  	s10 =	sld [smem:$0x3FB1];
	_ =	sdelay $0x3  }
0x36: {  	p1 =	seq.s32 s10, $0x1;
	s10 =	sld [smem:$0x3FB2];
	_ =	sdelay $0x3  }
0x37: {  	[smem:$0x3FB2] =	sst s10  }
0x38: {  	s10 =	sld [smem:$0x3FB3]  }
0x39: {  	_ = 	snop;
	(pc) =	sbr.ind lr, $3  }
0x3a: {  	_ = 	snop  }
0x3b: {  	_ = 	snop  }
0x3c: {  	p2 =	seq.s32 s10, $0x1;
	s10 =	sld [smem:$0x3FB2]  }
0x3d: {  	_ =	shalt  }
0x3e: {  	_ =	shalt  }
0x3f: {  	_ =	shalt  }
0x40: {  	_ =	shalt  }
0x41: {  	_ =	shalt  }
0x42: {  	_ =	shalt  }
0x43: {  	_ =	shalt  }
0x44: {  	_ =	shalt  }
0x45: {  	_ =	shalt  }
0x46: {  	_ =	shalt  }
0x47: {  	_ =	shalt  }
0x48: {  	_ =	shalt  }
0x49: {  	_ =	shalt  }
0x4a: {  	_ =	shalt  }
0x4b: {  	_ =	shalt  }
0x4c: {  	_ =	shalt  }
0x4d: {  	_ =	shalt  }
0x4e: {  	_ =	shalt  }
0x4f: {  	_ =	shalt  }
0x50: {  	_ =	shalt  }
0x51: {  	_ =	shalt  }
0x52: {  	_ =	shalt  }
0x53: {  	_ =	shalt  }
0x54: {  	_ =	shalt  }
0x55: {  	_ =	shalt  }
0x56: {  	_ =	shalt  }
0x57: {  	_ =	shalt  }
0x58: {  	_ =	shalt  }
0x59: {  	_ =	shalt  }
0x5a: {  	_ =	shalt  }
0x5b: {  	_ =	shalt  }
0x5c: {  	_ =	shalt  }
0x5d: {  	_ =	shalt  }
0x5e: {  	_ =	shalt  }
0x5f: {  	_ =	shalt  }
0x60: {  	_ =	shalt  }
0x61: {  	_ =	shalt  }
0x62: {  	_ =	shalt  }
0x63: {  	_ =	shalt  }
0x64: {  	_ =	shalt  }
0x65: {  	_ =	shalt  }
0x66: {  	_ =	shalt  }
0x67: {  	_ =	shalt  }
0x68: {  	_ =	shalt  }
0x69: {  	_ =	shalt  }
0x6a: {  	_ =	shalt  }
0x6b: {  	_ =	shalt  }
0x6c: {  	_ =	shalt  }
0x6d: {  	_ =	shalt  }
0x6e: {  	_ =	shalt  }
0x6f: {  	_ =	shalt  }
0x70: {  	_ =	shalt  }
0x71: {  	_ =	shalt  }
0x72: {  	_ =	shalt  }
0x73: {  	_ =	shalt  }
0x74: {  	_ =	shalt  }
0x75: {  	_ =	shalt  }
0x76: {  	_ =	shalt  }
0x77: {  	_ =	shalt  }
0x78: {  	_ =	shalt  }
0x79: {  	_ =	shalt  }
0x7a: {  	_ =	shalt  }
0x7b: {  	_ =	shalt  }
0x7c: {  	_ =	shalt  }
0x7d: {  	_ =	shalt  }
0x7e: {  	_ =	shalt  }
0x7f: {  	_ =	shalt  }
0x80: {  	_ =	shalt  }
0x81: {  	_ =	shalt  }
0x82: {  	_ =	shalt  }
0x83: {  	_ =	shalt  }
0x84: {  	_ =	shalt  }
0x85: {  	_ =	shalt  }
0x86: {  	_ =	shalt  }
0x87: {  	_ =	shalt  }
.Lfunc_end0:
.L_simem_size_0:
called_computation.1_lowered:
.L_overlay_start_0:
0x88: {  	s2 =	sld [smem:$0x3FD9]  }
0x89: {  	s3 =	sld [smem:$0x3FFE];
	_ =	sdelay $0x1  }
0x8a: {  	s1 =	srdreg.scid  }
0x8b: {  	s0 =	sand.u32 $0x1, s1  }
0x8c: {  	s16 =	sshll.u32 s0, $0xA;
	s2 =	sadd.s32 s3, s2  }
0x8d: {  	s2 =	sadd.s32 s2, s16  }
0x8e: {  	[smem:$0x3FBE] =	sst s2  }
0x8f: {  	_ = 	snop  }
0x90: {  	(tm) =	ssettm $0x1  }
0x91: {  	s17 =	sld [smem:$0x3FFB];
	_ =	sdelay $0x3  }
0x92: {  	_ =	strace s17  }
0x93: {  	s2 =	sld [smem:$0x3FFC];
	_ =	sdelay $0x3  }
0x94: {  	_ =	strace s2  }
0x95: {  	s2 =	sld [smem:$0x3FFD];
	_ =	sdelay $0x3  }
0x96: {  	_ =	strace s2  }
0x97: {  	_ =	strace $0x8FFFFFFF  }
0x98: {  	s18 =	sld [smem:$0x3FDB];
	_ =	sdelay $0x1  }
0x99: {  	s19 =	simm.s32 $_scs_section_size  }
0x9a: {  	s4 =	simm.s32 $_size__tile_overlayer_lowered;
	s5 =	simm.s32 $_tile_overlayer_lowered  }
0x9b: {  	s22 =	simm.s32 $0x1BFF;
	s21 =	sshll.u32 s5, $0x1;
	s2 =	sadd.s32 s19, s18  }
0x9c: {  	s6 =	simm.s32 $0x0;
	s20 =	sshll.u32 s4, $0x1;
	s4 =	sadd.s32 s21, s2  }
0x9d: {  	[timem:s6], [sflag:s22] =	dma.local [hbm:s4], s20  }
0x9e: {  	_ =	swait.ge [sflag:s22], s20  }
0x9f: {  	s3 =	ssub.s32 $0x0, s20;
	[sflag:s22] =	ssyncset.done $0x0  }
0xa0: {  	[sflag:s22] =	ssyncadd.s32 s3;
	_ =	sdelay $0x1  }
0xa1: {  	s23 =	simm.s32 $0x1B8B  }
0xa2: {  	_ =	swait.ge [sflag:s23], $0x1  }
0xa3: {  	[sflag:s23] =	ssyncset.done $0x0  }
0xa4: {  	s25 =	simm.s32 $0x1B8E;
	s24 =	sld [smem:$0x3FFE];
	[sflag:s23] =	ssyncadd.s32 $0xFFFFFFFF  }
0xa5: {  	s26 =	simm.s32 $execute0_lowered;
	[smem:$0x3FD2] =	sst s25  }
0xa6: {  	s4 =	sshll.u32 s26, $0x1;
	_ =	strace $0x80000046;
	[dreg:$0x1] =	wrdreg $0xFFFFFFFF  }
0xa7: {  	s28 =	simm.s32 $_size_execute0_lowered;
	s2 =	sadd.s32 s2, s4;
	[dreg:$0x0] =	wrdreg $0x0  }
0xa8: {  	s4 =	sshll.u32 s28, $0x1;
	[dreg:$0x2] =	wrdreg s2  }
0xa9: {  	[dreg:$0x3] =	wrdreg s4  }
0xaa: {  	[dreg:$0x4] =	wrdreg $0xC0  }
0xab: {  	_ =	task [dreg:s6], $0x5FFFF  }
0xac: {  	[dreg:$0x1] =	wrdreg $0xFFFFFFFF  }
0xad: {  	[dreg:$0x0] =	wrdreg $0x60  }
0xae: {  	[dreg:$0x2] =	wrdreg s24  }
0xaf: {  	[dreg:$0x3] =	wrdreg $0x29E00  }
0xb0: {  	[dreg:$0x4] =	wrdreg $0xA  }
0xb1: {  	_ =	task.clear_ibuf [dreg:s6], $0x5FFFF;
	_ =	strace $0x90000046  }
0xb2: {  	s29 =	simm.s32 $0xA;
	_ =	strace $0x80000048  }
0xb3: {  	_ =	swait.ge [sflag:s29], $0x1  }
0xb4: {  	[sflag:s29] =	ssyncadd.s32 $0xFFFFFFFF  }
0xb5: {  	_ =	strace $0x90000048  }
0xb6: {  	_ =	sfence  }
0xb7: {  	s30 =	sld [smem:$0x0];
	_ =	sdelay $0x2  }
0xb8: {  	s31 =	sshll.u32 s1, $0xD;
	s1 =	sshrl.u32 s1, $0x2  }
0xb9: {  	s3 =	sand.u32 $0x4000, s31;
	s1 =	sadd.s32 s1, s30  }
0xba: {  	s0 =	sor.u32 s3, s0;
	s1 =	sshll.u32 s1, $0x11  }
0xbb: {  	s0 =	sor.u32 s1, s0  }
0xbc: {  	s0 =	sadd.s32 $0x8F2B, s0  }
0xbd: {  	[sflag:s0] =	ssyncadd.remote.s32 $0x1  }
0xbe: {  	_ =	sfence.sel $0xFFFF  }
0xbf: {  	[dreg:$0x0] =	wrdreg $0xFFFFFFFF;
	(pc) =	sbr.abs _section_cstart, $3  }
0xc0: {  	[dreg:$0x1] =	wrdreg $0xFFFFFFFF  }
0xc1: {  	_ =	task.clear_ibuf [dreg:s6], $0x2FFFF;
	_ =	strace $0x9FFFFFFF  }
0xc2: {  	(tm) =	ssettm $0x7FFFFFFF  }
0xc3: {  	_ =	shalt  }
tec
execute0_lowered:
.L_overlay_start_1:
0x0: {  	(tag) =	ssettag $0x1  }
0x1: {  	s1 =	srdreg.scid;
	s17 =	stileid.u32  }
0x2: {  	s0 =	rddreg [dreg:$0x0];
	s1 =	sand.u32 $0x1, s1;
	s7 =	smul.u32 $0x280, s17  }
0x3: {  	s6 =	sadd.s32 $0x3DC00, s0;
	s4 =	smul.u32 $0x1400, s17;
	s2 =	ssub.s32 $0x2, s1  }
0x4: {  	s8 =	sadd.s32 $0x51C00, s0;
	s9 =	smul.u32 $0xA0000, s1;
	s3 =	sshrl.u32 s2, $0x1  }
0x5: {  	s5 =	sor.u32 $0x50, s7;
	s11 =	sadd.s32 $0xA0, s7;
	s4 =	sadd.s32 s6, s4  }
0x6: {  	s26 =	sadd.s32 $0xF0, s7;
	s12 =	sadd.s32 $0x140, s7;
	s16 =	sadd.s32 $0x1E0, s7  }
0x7: {  	s2 =	ssub.s32 s2, s3;
	s3 =	smul.u32 $0xA000, s17;
	s10 =	sshll.u32 s5, $0x3  }
0x8: {  	[dreg:$0x3] =	wrdreg s4;
	s24 =	sshll.u32 s11, $0x3;
	s4 =	sshll.u32 s5, $0x6  }
0x9: {  	s5 =	sshll.u32 s11, $0x6;
	s13 =	sshll.u32 s26, $0x3;
	s14 =	sshll.u32 s12, $0x3  }
0xa: {  	s12 =	sshll.u32 s12, $0x6;
	s23 =	sadd.s32 s6, s10;
	s25 =	sadd.s32 s6, s24  }
0xb: {  	s11 =	sadd.s32 s6, s13;
	s13 =	sadd.s32 $0x190, s7;
	[dreg:$0x4] =	wrdreg s23  }
0xc: {  	s10 =	sshll.u32 s26, $0x6;
	s7 =	sadd.s32 $0x230, s7;
	[dreg:$0x5] =	wrdreg s25  }
0xd: {  	s20 =	sadd.s32 s9, s4;
	[dreg:$0x6] =	wrdreg s11;
	s11 =	sadd.s32 s6, s14  }
0xe: {  	s15 =	sshll.u32 s13, $0x3;
	s13 =	sshll.u32 s13, $0x6;
	s14 =	sshll.u32 s16, $0x3  }
0xf: {  	s18 =	sshll.u32 s7, $0x3;
	s19 =	sadd.s32 s9, s3;
	s21 =	sshrl.u32 s20, $0x3  }
0x10: {  	s24 =	sadd.s32 s9, s10;
	s25 =	sadd.s32 s9, s12;
	s20 =	smul.u32 $0x4E20, s17  }
0x11: {  	[dreg:$0x7] =	wrdreg s11;
	s11 =	sadd.s32 s6, s15;
	s14 =	sadd.s32 s6, s14  }
0x12: {  	s6 =	sadd.s32 s6, s18;
	s15 =	sadd.s32 s9, s5;
	[dreg:$0x8] =	wrdreg s11  }
0x13: {  	s26 =	sadd.s32 s9, s13;
	[dreg:$0x9] =	wrdreg s14;
	s11 =	sshll.u32 s16, $0x6  }
0x14: {  	[dreg:$0xa] =	wrdreg s6;
	s6 =	sshll.u32 s7, $0x6;
	s7 =	sshrl.u32 s19, $0x3  }
0x15: {  	s22 =	sshrl.u32 s15, $0x3;
	s14 =	sshrl.u32 s25, $0x3;
	s7 =	sadd.s32 s8, s7  }
0x16: {  	s16 =	sshrl.u32 s26, $0x3;
	s23 =	sadd.s32 s8, s22;
	[dreg:$0xb] =	wrdreg s7  }
0x17: {  	s18 =	sadd.s32 s8, s16;
	s19 =	sadd.s32 s9, s11;
	[dreg:$0xd] =	wrdreg s23  }
0x18: {  	s9 =	sadd.s32 s9, s6;
	s16 =	simm.s32 $0x0;
	[dreg:$0x10] =	wrdreg s18  }
0x19: {  	s22 =	sshrl.u32 s20, $0x3;
	s7 =	sadd.s32 s8, s21;
	[smem:$0x7FF] =	sst s16  }
0x1a: {  	s21 =	sshrl.u32 s9, $0x3;
	[dreg:$0xc] =	wrdreg s7;
	s7 =	sshrl.u32 s24, $0x3  }
0x1b: {  	s23 =	sadd.s32 $0x2A200, s0;
	s9 =	simm.s32 $0x15E0;
	s7 =	sadd.s32 s8, s7  }
0x1c: {  	s24 =	smul.u32 $0x9C4, s17;
	[dreg:$0xe] =	wrdreg s7;
	s7 =	sadd.s32 s8, s14  }
0x1d: {  	s25 =	sadd.s32 s23, s22;
	s22 =	sadd.s32 $0x3000, s0;
	[dreg:$0xf] =	wrdreg s7  }
0x1e: {  	s14 =	smul.u32 $0x28000, s17;
	s7 =	sshrl.u32 s19, $0x3;
	s19 =	rddreg [dreg:$0x1]  }
0x1f: {  	s17 =	smul.u32 $0x2710, s1;
	s7 =	sadd.s32 s8, s7;
	s20 =	sadd.s32 s3, s19  }
0x20: {  	s26 =	sadd.s32 s4, s19;
	s28 =	sadd.s32 s5, s19;
	s29 =	sadd.s32 s10, s19  }
0x21: {  	s30 =	sadd.s32 s12, s19;
	s31 =	sadd.s32 s13, s19;
	s18 =	sadd.s32 s11, s19  }
0x22: {  	s3 =	simm.s32 $0x5;
	s4 =	simm.s32 $0x50;
	s10 =	simm.s32 $0x3  }
0x23: {  	s11 =	simm.s32 $0x190;
	[dreg:$0x11] =	wrdreg s7;
	s7 =	sadd.s32 s8, s21  }
0x24: {  	s21 =	sadd.s32 s24, s23;
	s23 =	sshrl.u32 s14, $0x2;
	[dreg:$0x12] =	wrdreg s7  }
0x25: {  	s24 =	smax.u32 s2, $0x1;
	_ =	strace $0x80000047;
	[dreg:$0x14] =	wrdreg s20  }
0x26: {  	s12 =	simm.s32 $0x0;
	s0 =	sadd.s32 s23, s19;
	[dreg:$0x15] =	wrdreg s24  }
0x27: {  	s2 =	simm.s32 $0x1E0;
	s8 =	simm.s32 $0x2;
	[dreg:$0x16] =	wrdreg s0  }
0x28: {  	s7 =	simm.s32 $0x1;
	[dreg:$0x13] =	wrdreg s25;
	s25 =	sadd.s32 $0xA, s25  }
0x29: {  	v0 =	vmov s17;
	s0 =	sadd.s32 s6, s19;
	s6 =	simm.s32 $0xA0;
	[dreg:$0x17] =	wrdreg s25  }
.LBB2_1:
0x2a: {  	s1 =	rddreg [dreg:$0x3]  }
0x2b: {  	[tilespmem:s2], [sflag:$0x5] =	stream.linear.gather [hbm4b:s1+s16], $0x1400, $0x38;
	[tilespmem:$0xC9E0] =	vst v63  }
0x2c: {  	_ =	swait.ge [sflag:s3], $0x1400  }
0x2d: {  	[sflag:s3] =	ssyncset.done $0x0  }
0x2e: {  	s25 =	rddreg [dreg:$0x16];
	[sflag:s3] =	ssyncadd.s32 $0xFFFFEC00  }
0x2f: {  	[spmem:s25] =	stream.linear.scatter [tilespmem:s2], [sflag:$0x5], $0x1400, $0x38;
	[tilespmem:$0xC9E0] =	vst v63  }
0x30: {  	_ =	swait.ge [sflag:s3], $0x1400  }
0x31: {  	[sflag:s3] =	ssyncset.done $0x0  }
0x32: {  	s5 =	rddreg [dreg:$0x4];
	[sflag:s3] =	ssyncadd.s32 $0xFFFFEC00  }
0x33: {  	[tilespmem:s2], [sflag:$0x5] =	stream.linear.gather [hbm4b:s5+s16], $0x1400, $0x38;
	[tilespmem:$0xC9E0] =	vst v63  }
0x34: {  	_ =	swait.ge [sflag:s3], $0x1400  }
0x35: {  	[sflag:s3] =	ssyncset.done $0x0  }
0x36: {  	[sflag:s3] =	ssyncadd.s32 $0xFFFFEC00  }
0x37: {  	[spmem:s26] =	stream.linear.scatter [tilespmem:s2], [sflag:$0x5], $0x1400, $0x38;
	[tilespmem:$0xC9E0] =	vst v63  }
0x38: {  	_ =	swait.ge [sflag:s3], $0x1400  }
0x39: {  	[sflag:s3] =	ssyncset.done $0x0  }
0x3a: {  	s13 =	rddreg [dreg:$0x5];
	[sflag:s3] =	ssyncadd.s32 $0xFFFFEC00  }
0x3b: {  	[tilespmem:s2], [sflag:$0x5] =	stream.linear.gather [hbm4b:s13+s16], $0x1400, $0x38;
	[tilespmem:$0xC9E0] =	vst v63  }
0x3c: {  	_ =	swait.ge [sflag:s3], $0x1400  }
0x3d: {  	[sflag:s3] =	ssyncset.done $0x0  }
0x3e: {  	[sflag:s3] =	ssyncadd.s32 $0xFFFFEC00  }
0x3f: {  	[spmem:s28] =	stream.linear.scatter [tilespmem:s2], [sflag:$0x5], $0x1400, $0x38;
	[tilespmem:$0xC9E0] =	vst v63  }
0x40: {  	_ =	swait.ge [sflag:s3], $0x1400  }
0x41: {  	[sflag:s3] =	ssyncset.done $0x0  }
0x42: {  	s14 =	rddreg [dreg:$0x6];
	[sflag:s3] =	ssyncadd.s32 $0xFFFFEC00  }
0x43: {  	[tilespmem:s2], [sflag:$0x5] =	stream.linear.gather [hbm4b:s14+s16], $0x1400, $0x38;
	[tilespmem:$0xC9E0] =	vst v63  }
0x44: {  	_ =	swait.ge [sflag:s3], $0x1400  }
0x45: {  	[sflag:s3] =	ssyncset.done $0x0  }
0x46: {  	[sflag:s3] =	ssyncadd.s32 $0xFFFFEC00  }
0x47: {  	[spmem:s29] =	stream.linear.scatter [tilespmem:s2], [sflag:$0x5], $0x1400, $0x38;
	[tilespmem:$0xC9E0] =	vst v63  }
0x48: {  	_ =	swait.ge [sflag:s3], $0x1400  }
0x49: {  	[sflag:s3] =	ssyncset.done $0x0  }
0x4a: {  	s15 =	rddreg [dreg:$0x7];
	[sflag:s3] =	ssyncadd.s32 $0xFFFFEC00  }
0x4b: {  	[tilespmem:s2], [sflag:$0x5] =	stream.linear.gather [hbm4b:s15+s16], $0x1400, $0x38;
	[tilespmem:$0xC9E0] =	vst v63  }
0x4c: {  	_ =	swait.ge [sflag:s3], $0x1400  }
0x4d: {  	[sflag:s3] =	ssyncset.done $0x0  }
0x4e: {  	[sflag:s3] =	ssyncadd.s32 $0xFFFFEC00  }
0x4f: {  	[spmem:s30] =	stream.linear.scatter [tilespmem:s2], [sflag:$0x5], $0x1400, $0x38;
	[tilespmem:$0xC9E0] =	vst v63  }
0x50: {  	_ =	swait.ge [sflag:s3], $0x1400  }
0x51: {  	[sflag:s3] =	ssyncset.done $0x0  }
0x52: {  	s17 =	rddreg [dreg:$0x8];
	[sflag:s3] =	ssyncadd.s32 $0xFFFFEC00  }
0x53: {  	[tilespmem:s2], [sflag:$0x5] =	stream.linear.gather [hbm4b:s17+s16], $0x1400, $0x38;
	[tilespmem:$0xC9E0] =	vst v63  }
0x54: {  	_ =	swait.ge [sflag:s3], $0x1400  }
0x55: {  	[sflag:s3] =	ssyncset.done $0x0  }
0x56: {  	[sflag:s3] =	ssyncadd.s32 $0xFFFFEC00  }
0x57: {  	[spmem:s31] =	stream.linear.scatter [tilespmem:s2], [sflag:$0x5], $0x1400, $0x38;
	[tilespmem:$0xC9E0] =	vst v63  }
0x58: {  	_ =	swait.ge [sflag:s3], $0x1400  }
0x59: {  	[sflag:s3] =	ssyncset.done $0x0  }
0x5a: {  	s20 =	rddreg [dreg:$0x9];
	[sflag:s3] =	ssyncadd.s32 $0xFFFFEC00  }
0x5b: {  	[tilespmem:s2], [sflag:$0x5] =	stream.linear.gather [hbm4b:s20+s16], $0x1400, $0x38;
	[tilespmem:$0xC9E0] =	vst v63  }
0x5c: {  	_ =	swait.ge [sflag:s3], $0x1400  }
0x5d: {  	[sflag:s3] =	ssyncset.done $0x0  }
0x5e: {  	[sflag:s3] =	ssyncadd.s32 $0xFFFFEC00  }
0x5f: {  	[spmem:s18] =	stream.linear.scatter [tilespmem:s2], [sflag:$0x5], $0x1400, $0x38;
	[tilespmem:$0xC9E0] =	vst v63  }
0x60: {  	_ =	swait.ge [sflag:s3], $0x1400  }
0x61: {  	[sflag:s3] =	ssyncset.done $0x0  }
0x62: {  	s23 =	rddreg [dreg:$0xa];
	[sflag:s3] =	ssyncadd.s32 $0xFFFFEC00  }
0x63: {  	[tilespmem:s2], [sflag:$0x5] =	stream.linear.gather [hbm4b:s23+s16], $0x1400, $0x38;
	[tilespmem:$0xC9E0] =	vst v63  }
0x64: {  	_ =	swait.ge [sflag:s3], $0x1400  }
0x65: {  	[sflag:s3] =	ssyncset.done $0x0  }
0x66: {  	[sflag:s3] =	ssyncadd.s32 $0xFFFFEC00  }
0x67: {  	[spmem:s0] =	stream.linear.scatter [tilespmem:s2], [sflag:$0x5], $0x1400, $0x38;
	[tilespmem:$0xC9E0] =	vst v63  }
0x68: {  	_ =	swait.ge [sflag:s3], $0x1400  }
0x69: {  	[sflag:s3] =	ssyncset.done $0x0  }
0x6a: {  	[sflag:s3] =	ssyncadd.s32 $0xFFFFEC00  }
0x6b: {  	[bflag:$0x0] =	sbarrier.arrive $0xFFFF  }
0x6c: {  	s5 =	simm.s32 $0x4E200;
	s24 =	rddreg [dreg:$0x13]  }
0x6d: {  	[tilespmem:s16], [sflag:$0x1] =	stream.strided.gather [hbm4b:s24+s4], $0xA0, s5, s4, $0x38;
	[tilespmem:$0xC9E0] =	vst v63  }
0x6e: {  	s25 =	rddreg [dreg:$0x17]  }
0x6f: {  	[tilespmem:s6], [sflag:$0x2] =	stream.strided.gather [hbm4b:s25+s4], $0xA0, s5, s4, $0x38;
	[tilespmem:$0xC9E0] =	vst v63  }
0x70: {  	_ =	swait.ge [sflag:s7], $0xA0  }
0x71: {  	[sflag:s7] =	ssyncset.done $0x0  }
0x72: {  	[sflag:s7] =	ssyncadd.s32 $0xFFFFFF60  }
0x73: {  	v1 =	vld [tilespmem:$0x0]  }
0x74: {  	v2 =	vld [tilespmem:$0x50]  }
0x75: {  	v3 =	vld [tilespmem:$0x10]  }
0x76: {  	v4 =	vld [tilespmem:$0x60];
	_ =	sdelay $0x1  }
0x77: {  	v5 =	vld [tilespmem:$0x20]  }
0x78: {  	v6 =	vld [tilespmem:$0x70]  }
0x79: {  	v58 =	vld [tilespmem:$0x90];
	[tilespmem:$0x140] =	vst v2  }
0x7a: {  	v1 =	vadd.s32 v0, v1;
	v2 =	vadd.s32 v0, v3;
	v3 =	vld [tilespmem:$0x80];
	[tilespmem:$0x150] =	vst v4  }
0x7b: {  	[tilespmem:$0x0] =	vst v1;
	v1 =	vld [tilespmem:$0x30]  }
0x7c: {  	[tilespmem:$0x10] =	vst v2;
	v2 =	vld [tilespmem:$0x40]  }
0x7d: {  	[tilespmem:$0x160] =	vst v6  }
0x7e: {  	v57 =	vadd.s32 v0, v5;
	[tilespmem:$0x180] =	vst v58  }
0x7f: {  	[tilespmem:$0x20] =	vst v57  }
0x80: {  	[tilespmem:$0x170] =	vst v3;
	v1 =	vadd.s32 v0, v1  }
0x81: {  	[tilespmem:$0x30] =	vst v1;
	v1 =	vadd.s32 v0, v2  }
0x82: {  	[tilespmem:$0x40] =	vst v1  }
0x83: {  	[tilespmem:s2], [sflag:$0x3] =	stream.indirect.gather [hbm4b:s22+s4], $0x40, s16, s4, $0xb8;
	[tilespmem:$0xC9E0] =	vst v63  }
0x84: {  	_ =	swait.ge [sflag:s8], $0xA0  }
0x85: {  	[sflag:s8] =	ssyncset.done $0x0  }
0x86: {  	[sflag:s8] =	ssyncadd.s32 $0xFFFFFF60  }
0x87: {  	v1 =	vld [tilespmem:$0xE0]  }
0x88: {  	v61 =	vld [tilespmem:$0x120]  }
0x89: {  	v63 =	vld [tilespmem:$0x130]  }
0x8a: {  	v2 =	vld [tilespmem:$0xC0]  }
0x8b: {  	v3 =	vld [tilespmem:$0xD0]  }
0x8c: {  	v59 =	vld [tilespmem:$0xA0]  }
0x8d: {  	v60 =	vld [tilespmem:$0xB0];
	[tilespmem:$0x1C0] =	vst v61  }
0x8e: {  	v1 =	vadd.s32 v0, v1;
	[tilespmem:$0x1D0] =	vst v63  }
0x8f: {  	v2 =	vadd.s32 v0, v2;
	[tilespmem:$0xE0] =	vst v1;
	v1 =	vld [tilespmem:$0x100]  }
0x90: {  	[tilespmem:$0xC0] =	vst v2;
	v2 =	vadd.s32 v0, v3;
	v3 =	vld [tilespmem:$0xF0]  }
0x91: {  	v4 =	vadd.s32 v0, v59;
	[tilespmem:$0xD0] =	vst v2;
	v2 =	vld [tilespmem:$0x110]  }
0x92: {  	v62 =	vadd.s32 v0, v60;
	[tilespmem:$0xA0] =	vst v4  }
0x93: {  	[tilespmem:$0xB0] =	vst v62  }
0x94: {  	[tilespmem:$0x1A0] =	vst v1  }
0x95: {  	[tilespmem:$0x190] =	vst v3  }
0x96: {  	[tilespmem:$0x1B0] =	vst v2  }
0x97: {  	[tilespmem:s9], [sflag:$0x4] =	stream.indirect.gather [hbm4b:s22+s4], $0x40, s6, s4, $0xb8;
	[tilespmem:$0xC9E0] =	vst v63  }
0x98: {  	p0 =	por $0x0, $0x0;
	_ =	swait.ge [sflag:s10], $0x1400  }
0x99: {  	s13 =	simm.s32 @p0 $0x50;
	s14 =	simm.s32 @p0 $0x140;
	[sflag:s10] =	ssyncset.done $0x0  }
0x9a: {  	s15 =	simm.s32 @p0 $0x1E0;
	s17 =	simm.s32 @p0 $0x5;
	[sflag:s10] =	ssyncadd.s32 $0xFFFFEC00  }
0x9b: {  	[spmem:s19] =	stream.indirect.scatter.add.f32 @p0 [tilespmem:s15], [sflag:$0x5], $0x40, s14, s13, $0xb8;
	[tilespmem:$0xC9E0] =	vst v63  }
0x9c: {  	_ =	swait.ge @p0 [sflag:s17], $0x1400  }
0x9d: {  	[sflag:s17] =	ssyncset.done @p0 $0x0  }
0x9e: {  	s13 =	simm.s32 @p0 $0x4;
	[sflag:s17] =	ssyncadd.s32 @p0 $0xFFFFEC00  }
0x9f: {  	s23 =	sadd.s32 @!p0 $0xFFFFF63C, s21;
	_ =	swait.ge @p0 [sflag:s13], $0x1400  }
0xa0: {  	s24 =	simm.s32 @!p0 $0x0;
	s14 =	sadd.s32 @!p0 $0x9D8, s23;
	[sflag:s13] =	ssyncset.done @p0 $0x0  }
0xa1: {  	s15 =	simm.s32 @!p0 $0x50;
	s17 =	simm.s32 @!p0 $0x4E200;
	[sflag:s13] =	ssyncadd.s32 @p0 $0xFFFFEC00  }
0xa2: {  	[tilespmem:s24], [sflag:$0x1] =	stream.strided.gather @!p0 [hbm4b:s14+s15], $0xA0, s17, s15, $0x38;
	[tilespmem:$0xC9E0] =	vst v63  }
0xa3: {  	s13 =	simm.s32 @!p0 $0x140;
	s14 =	simm.s32 @!p0 $0x1E0  }
0xa4: {  	[spmem:s19] =	stream.indirect.scatter.add.f32 @!p0 [tilespmem:s14], [sflag:$0x5], $0x40, s13, s15, $0xb8;
	[tilespmem:$0xC9E0] =	vst v63  }
0xa5: {  	s13 =	simm.s32 @!p0 $0x5  }
0xa6: {  	_ =	swait.ge @!p0 [sflag:s13], $0x1400  }
0xa7: {  	[sflag:s13] =	ssyncset.done @!p0 $0x0  }
0xa8: {  	[sflag:s13] =	ssyncadd.s32 @!p0 $0xFFFFEC00;
	s13 =	simm.s32 @!p0 $0x1  }
0xa9: {  	_ =	swait.ge @!p0 [sflag:s13], $0xA0  }
0xaa: {  	[sflag:s13] =	ssyncset.done @!p0 $0x0  }
0xab: {  	[sflag:s13] =	ssyncadd.s32 @!p0 $0xFFFFFF60  }
0xac: {  	v1 =	vld @!p0 [tilespmem:$0x80]  }
0xad: {  	v2 =	vld @!p0 [tilespmem:$0x90]  }
0xae: {  	v3 =	vld @!p0 [tilespmem:$0x20]  }
0xaf: {  	v6 =	vld @!p0 [tilespmem:$0x10]  }
0xb0: {  	v4 =	vld @!p0 [tilespmem:$0x30]  }
0xb1: {  	v5 =	vld @!p0 [tilespmem:$0x40]  }
0xb2: {  	[tilespmem:$0x170] =	vst @!p0 v1;
	v1 =	vld @!p0 [tilespmem:$0x0]  }
0xb3: {  	[tilespmem:$0x180] =	vst @!p0 v2;
	v2 =	vadd.s32 @!p0 v0, v3;
	v3 =	vld @!p0 [tilespmem:$0x60]  }
0xb4: {  	v6 =	vadd.s32 @!p0 v0, v6;
	[tilespmem:$0x20] =	vst @!p0 v2  }
0xb5: {  	v2 =	vadd.s32 @!p0 v0, v4;
	v4 =	vld @!p0 [tilespmem:$0x50];
	[tilespmem:$0x10] =	vst @!p0 v6  }
0xb6: {  	[tilespmem:$0x30] =	vst @!p0 v2;
	v2 =	vadd.s32 @!p0 v0, v5;
	v5 =	vld @!p0 [tilespmem:$0x70]  }
0xb7: {  	[tilespmem:$0x40] =	vst @!p0 v2  }
0xb8: {  	v1 =	vadd.s32 @!p0 v0, v1;
	[tilespmem:$0x150] =	vst @!p0 v3  }
0xb9: {  	[tilespmem:$0x0] =	vst @!p0 v1  }
0xba: {  	[tilespmem:$0x140] =	vst @!p0 v4  }
0xbb: {  	s25 =	simm.s32 @!p0 $0x4;
	[tilespmem:$0x160] =	vst @!p0 v5  }
0xbc: {  	[tilespmem:s14], [sflag:$0x3] =	stream.indirect.gather @!p0 [hbm4b:s22+s15], $0x40, s24, s15, $0xb8;
	[tilespmem:$0xC9E0] =	vst v63  }
0xbd: {  	s23 =	sadd.s32 @!p0 $0x9E2, s23;
	s13 =	simm.s32 $0xFFFFF650;
	s14 =	simm.s32 $0xFFFFF664  }
.LBB2_2:
0xbe: {  	_ =	swait.ge @!p0 [sflag:s25], $0x1400;
	s24 =	smov.u32 s14;
	s14 =	sadd.s32 $0x14, s14  }
0xbf: {  	p1 =	sne.s32 s14, $0x0;
	[sflag:s25] =	ssyncset.done @!p0 $0x0  }
0xc0: {  	[sflag:s25] =	ssyncadd.s32 @!p0 $0xFFFFEC00;
	s25 =	simm.s32 @!p0 $0xA0  }
0xc1: {  	[tilespmem:s25], [sflag:$0x2] =	stream.strided.gather @!p0 [hbm4b:s23+s15], $0xA0, s17, s15, $0x38;
	[tilespmem:$0xC9E0] =	vst v63  }
0xc2: {  	_ = 	snop  }
0xc3: {  	[spmem:s19] =	stream.indirect.scatter.add.f32 [tilespmem:s9], [sflag:$0x5], $0x40, s11, s4, $0xb8;
	[tilespmem:$0xC9E0] =	vst v63  }
0xc4: {  	_ =	swait.ge [sflag:s3], $0x1400  }
0xc5: {  	[sflag:s3] =	ssyncset.done $0x0  }
0xc6: {  	[sflag:s3] =	ssyncadd.s32 $0xFFFFEC00  }
0xc7: {  	_ =	swait.ge [sflag:s8], $0xA0  }
0xc8: {  	[sflag:s8] =	ssyncset.done $0x0  }
0xc9: {  	[sflag:s8] =	ssyncadd.s32 $0xFFFFFF60  }
0xca: {  	v1 =	vld [tilespmem:$0xE0]  }
0xcb: {  	v2 =	vld [tilespmem:$0xC0]  }
0xcc: {  	v3 =	vld [tilespmem:$0xD0]  }
0xcd: {  	v4 =	vld [tilespmem:$0xA0]  }
0xce: {  	v5 =	vld [tilespmem:$0xB0]  }
0xcf: {  	v6 =	vld [tilespmem:$0x120];
	v1 =	vadd.s32 v0, v1  }
0xd0: {  	v7 =	vld [tilespmem:$0xF0];
	v2 =	vadd.s32 v0, v2;
	[tilespmem:$0xE0] =	vst v1  }
0xd1: {  	v1 =	vld [tilespmem:$0x100];
	[tilespmem:$0xC0] =	vst v2;
	v2 =	vadd.s32 v0, v3  }
0xd2: {  	v3 =	vadd.s32 v0, v4;
	v4 =	vld [tilespmem:$0x110];
	[tilespmem:$0xD0] =	vst v2  }
0xd3: {  	[tilespmem:$0xA0] =	vst v3;
	v2 =	vadd.s32 v0, v5;
	v3 =	vld [tilespmem:$0x130]  }
0xd4: {  	[tilespmem:$0xB0] =	vst v2  }
0xd5: {  	[tilespmem:$0x1C0] =	vst v6  }
0xd6: {  	[tilespmem:$0x1A0] =	vst v1  }
0xd7: {  	p0 =	seq.s32 s13, $0xFFFFFFEC;
	[tilespmem:$0x190] =	vst v7  }
0xd8: {  	s15 =	simm.s32 @p0 $0x50;
	s17 =	simm.s32 @p0 $0x140;
	s13 =	sadd.s32 @!p0 s13, s21;
	[tilespmem:$0x1B0] =	vst v4  }
0xd9: {  	s25 =	simm.s32 @p0 $0x1E0;
	s5 =	simm.s32 @p0 $0x5;
	s20 =	sadd.s32 @!p0 $0x9D8, s13;
	[tilespmem:$0x1D0] =	vst v3  }
0xda: {  	[tilespmem:s9], [sflag:$0x4] =	stream.indirect.gather [hbm4b:s22+s4], $0x40, s6, s4, $0xb8;
	[tilespmem:$0xC9E0] =	vst v63  }
0xdb: {  	s23 =	sadd.s32 @!p0 $0x9E2, s13;
	s13 =	smov.u32 s24;
	_ =	swait.ge [sflag:s10], $0x1400  }
0xdc: {  	[sflag:s10] =	ssyncset.done $0x0  }
0xdd: {  	s1 =	simm.s32 @p0 $0x4;
	[sflag:s10] =	ssyncadd.s32 $0xFFFFEC00  }
0xde: {  	[spmem:s19] =	stream.indirect.scatter.add.f32 @p0 [tilespmem:s25], [sflag:$0x5], $0x40, s17, s15, $0xb8;
	[tilespmem:$0xC9E0] =	vst v63  }
0xdf: {  	s15 =	simm.s32 @!p0 $0x50;
	_ =	swait.ge @p0 [sflag:s5], $0x1400  }
0xe0: {  	s24 =	simm.s32 @!p0 $0x0;
	s17 =	simm.s32 @!p0 $0x4E200;
	[sflag:s5] =	ssyncset.done @p0 $0x0  }
0xe1: {  	[sflag:s5] =	ssyncadd.s32 @p0 $0xFFFFEC00  }
0xe2: {  	_ =	swait.ge @p0 [sflag:s1], $0x1400  }
0xe3: {  	[sflag:s1] =	ssyncset.done @p0 $0x0  }
0xe4: {  	[sflag:s1] =	ssyncadd.s32 @p0 $0xFFFFEC00  }
0xe5: {  	[tilespmem:s24], [sflag:$0x1] =	stream.strided.gather @!p0 [hbm4b:s20+s15], $0xA0, s17, s15, $0x38;
	[tilespmem:$0xC9E0] =	vst v63  }
0xe6: {  	s5 =	simm.s32 @!p0 $0x1E0;
	s1 =	simm.s32 @!p0 $0x140;
	s20 =	simm.s32 @!p0 $0x5  }
0xe7: {  	[spmem:s19] =	stream.indirect.scatter.add.f32 @!p0 [tilespmem:s5], [sflag:$0x5], $0x40, s1, s15, $0xb8;
	[tilespmem:$0xC9E0] =	vst v63  }
0xe8: {  	_ =	swait.ge @!p0 [sflag:s20], $0x1400  }
0xe9: {  	[sflag:s20] =	ssyncset.done @!p0 $0x0  }
0xea: {  	s1 =	simm.s32 @!p0 $0x1;
	[sflag:s20] =	ssyncadd.s32 @!p0 $0xFFFFEC00  }
0xeb: {  	_ =	swait.ge @!p0 [sflag:s1], $0xA0  }
0xec: {  	[sflag:s1] =	ssyncset.done @!p0 $0x0  }
0xed: {  	[sflag:s1] =	ssyncadd.s32 @!p0 $0xFFFFFF60  }
0xee: {  	v1 =	vld @!p0 [tilespmem:$0x80]  }
0xef: {  	v2 =	vld @!p0 [tilespmem:$0x90]  }
0xf0: {  	v3 =	vld @!p0 [tilespmem:$0x20]  }
0xf1: {  	v4 =	vld @!p0 [tilespmem:$0x30]  }
0xf2: {  	v5 =	vld @!p0 [tilespmem:$0x40]  }
0xf3: {  	v6 =	vld @!p0 [tilespmem:$0x10];
	[tilespmem:$0x170] =	vst @!p0 v1  }
0xf4: {  	v1 =	vld @!p0 [tilespmem:$0x0];
	[tilespmem:$0x180] =	vst @!p0 v2  }
0xf5: {  	v2 =	vadd.s32 @!p0 v0, v3;
	v3 =	vld @!p0 [tilespmem:$0x70]  }
0xf6: {  	v7 =	vld @!p0 [tilespmem:$0x60];
	[tilespmem:$0x20] =	vst @!p0 v2;
	v2 =	vadd.s32 @!p0 v0, v4  }
0xf7: {  	v4 =	vld @!p0 [tilespmem:$0x50];
	[tilespmem:$0x30] =	vst @!p0 v2;
	v2 =	vadd.s32 @!p0 v0, v5  }
0xf8: {  	v5 =	vadd.s32 @!p0 v0, v6;
	[tilespmem:$0x40] =	vst @!p0 v2  }
0xf9: {  	v1 =	vadd.s32 @!p0 v0, v1;
	[tilespmem:$0x10] =	vst @!p0 v5  }
.Ltmp0:
0xfa: {  	[tilespmem:$0x0] =	vst @!p0 v1;
	(pc) =	sbr.rel @p1 .LBB2_2-.Ltmp0, $4  }
0xfb: {  	[tilespmem:$0x150] =	vst @!p0 v7  }
0xfc: {  	[tilespmem:$0x140] =	vst @!p0 v4  }
0xfd: {  	s25 =	simm.s32 @!p0 $0x4;
	[tilespmem:$0x160] =	vst @!p0 v3  }
0xfe: {  	[tilespmem:s5], [sflag:$0x3] =	stream.indirect.gather @!p0 [hbm4b:s22+s15], $0x40, s24, s15, $0xb8;
	[tilespmem:$0xC9E0] =	vst v63  }
0xff: {  	_ =	swait.ge @!p0 [sflag:s25], $0x1400  }
0x100: {  	[sflag:s25] =	ssyncset.done @!p0 $0x0  }
0x101: {  	s1 =	simm.s32 @!p0 $0xA0;
	[sflag:s25] =	ssyncadd.s32 @!p0 $0xFFFFEC00  }
0x102: {  	[tilespmem:s1], [sflag:$0x2] =	stream.strided.gather @!p0 [hbm4b:s23+s15], $0xA0, s17, s15, $0x38;
	[tilespmem:$0xC9E0] =	vst v63  }
0x103: {  	_ = 	snop  }
0x104: {  	[spmem:s19] =	stream.indirect.scatter.add.f32 [tilespmem:s9], [sflag:$0x5], $0x40, s11, s4, $0xb8;
	[tilespmem:$0xC9E0] =	vst v63  }
0x105: {  	_ =	swait.ge [sflag:s3], $0x1400  }
0x106: {  	[sflag:s3] =	ssyncset.done $0x0  }
0x107: {  	[sflag:s3] =	ssyncadd.s32 $0xFFFFEC00  }
0x108: {  	_ =	swait.ge [sflag:s8], $0xA0  }
0x109: {  	[sflag:s8] =	ssyncset.done $0x0  }
0x10a: {  	[sflag:s8] =	ssyncadd.s32 $0xFFFFFF60  }
0x10b: {  	v1 =	vld [tilespmem:$0xE0]  }
0x10c: {  	v6 =	vld [tilespmem:$0x120]  }
0x10d: {  	v63 =	vld [tilespmem:$0x130]  }
0x10e: {  	v2 =	vld [tilespmem:$0xC0]  }
0x10f: {  	v3 =	vld [tilespmem:$0xD0]  }
0x110: {  	v4 =	vld [tilespmem:$0xA0]  }
0x111: {  	v5 =	vld [tilespmem:$0xB0];
	[tilespmem:$0x1C0] =	vst v6  }
0x112: {  	v1 =	vadd.s32 v0, v1;
	[tilespmem:$0x1D0] =	vst v63  }
0x113: {  	v2 =	vadd.s32 v0, v2;
	[tilespmem:$0xE0] =	vst v1;
	v1 =	vld [tilespmem:$0x100]  }
0x114: {  	[tilespmem:$0xC0] =	vst v2;
	v2 =	vadd.s32 v0, v3;
	v3 =	vld [tilespmem:$0xF0]  }
0x115: {  	v4 =	vadd.s32 v0, v4;
	[tilespmem:$0xD0] =	vst v2;
	v2 =	vld [tilespmem:$0x110]  }
0x116: {  	v62 =	vadd.s32 v0, v5;
	[tilespmem:$0xA0] =	vst v4  }
0x117: {  	[tilespmem:$0xB0] =	vst v62  }
0x118: {  	[tilespmem:$0x1A0] =	vst v1  }
0x119: {  	[tilespmem:$0x190] =	vst v3  }
0x11a: {  	[tilespmem:$0x1B0] =	vst v2  }
0x11b: {  	[tilespmem:s9], [sflag:$0x4] =	stream.indirect.gather [hbm4b:s22+s4], $0x40, s6, s4, $0xb8;
	[tilespmem:$0xC9E0] =	vst v63  }
0x11c: {  	p0 =	seq.s32 s13, $0xFFFFFFEC;
	_ =	swait.ge [sflag:s10], $0x1400  }
0x11d: {  	s1 =	simm.s32 @p0 $0x50;
	s5 =	simm.s32 @p0 $0x140;
	[sflag:s10] =	ssyncset.done $0x0  }
0x11e: {  	s14 =	simm.s32 @p0 $0x1E0;
	s15 =	simm.s32 @p0 $0x5;
	[sflag:s10] =	ssyncadd.s32 $0xFFFFEC00  }
0x11f: {  	[spmem:s19] =	stream.indirect.scatter.add.f32 @p0 [tilespmem:s14], [sflag:$0x5], $0x40, s5, s1, $0xb8;
	[tilespmem:$0xC9E0] =	vst v63  }
0x120: {  	_ =	swait.ge @p0 [sflag:s15], $0x1400  }
0x121: {  	[sflag:s15] =	ssyncset.done @p0 $0x0  }
0x122: {  	s1 =	simm.s32 @p0 $0x4;
	[sflag:s15] =	ssyncadd.s32 @p0 $0xFFFFEC00  }
0x123: {  	s17 =	simm.s32 @!p0 $0x0;
	_ =	swait.ge @p0 [sflag:s1], $0x1400  }
0x124: {  	s5 =	sadd.s32 @!p0 s13, s21;
	s14 =	simm.s32 @!p0 $0x50;
	[sflag:s1] =	ssyncset.done @p0 $0x0  }
0x125: {  	s13 =	sadd.s32 @!p0 $0x9D8, s5;
	s15 =	simm.s32 @!p0 $0x4E200;
	[sflag:s1] =	ssyncadd.s32 @p0 $0xFFFFEC00  }
0x126: {  	[tilespmem:s17], [sflag:$0x1] =	stream.strided.gather @!p0 [hbm4b:s13+s14], $0xA0, s15, s14, $0x38;
	[tilespmem:$0xC9E0] =	vst v63  }
0x127: {  	s1 =	simm.s32 @!p0 $0x140;
	s13 =	simm.s32 @!p0 $0x1E0  }
0x128: {  	[spmem:s19] =	stream.indirect.scatter.add.f32 @!p0 [tilespmem:s13], [sflag:$0x5], $0x40, s1, s14, $0xb8;
	[tilespmem:$0xC9E0] =	vst v63  }
0x129: {  	s1 =	simm.s32 @!p0 $0x5  }
0x12a: {  	_ =	swait.ge @!p0 [sflag:s1], $0x1400  }
0x12b: {  	[sflag:s1] =	ssyncset.done @!p0 $0x0  }
0x12c: {  	[sflag:s1] =	ssyncadd.s32 @!p0 $0xFFFFEC00;
	s1 =	simm.s32 @!p0 $0x1  }
0x12d: {  	_ =	swait.ge @!p0 [sflag:s1], $0xA0  }
0x12e: {  	[sflag:s1] =	ssyncset.done @!p0 $0x0  }
0x12f: {  	[sflag:s1] =	ssyncadd.s32 @!p0 $0xFFFFFF60  }
0x130: {  	v1 =	vld @!p0 [tilespmem:$0x80]  }
0x131: {  	v2 =	vld @!p0 [tilespmem:$0x90]  }
0x132: {  	v3 =	vld @!p0 [tilespmem:$0x20]  }
0x133: {  	v6 =	vld @!p0 [tilespmem:$0x10]  }
0x134: {  	v4 =	vld @!p0 [tilespmem:$0x30]  }
0x135: {  	v5 =	vld @!p0 [tilespmem:$0x40]  }
0x136: {  	[tilespmem:$0x170] =	vst @!p0 v1;
	v1 =	vld @!p0 [tilespmem:$0x0]  }
0x137: {  	[tilespmem:$0x180] =	vst @!p0 v2;
	v2 =	vadd.s32 @!p0 v0, v3;
	v3 =	vld @!p0 [tilespmem:$0x60]  }
0x138: {  	v6 =	vadd.s32 @!p0 v0, v6;
	[tilespmem:$0x20] =	vst @!p0 v2  }
0x139: {  	v2 =	vadd.s32 @!p0 v0, v4;
	v4 =	vld @!p0 [tilespmem:$0x50];
	[tilespmem:$0x10] =	vst @!p0 v6  }
0x13a: {  	[tilespmem:$0x30] =	vst @!p0 v2;
	v2 =	vadd.s32 @!p0 v0, v5;
	v5 =	vld @!p0 [tilespmem:$0x70]  }
0x13b: {  	[tilespmem:$0x40] =	vst @!p0 v2  }
0x13c: {  	v1 =	vadd.s32 @!p0 v0, v1;
	[tilespmem:$0x150] =	vst @!p0 v3  }
0x13d: {  	[tilespmem:$0x0] =	vst @!p0 v1  }
0x13e: {  	[tilespmem:$0x140] =	vst @!p0 v4  }
0x13f: {  	s1 =	simm.s32 @!p0 $0x4;
	[tilespmem:$0x160] =	vst @!p0 v5  }
0x140: {  	[tilespmem:s13], [sflag:$0x3] =	stream.indirect.gather @!p0 [hbm4b:s22+s14], $0x40, s17, s14, $0xb8;
	[tilespmem:$0xC9E0] =	vst v63  }
0x141: {  	_ =	swait.ge @!p0 [sflag:s1], $0x1400  }
0x142: {  	[sflag:s1] =	ssyncset.done @!p0 $0x0  }
0x143: {  	s5 =	sadd.s32 @!p0 $0x9E2, s5;
	[sflag:s1] =	ssyncadd.s32 @!p0 $0xFFFFEC00;
	s1 =	simm.s32 @!p0 $0xA0  }
0x144: {  	[tilespmem:s1], [sflag:$0x2] =	stream.strided.gather @!p0 [hbm4b:s5+s14], $0xA0, s15, s14, $0x38;
	[tilespmem:$0xC9E0] =	vst v63  }
0x145: {  	_ = 	snop  }
0x146: {  	[spmem:s19] =	stream.indirect.scatter.add.f32 [tilespmem:s9], [sflag:$0x5], $0x40, s11, s4, $0xb8;
	[tilespmem:$0xC9E0] =	vst v63  }
0x147: {  	_ =	swait.ge [sflag:s3], $0x1400  }
0x148: {  	[sflag:s3] =	ssyncset.done $0x0  }
0x149: {  	[sflag:s3] =	ssyncadd.s32 $0xFFFFEC00  }
0x14a: {  	[bflag:$0x0] =	sbarrier.arrive $0xFFFF  }
0x14b: {  	s25 =	rddreg [dreg:$0x14]  }
0x14c: {  	[tilespmem:s2], [sflag:$0x5] =	stream.linear.gather [spmem:s25], $0x1400, $0x38;
	[tilespmem:$0xC9E0] =	vst v63  }
0x14d: {  	_ =	swait.ge [sflag:s3], $0x1400  }
0x14e: {  	[sflag:s3] =	ssyncset.done $0x0  }
0x14f: {  	s5 =	rddreg [dreg:$0xb];
	[sflag:s3] =	ssyncadd.s32 $0xFFFFEC00  }
0x150: {  	[hbm4b:s5+s16] =	stream.linear.scatter [tilespmem:s2], [sflag:$0x5], $0x1400, $0x38;
	[tilespmem:$0xC9E0] =	vst v63  }
0x151: {  	_ =	swait.ge [sflag:s3], $0x1400  }
0x152: {  	[sflag:s3] =	ssyncset.done $0x0  }
0x153: {  	[sflag:s3] =	ssyncadd.s32 $0xFFFFEC00  }
0x154: {  	[tilespmem:s2], [sflag:$0x5] =	stream.linear.gather [spmem:s26], $0x1400, $0x38;
	[tilespmem:$0xC9E0] =	vst v63  }
0x155: {  	_ =	swait.ge [sflag:s3], $0x1400  }
0x156: {  	[sflag:s3] =	ssyncset.done $0x0  }
0x157: {  	s13 =	rddreg [dreg:$0xc];
	[sflag:s3] =	ssyncadd.s32 $0xFFFFEC00  }
0x158: {  	[hbm4b:s13+s16] =	stream.linear.scatter [tilespmem:s2], [sflag:$0x5], $0x1400, $0x38;
	[tilespmem:$0xC9E0] =	vst v63  }
0x159: {  	_ =	swait.ge [sflag:s3], $0x1400  }
0x15a: {  	[sflag:s3] =	ssyncset.done $0x0  }
0x15b: {  	[sflag:s3] =	ssyncadd.s32 $0xFFFFEC00  }
0x15c: {  	[tilespmem:s2], [sflag:$0x5] =	stream.linear.gather [spmem:s28], $0x1400, $0x38;
	[tilespmem:$0xC9E0] =	vst v63  }
0x15d: {  	_ =	swait.ge [sflag:s3], $0x1400  }
0x15e: {  	[sflag:s3] =	ssyncset.done $0x0  }
0x15f: {  	s14 =	rddreg [dreg:$0xd];
	[sflag:s3] =	ssyncadd.s32 $0xFFFFEC00  }
0x160: {  	[hbm4b:s14+s16] =	stream.linear.scatter [tilespmem:s2], [sflag:$0x5], $0x1400, $0x38;
	[tilespmem:$0xC9E0] =	vst v63  }
0x161: {  	_ =	swait.ge [sflag:s3], $0x1400  }
0x162: {  	[sflag:s3] =	ssyncset.done $0x0  }
0x163: {  	[sflag:s3] =	ssyncadd.s32 $0xFFFFEC00  }
0x164: {  	[tilespmem:s2], [sflag:$0x5] =	stream.linear.gather [spmem:s29], $0x1400, $0x38;
	[tilespmem:$0xC9E0] =	vst v63  }
0x165: {  	_ =	swait.ge [sflag:s3], $0x1400  }
0x166: {  	[sflag:s3] =	ssyncset.done $0x0  }
0x167: {  	s15 =	rddreg [dreg:$0xe];
	[sflag:s3] =	ssyncadd.s32 $0xFFFFEC00  }
0x168: {  	[hbm4b:s15+s16] =	stream.linear.scatter [tilespmem:s2], [sflag:$0x5], $0x1400, $0x38;
	[tilespmem:$0xC9E0] =	vst v63  }
0x169: {  	_ =	swait.ge [sflag:s3], $0x1400  }
0x16a: {  	[sflag:s3] =	ssyncset.done $0x0  }
0x16b: {  	[sflag:s3] =	ssyncadd.s32 $0xFFFFEC00  }
0x16c: {  	[tilespmem:s2], [sflag:$0x5] =	stream.linear.gather [spmem:s30], $0x1400, $0x38;
	[tilespmem:$0xC9E0] =	vst v63  }
0x16d: {  	_ =	swait.ge [sflag:s3], $0x1400  }
0x16e: {  	[sflag:s3] =	ssyncset.done $0x0  }
0x16f: {  	s17 =	rddreg [dreg:$0xf];
	[sflag:s3] =	ssyncadd.s32 $0xFFFFEC00  }
0x170: {  	[hbm4b:s17+s16] =	stream.linear.scatter [tilespmem:s2], [sflag:$0x5], $0x1400, $0x38;
	[tilespmem:$0xC9E0] =	vst v63  }
0x171: {  	_ =	swait.ge [sflag:s3], $0x1400  }
0x172: {  	[sflag:s3] =	ssyncset.done $0x0  }
0x173: {  	[sflag:s3] =	ssyncadd.s32 $0xFFFFEC00  }
0x174: {  	[tilespmem:s2], [sflag:$0x5] =	stream.linear.gather [spmem:s31], $0x1400, $0x38;
	[tilespmem:$0xC9E0] =	vst v63  }
0x175: {  	_ =	swait.ge [sflag:s3], $0x1400  }
0x176: {  	[sflag:s3] =	ssyncset.done $0x0  }
0x177: {  	s20 =	rddreg [dreg:$0x10];
	[sflag:s3] =	ssyncadd.s32 $0xFFFFEC00  }
0x178: {  	[hbm4b:s20+s16] =	stream.linear.scatter [tilespmem:s2], [sflag:$0x5], $0x1400, $0x38;
	[tilespmem:$0xC9E0] =	vst v63  }
0x179: {  	_ =	swait.ge [sflag:s3], $0x1400  }
0x17a: {  	[sflag:s3] =	ssyncset.done $0x0  }
0x17b: {  	[sflag:s3] =	ssyncadd.s32 $0xFFFFEC00  }
0x17c: {  	[tilespmem:s2], [sflag:$0x5] =	stream.linear.gather [spmem:s18], $0x1400, $0x38;
	[tilespmem:$0xC9E0] =	vst v63  }
0x17d: {  	_ =	swait.ge [sflag:s3], $0x1400  }
0x17e: {  	[sflag:s3] =	ssyncset.done $0x0  }
0x17f: {  	s23 =	rddreg [dreg:$0x11];
	[sflag:s3] =	ssyncadd.s32 $0xFFFFEC00  }
0x180: {  	[hbm4b:s23+s16] =	stream.linear.scatter [tilespmem:s2], [sflag:$0x5], $0x1400, $0x38;
	[tilespmem:$0xC9E0] =	vst v63  }
0x181: {  	_ =	swait.ge [sflag:s3], $0x1400  }
0x182: {  	[sflag:s3] =	ssyncset.done $0x0  }
0x183: {  	[sflag:s3] =	ssyncadd.s32 $0xFFFFEC00  }
0x184: {  	[tilespmem:s2], [sflag:$0x5] =	stream.linear.gather [spmem:s0], $0x1400, $0x38;
	[tilespmem:$0xC9E0] =	vst v63  }
0x185: {  	_ =	swait.ge [sflag:s3], $0x1400  }
0x186: {  	[sflag:s3] =	ssyncset.done $0x0  }
0x187: {  	s24 =	rddreg [dreg:$0x12];
	[sflag:s3] =	ssyncadd.s32 $0xFFFFEC00  }
0x188: {  	[hbm4b:s24+s16] =	stream.linear.scatter [tilespmem:s2], [sflag:$0x5], $0x1400, $0x38;
	[tilespmem:$0xC9E0] =	vst v63  }
0x189: {  	_ =	swait.ge [sflag:s3], $0x1400  }
0x18a: {  	s12 =	sadd.s32 $0x1, s12;
	s25 =	rddreg [dreg:$0x15]  }
0x18b: {  	p0 =	sne.s32 s12, s25  }
.Ltmp1:
0x18c: {  	_ = 	snop;
	(pc) =	sbr.rel @p0 .LBB2_1-.Ltmp1, $3  }
0x18d: {  	_ =	sdelay $0x1  }
0x18e: {  	[sflag:s3] =	ssyncset.done $0x0  }
0x18f: {  	[sflag:s3] =	ssyncadd.s32 $0xFFFFEC00  }
0x190: {  	_ =	sfence.sel $0x180000  }
0x191: {  	[bflag:$0x0] =	sbarrier.arrive $0xFFFF  }
0x192: {  	_ =	strace $0x90000047  }
0x193: {  	s0 =	stileid.u32;
	[bflag:$0x2] =	sbarrier.arrive $0xFFFF  }
0x194: {  	p0 =	sne.s32 s0, $0x0;
	s0 =	rddreg [dreg:$0x2]  }
0x195: {  	s0 =	sadd.s32 @!p0 $0x100000, s0  }
0x196: {  	[sflag:s0] =	ssyncadd.tile.s32 @!p0 $0x1;
	_ =	shalt  }
.Lfunc_end2:
_tile_overlayer_lowered:
.L_overlay_start_2:
0x197: {  	(tag) =	ssettag $0x2  }
0x198: {  	s0 =	rddreg [dreg:$0x0];
	s2 =	stileid.u32  }
0x199: {  	s1 =	rddreg [dreg:$0x1];
	p0 =	sne.s32 s2, $0x0  }
0x19a: {  	s3 =	rddreg [dreg:$0x2];
	[bflag:$0x3] =	sbarrier.arrive $0xFFFF;
	s2 =	simm.s32 @!p0 $0x1C05  }
0x19b: {  	[timem:s3], [sflag:s2] =	dma.local @!p0 [hbm:s0], s1  }
0x19c: {  	s0 =	simm.s32 @!p0 $0x5  }
0x19d: {  	_ =	swait.ge @!p0 [sflag:s0], s1  }
0x19e: {  	s1 =	ssub.s32 @!p0 $0x0, s1;
	[sflag:s0] =	ssyncset.done @!p0 $0x0  }
0x19f: {  	[sflag:s0] =	ssyncadd.s32 @!p0 s1  }
0x1a0: {  	[bflag:$0x3] =	sbarrier.arrive $0xFFFF  }
0x1a1: {  	_ =	shalt  }

// kernel: kernel.14.cloned.1.call-start
scs
__scs_entry_jumppad:
0x0: {  	(pc) =	sbr.rel $0x88, $3  }
0x1: {  	(tag) =	ssettag $0x0;
	lr =	simm.s32 $0x1  }
0x2: {  	[smem:$0x3F97] =	sst lr;
	_ =	strace $0xD0000000  }
0x3: {  	_ = 	snop  }
0x4: {  	_ = 	snop  }
0x5: {  	_ = 	snop  }
0x6: {  	_ = 	snop  }
0x7: {  	_ = 	snop  }
__scs_overlays_trampoline_lowered:
0x8: {  	[smem:$0x3FA6] =	sst s0  }
0x9: {  	[smem:$0x3FA7] =	sst s1  }
0xa: {  	[smem:$0x3FA8] =	sst s2  }
0xb: {  	[smem:$0x3FA9] =	sst s3  }
0xc: {  	[smem:$0x3FAA] =	sst s4  }
0xd: {  	[smem:$0x3FAB] =	sst s5  }
0xe: {  	[smem:$0x3FAC] =	sst s6  }
0xf: {  	[smem:$0x3FAD] =	sst s7  }
0x10: {  	[smem:$0x3FAE] =	sst s8  }
0x11: {  	[smem:$0x3FAF] =	sst s9;
	s0 =	simm.s32 @!p0 $0x0  }
0x12: {  	s1 =	sld [smem:$0x3F95];
	s0 =	simm.s32 @p0 $0x1  }
0x13: {  	[smem:$0x3FB0] =	sst s0;
	s0 =	simm.s32 @!p1 $0x0  }
0x14: {  	s2 =	sld [smem:$0x3F94];
	s0 =	simm.s32 @p1 $0x1  }
0x15: {  	[smem:$0x3FB1] =	sst s0;
	s0 =	simm.s32 @!p2 $0x0  }
0x16: {  	s3 =	sld [smem:$0x3FDB];
	s0 =	simm.s32 @p2 $0x1  }
0x17: {  	s4 =	simm.s32 $0x1BF5;
	[smem:$0x3FB3] =	sst s0  }
0x18: {  	s0 =	sld [smem:$0x3F96];
	_ =	swait.ge [sflag:s4], $0x0  }
0x19: {  	s7 =	sld [smem:$0x3F97]  }
0x1a: {  	s8 =	sadd.s32 $0xFFFFE003, lr  }
0x1b: {  	s9 =	sadd.s32 $0xFFFFFEF7, lr;
	s5 =	simm.s32 $0xFFFFFFFF;
	p2 =	slt.u32 s8, $0xFFFFF086  }
0x1c: {  	p1 =	slt.u32 s9, $0xF7A;
	s5 =	simm.s32 @!p2 $0x0  }
0x1d: {  	s5 =	simm.s32 @p1 $0x1;
	p0 =	seq.s32 s7, s2  }
0x1e: {  	s7 =	smul.u32 @!p0 $0xF7A, s2;
	p2 =	seq.s32 @!p0 s5, $0x0  }
0x1f: {  	s9 =	smul.u32 $0xF7A, s1;
	s8 =	simm.s32 @!p0 $0x1BF5;
	p2 =	por !p2, p0  }
0x20: {  	[sflag:s8] =	ssyncset.s32 @!p0 $0xFFFFF086;
	s6 =	sadd.s32 @!p0 s3, s7;
	s7 =	simm.s32 @!p0 $0x108  }
0x21: {  	s3 =	sadd.s32 s3, s9;
	s6 =	sadd.s32 @!p0 $0x88, s6;
	s7 =	simm.s32 @p2 $0x1082  }
0x22: {  	[simem:s7], [sflag:s8] =	dma.local @!p0 [hbm:s6], $0xF7A  }
0x23: {  	s9 =	sor.u32 $0xD0000000, s2;
	s6 =	simm.s32 $0x108;
	_ =	swait.ge @!p0 [sflag:s8], $0x0  }
0x24: {  	s3 =	sadd.s32 $0x88, s3;
	s6 =	simm.s32 @!p1 $0x1082;
	[sflag:s4] =	ssyncset.s32 $0xFFFFF086  }
0x25: {  	[simem:s6], [sflag:s4] =	dma.local [hbm:s3], $0xF7A  }
0x26: {  	[smem:$0x3F97] =	sst s1;
	(tag) =	ssettag s2;
	_ =	strace s9  }
0x27: {  	s1 =	sld [smem:$0x3FA7]  }
0x28: {  	s2 =	sld [smem:$0x3FA8]  }
0x29: {  	s4 =	sld [smem:$0x3FAA]  }
0x2a: {  	p0 =	seq.s32 s5, $0x0;
	s5 =	sld [smem:$0x3FAB]  }
0x2b: {  	s6 =	sld [smem:$0x3FAC]  }
0x2c: {  	s7 =	sld [smem:$0x3FAD]  }
0x2d: {  	s3 =	simm.s32 $0x108;
	s8 =	sld [smem:$0x3FAE]  }
0x2e: {  	s3 =	simm.s32 @!p0 $0x1082;
	s9 =	sld [smem:$0x3FAF]  }
0x2f: {  	lr =	sadd.s32 s0, s3;
	s0 =	sld [smem:$0x3FA6]  }
0x30: {  	s3 =	sld [smem:$0x3FA9]  }
0x31: {  	[smem:$0x3FB2] =	sst s10  }
0x32: {  	s10 =	sld [smem:$0x3FB0];
	_ =	sdelay $0x3  }
0x33: {  	p0 =	seq.s32 s10, $0x1;
	s10 =	sld [smem:$0x3FB2];
	_ =	sdelay $0x3  }
0x34: {  	[smem:$0x3FB2] =	sst s10  }
0x35: {  	s10 =	sld [smem:$0x3FB1];
	_ =	sdelay $0x3  }
0x36: {  	p1 =	seq.s32 s10, $0x1;
	s10 =	sld [smem:$0x3FB2];
	_ =	sdelay $0x3  }
0x37: {  	[smem:$0x3FB2] =	sst s10  }
0x38: {  	s10 =	sld [smem:$0x3FB3]  }
0x39: {  	_ = 	snop;
	(pc) =	sbr.ind lr, $3  }
0x3a: {  	_ = 	snop  }
0x3b: {  	_ = 	snop  }
0x3c: {  	p2 =	seq.s32 s10, $0x1;
	s10 =	sld [smem:$0x3FB2]  }
0x3d: {  	_ =	shalt  }
0x3e: {  	_ =	shalt  }
0x3f: {  	_ =	shalt  }
0x40: {  	_ =	shalt  }
0x41: {  	_ =	shalt  }
0x42: {  	_ =	shalt  }
0x43: {  	_ =	shalt  }
0x44: {  	_ =	shalt  }
0x45: {  	_ =	shalt  }
0x46: {  	_ =	shalt  }
0x47: {  	_ =	shalt  }
0x48: {  	_ =	shalt  }
0x49: {  	_ =	shalt  }
0x4a: {  	_ =	shalt  }
0x4b: {  	_ =	shalt  }
0x4c: {  	_ =	shalt  }
0x4d: {  	_ =	shalt  }
0x4e: {  	_ =	shalt  }
0x4f: {  	_ =	shalt  }
0x50: {  	_ =	shalt  }
0x51: {  	_ =	shalt  }
0x52: {  	_ =	shalt  }
0x53: {  	_ =	shalt  }
0x54: {  	_ =	shalt  }
0x55: {  	_ =	shalt  }
0x56: {  	_ =	shalt  }
0x57: {  	_ =	shalt  }
0x58: {  	_ =	shalt  }
0x59: {  	_ =	shalt  }
0x5a: {  	_ =	shalt  }
0x5b: {  	_ =	shalt  }
0x5c: {  	_ =	shalt  }
0x5d: {  	_ =	shalt  }
0x5e: {  	_ =	shalt  }
0x5f: {  	_ =	shalt  }
0x60: {  	_ =	shalt  }
0x61: {  	_ =	shalt  }
0x62: {  	_ =	shalt  }
0x63: {  	_ =	shalt  }
0x64: {  	_ =	shalt  }
0x65: {  	_ =	shalt  }
0x66: {  	_ =	shalt  }
0x67: {  	_ =	shalt  }
0x68: {  	_ =	shalt  }
0x69: {  	_ =	shalt  }
0x6a: {  	_ =	shalt  }
0x6b: {  	_ =	shalt  }
0x6c: {  	_ =	shalt  }
0x6d: {  	_ =	shalt  }
0x6e: {  	_ =	shalt  }
0x6f: {  	_ =	shalt  }
0x70: {  	_ =	shalt  }
0x71: {  	_ =	shalt  }
0x72: {  	_ =	shalt  }
0x73: {  	_ =	shalt  }
0x74: {  	_ =	shalt  }
0x75: {  	_ =	shalt  }
0x76: {  	_ =	shalt  }
0x77: {  	_ =	shalt  }
0x78: {  	_ =	shalt  }
0x79: {  	_ =	shalt  }
0x7a: {  	_ =	shalt  }
0x7b: {  	_ =	shalt  }
0x7c: {  	_ =	shalt  }
0x7d: {  	_ =	shalt  }
0x7e: {  	_ =	shalt  }
0x7f: {  	_ =	shalt  }
0x80: {  	_ =	shalt  }
0x81: {  	_ =	shalt  }
0x82: {  	_ =	shalt  }
0x83: {  	_ =	shalt  }
0x84: {  	_ =	shalt  }
0x85: {  	_ =	shalt  }
0x86: {  	_ =	shalt  }
0x87: {  	_ =	shalt  }
.Lfunc_end0:
.L_simem_size_0:
called_computation.2_lowered:
.L_overlay_start_0:
0x88: {  	s2 =	sld [smem:$0x3FD9]  }
0x89: {  	s3 =	sld [smem:$0x3FFE];
	_ =	sdelay $0x1  }
0x8a: {  	s1 =	srdreg.scid  }
0x8b: {  	s0 =	sand.u32 $0x1, s1  }
0x8c: {  	s16 =	sshll.u32 s0, $0xA;
	s2 =	sadd.s32 s3, s2  }
0x8d: {  	s2 =	sadd.s32 s2, s16  }
0x8e: {  	[smem:$0x3FBE] =	sst s2  }
0x8f: {  	_ = 	snop  }
0x90: {  	(tm) =	ssettm $0x1  }
0x91: {  	s17 =	sld [smem:$0x3FFB];
	_ =	sdelay $0x3  }
0x92: {  	_ =	strace s17  }
0x93: {  	s2 =	sld [smem:$0x3FFC];
	_ =	sdelay $0x3  }
0x94: {  	_ =	strace s2  }
0x95: {  	s2 =	sld [smem:$0x3FFD];
	_ =	sdelay $0x3  }
0x96: {  	_ =	strace s2  }
0x97: {  	_ =	strace $0x8FFFFFFF  }
0x98: {  	s18 =	sld [smem:$0x3FDB];
	_ =	sdelay $0x1  }
0x99: {  	s19 =	simm.s32 $_scs_section_size  }
0x9a: {  	s4 =	simm.s32 $_size__tile_overlayer_lowered;
	s5 =	simm.s32 $_tile_overlayer_lowered  }
0x9b: {  	s22 =	simm.s32 $0x1BFF;
	s21 =	sshll.u32 s5, $0x1;
	s2 =	sadd.s32 s19, s18  }
0x9c: {  	s6 =	simm.s32 $0x0;
	s20 =	sshll.u32 s4, $0x1;
	s4 =	sadd.s32 s21, s2  }
0x9d: {  	[timem:s6], [sflag:s22] =	dma.local [hbm:s4], s20  }
0x9e: {  	_ =	swait.ge [sflag:s22], s20  }
0x9f: {  	s3 =	ssub.s32 $0x0, s20;
	[sflag:s22] =	ssyncset.done $0x0  }
0xa0: {  	[sflag:s22] =	ssyncadd.s32 s3;
	_ =	sdelay $0x1  }
0xa1: {  	s23 =	simm.s32 $0x1B8B  }
0xa2: {  	_ =	swait.ge [sflag:s23], $0x1  }
0xa3: {  	[sflag:s23] =	ssyncset.done $0x0  }
0xa4: {  	s25 =	simm.s32 $0x1B8E;
	s24 =	sld [smem:$0x3FFE];
	[sflag:s23] =	ssyncadd.s32 $0xFFFFFFFF  }
0xa5: {  	s26 =	simm.s32 $execute0_lowered;
	[smem:$0x3FD2] =	sst s25  }
0xa6: {  	s4 =	sshll.u32 s26, $0x1;
	_ =	strace $0x8000004C;
	[dreg:$0x1] =	wrdreg $0xFFFFFFFF  }
0xa7: {  	s28 =	simm.s32 $_size_execute0_lowered;
	s2 =	sadd.s32 s2, s4;
	[dreg:$0x0] =	wrdreg $0x0  }
0xa8: {  	s4 =	sshll.u32 s28, $0x1;
	[dreg:$0x2] =	wrdreg s2  }
0xa9: {  	[dreg:$0x3] =	wrdreg s4  }
0xaa: {  	[dreg:$0x4] =	wrdreg $0xC0  }
0xab: {  	_ =	task [dreg:s6], $0x5FFFF  }
0xac: {  	[dreg:$0x1] =	wrdreg $0xFFFFFFFF  }
0xad: {  	[dreg:$0x0] =	wrdreg $0x60  }
0xae: {  	[dreg:$0x2] =	wrdreg s24  }
0xaf: {  	[dreg:$0x3] =	wrdreg $0xBE00  }
0xb0: {  	[dreg:$0x4] =	wrdreg $0x9  }
0xb1: {  	_ =	task.clear_ibuf [dreg:s6], $0x5FFFF;
	_ =	strace $0x9000004C  }
0xb2: {  	s29 =	simm.s32 $0x9;
	_ =	strace $0x8000004E  }
0xb3: {  	_ =	swait.ge [sflag:s29], $0x1  }
0xb4: {  	[sflag:s29] =	ssyncadd.s32 $0xFFFFFFFF  }
0xb5: {  	_ =	strace $0x9000004E  }
0xb6: {  	_ =	sfence  }
0xb7: {  	s30 =	sld [smem:$0x0];
	_ =	sdelay $0x2  }
0xb8: {  	s31 =	sshll.u32 s1, $0xD;
	s1 =	sshrl.u32 s1, $0x2  }
0xb9: {  	s3 =	sand.u32 $0x4000, s31;
	s1 =	sadd.s32 s1, s30  }
0xba: {  	s0 =	sor.u32 s3, s0;
	s1 =	sshll.u32 s1, $0x11  }
0xbb: {  	s0 =	sor.u32 s1, s0  }
0xbc: {  	s0 =	sadd.s32 $0x8F2B, s0  }
0xbd: {  	[sflag:s0] =	ssyncadd.remote.s32 $0x1  }
0xbe: {  	_ =	sfence.sel $0xFFFF  }
0xbf: {  	[dreg:$0x0] =	wrdreg $0xFFFFFFFF;
	(pc) =	sbr.abs _section_cstart, $3  }
0xc0: {  	[dreg:$0x1] =	wrdreg $0xFFFFFFFF  }
0xc1: {  	_ =	task.clear_ibuf [dreg:s6], $0x2FFFF;
	_ =	strace $0x9FFFFFFF  }
0xc2: {  	(tm) =	ssettm $0x7FFFFFFF  }
0xc3: {  	_ =	shalt  }
tec
execute0_lowered:
.L_overlay_start_1:
0x0: {  	(tag) =	ssettag $0x1  }
0x1: {  	s0 =	srdreg.scid;
	s17 =	stileid.u32  }
0x2: {  	s3 =	sand.u32 $0x1, s0;
	s6 =	smul.u32 $0x280, s17  }
0x3: {  	s0 =	rddreg [dreg:$0x0];
	s5 =	smul.u32 $0x500, s17;
	s1 =	sshll.u32 s3, $0x4  }
0x4: {  	s7 =	sadd.s32 $0x83A00, s0;
	s2 =	ssub.s32 $0x2, s3;
	s9 =	smul.u32 $0x28000, s3  }
0x5: {  	s8 =	sadd.s32 $0x65C00, s0;
	s3 =	smul.u32 $0x27100, s3;
	s1 =	sor.u32 s17, s1  }
0x6: {  	s12 =	sshrl.u32 s2, $0x1;
	s10 =	sor.u32 $0x50, s6;
	s5 =	sadd.s32 s7, s5  }
0x7: {  	s16 =	sadd.s32 $0xF0, s6;
	s21 =	sadd.s32 $0x1E0, s6;
	s4 =	smul.u32 $0x2710, s1  }
0x8: {  	s1 =	ssub.s32 s2, s12;
	s2 =	smul.u32 $0x2800, s17;
	s11 =	sshll.u32 s10, $0x1  }
0x9: {  	s12 =	sadd.s32 $0xA0, s6;
	[dreg:$0x3] =	wrdreg s5;
	s5 =	sshll.u32 s10, $0x4  }
0xa: {  	s18 =	sshll.u32 s16, $0x1;
	s10 =	sshll.u32 s16, $0x4;
	s13 =	sadd.s32 s7, s11  }
0xb: {  	s14 =	sshll.u32 s12, $0x1;
	s11 =	sshll.u32 s12, $0x4;
	s12 =	sadd.s32 s7, s18  }
0xc: {  	s24 =	sadd.s32 s9, s5;
	s18 =	sadd.s32 s9, s10;
	[dreg:$0x4] =	wrdreg s13  }
0xd: {  	s15 =	sadd.s32 s7, s14;
	s13 =	sadd.s32 $0x140, s6;
	[dreg:$0x6] =	wrdreg s12  }
0xe: {  	s14 =	sadd.s32 $0x190, s6;
	s6 =	sadd.s32 $0x230, s6;
	s23 =	sadd.s32 s9, s2  }
0xf: {  	s16 =	sadd.s32 s9, s11;
	s25 =	sshrl.u32 s24, $0x3;
	s4 =	sshrl.u32 s4, $0x3  }
0x10: {  	[dreg:$0x5] =	wrdreg s15;
	s19 =	sshll.u32 s13, $0x1;
	s20 =	sshll.u32 s14, $0x1  }
0x11: {  	s13 =	sshll.u32 s13, $0x4;
	s14 =	sshll.u32 s14, $0x4;
	s15 =	sshll.u32 s21, $0x1  }
0x12: {  	s22 =	sshll.u32 s6, $0x1;
	s6 =	sshll.u32 s6, $0x4;
	s12 =	sadd.s32 s7, s19  }
0x13: {  	s26 =	sshrl.u32 s16, $0x3;
	s15 =	sadd.s32 s7, s15;
	[dreg:$0x7] =	wrdreg s12  }
0x14: {  	s16 =	sadd.s32 s8, s26;
	s19 =	sadd.s32 s9, s13;
	[dreg:$0x9] =	wrdreg s15  }
0x15: {  	s12 =	sadd.s32 s7, s20;
	s7 =	sadd.s32 s7, s22;
	[dreg:$0xd] =	wrdreg s16  }
0x16: {  	s20 =	sadd.s32 s9, s14;
	s15 =	simm.s32 $0x0;
	[dreg:$0x8] =	wrdreg s12  }
0x17: {  	s16 =	smax.u32 s1, $0x1;
	s12 =	sshll.u32 s21, $0x4;
	[dreg:$0xa] =	wrdreg s7  }
0x18: {  	s7 =	sshrl.u32 s23, $0x3;
	s21 =	sshrl.u32 s19, $0x3;
	[smem:$0x7FF] =	sst s15  }
0x19: {  	s22 =	sshrl.u32 s20, $0x3;
	s19 =	rddreg [dreg:$0x1];
	s20 =	sadd.s32 $0x2A200, s0  }
0x1a: {  	s7 =	sadd.s32 s8, s7;
	s23 =	sadd.s32 s8, s22;
	s24 =	sadd.s32 s9, s12  }
0x1b: {  	s9 =	sadd.s32 s9, s6;
	s4 =	sadd.s32 s20, s4;
	s28 =	sadd.s32 s11, s19  }
0x1c: {  	s29 =	sadd.s32 s10, s19;
	s30 =	sadd.s32 s13, s19;
	s31 =	sadd.s32 s14, s19  }
0x1d: {  	s10 =	simm.s32 $0x1;
	s11 =	simm.s32 $0x2;
	s13 =	simm.s32 $0x3  }
0x1e: {  	s14 =	simm.s32 $0x140;
	[dreg:$0xb] =	wrdreg s7;
	s7 =	sadd.s32 s8, s25  }
0x1f: {  	[dreg:$0x10] =	wrdreg s23;
	s9 =	sshrl.u32 s9, $0x3;
	s25 =	smul.u32 $0x2710, s17  }
0x20: {  	[dreg:$0xc] =	wrdreg s7;
	s7 =	sshrl.u32 s18, $0x3;
	s26 =	sadd.s32 s8, s9  }
0x21: {  	s23 =	sadd.s32 $0xA, s4;
	s7 =	sadd.s32 s8, s7;
	[dreg:$0x12] =	wrdreg s26  }
0x22: {  	s9 =	sadd.s32 s2, s19;
	[dreg:$0xe] =	wrdreg s7;
	s7 =	sadd.s32 s8, s21  }
0x23: {  	s3 =	sadd.s32 s25, s3;
	[dreg:$0xf] =	wrdreg s7;
	s7 =	sshrl.u32 s24, $0x3  }
0x24: {  	s26 =	sadd.s32 s5, s19;
	s5 =	simm.s32 $0x1E0;
	s7 =	sadd.s32 s8, s7  }
0x25: {  	s21 =	sadd.s32 $0x88A00, s0;
	s18 =	sadd.s32 $0xF0, s3;
	[dreg:$0x11] =	wrdreg s7  }
0x26: {  	s25 =	sadd.s32 $0xA0, s3;
	_ =	strace $0x8000004D;
	[dreg:$0x14] =	wrdreg s9  }
0x27: {  	s22 =	sshrl.u32 s18, $0x3;
	s24 =	sadd.s32 $0x4D8, s4;
	[dreg:$0x15] =	wrdreg s16  }
0x28: {  	s18 =	simm.s32 $0x190;
	s8 =	smul.u32 $0xA000, s17;
	[dreg:$0x17] =	wrdreg s23  }
0x29: {  	s1 =	sadd.s32 s22, s20;
	s7 =	simm.s32 $0x50;
	[dreg:$0x13] =	wrdreg s4  }
0x2a: {  	s17 =	sshrl.u32 s8, $0x2;
	s16 =	sadd.s32 s12, s19;
	[dreg:$0x18] =	wrdreg s24  }
0x2b: {  	s8 =	simm.s32 $0x4E200;
	s9 =	simm.s32 $0xA0;
	s12 =	simm.s32 $0x6E0  }
0x2c: {  	s23 =	simm.s32 $0x0;
	s0 =	sadd.s32 s17, s19;
	s17 =	simm.s32 $0x4  }
0x2d: {  	[dreg:$0x16] =	wrdreg s0;
	s0 =	sadd.s32 s6, s19;
	s6 =	simm.s32 $0x5  }
.LBB2_1:
0x2e: {  	s2 =	rddreg [dreg:$0x3]  }
0x2f: {  	[tilespmem:s5], [sflag:$0x5] =	stream.linear.gather [hbm4b:s2+s15], $0x500, $0x38;
	[tilespmem:$0x33E0] =	vst v63  }
0x30: {  	_ =	swait.ge [sflag:s6], $0x500  }
0x31: {  	[sflag:s6] =	ssyncset.done $0x0  }
0x32: {  	s4 =	rddreg [dreg:$0x16];
	[sflag:s6] =	ssyncadd.s32 $0xFFFFFB00  }
0x33: {  	[spmem:s4] =	stream.linear.scatter [tilespmem:s5], [sflag:$0x5], $0x500, $0x38;
	[tilespmem:$0x33E0] =	vst v63  }
0x34: {  	_ =	swait.ge [sflag:s6], $0x500  }
0x35: {  	[sflag:s6] =	ssyncset.done $0x0  }
0x36: {  	s22 =	rddreg [dreg:$0x4];
	[sflag:s6] =	ssyncadd.s32 $0xFFFFFB00  }
0x37: {  	[tilespmem:s5], [sflag:$0x5] =	stream.linear.gather [hbm4b:s22+s15], $0x500, $0x38;
	[tilespmem:$0x33E0] =	vst v63  }
0x38: {  	_ =	swait.ge [sflag:s6], $0x500  }
0x39: {  	[sflag:s6] =	ssyncset.done $0x0  }
0x3a: {  	[sflag:s6] =	ssyncadd.s32 $0xFFFFFB00  }
0x3b: {  	[spmem:s26] =	stream.linear.scatter [tilespmem:s5], [sflag:$0x5], $0x500, $0x38;
	[tilespmem:$0x33E0] =	vst v63  }
0x3c: {  	_ =	swait.ge [sflag:s6], $0x500  }
0x3d: {  	[sflag:s6] =	ssyncset.done $0x0  }
0x3e: {  	s24 =	rddreg [dreg:$0x5];
	[sflag:s6] =	ssyncadd.s32 $0xFFFFFB00  }
0x3f: {  	[tilespmem:s5], [sflag:$0x5] =	stream.linear.gather [hbm4b:s24+s15], $0x500, $0x38;
	[tilespmem:$0x33E0] =	vst v63  }
0x40: {  	_ =	swait.ge [sflag:s6], $0x500  }
0x41: {  	[sflag:s6] =	ssyncset.done $0x0  }
0x42: {  	[sflag:s6] =	ssyncadd.s32 $0xFFFFFB00  }
0x43: {  	[spmem:s28] =	stream.linear.scatter [tilespmem:s5], [sflag:$0x5], $0x500, $0x38;
	[tilespmem:$0x33E0] =	vst v63  }
0x44: {  	_ =	swait.ge [sflag:s6], $0x500  }
0x45: {  	[sflag:s6] =	ssyncset.done $0x0  }
0x46: {  	s3 =	rddreg [dreg:$0x6];
	[sflag:s6] =	ssyncadd.s32 $0xFFFFFB00  }
0x47: {  	[tilespmem:s5], [sflag:$0x5] =	stream.linear.gather [hbm4b:s3+s15], $0x500, $0x38;
	[tilespmem:$0x33E0] =	vst v63  }
0x48: {  	_ =	swait.ge [sflag:s6], $0x500  }
0x49: {  	[sflag:s6] =	ssyncset.done $0x0  }
0x4a: {  	[sflag:s6] =	ssyncadd.s32 $0xFFFFFB00  }
0x4b: {  	[spmem:s29] =	stream.linear.scatter [tilespmem:s5], [sflag:$0x5], $0x500, $0x38;
	[tilespmem:$0x33E0] =	vst v63  }
0x4c: {  	_ =	swait.ge [sflag:s6], $0x500  }
0x4d: {  	[sflag:s6] =	ssyncset.done $0x0  }
0x4e: {  	s4 =	rddreg [dreg:$0x7];
	[sflag:s6] =	ssyncadd.s32 $0xFFFFFB00  }
0x4f: {  	[tilespmem:s5], [sflag:$0x5] =	stream.linear.gather [hbm4b:s4+s15], $0x500, $0x38;
	[tilespmem:$0x33E0] =	vst v63  }
0x50: {  	_ =	swait.ge [sflag:s6], $0x500  }
0x51: {  	[sflag:s6] =	ssyncset.done $0x0  }
0x52: {  	[sflag:s6] =	ssyncadd.s32 $0xFFFFFB00  }
0x53: {  	[spmem:s30] =	stream.linear.scatter [tilespmem:s5], [sflag:$0x5], $0x500, $0x38;
	[tilespmem:$0x33E0] =	vst v63  }
0x54: {  	_ =	swait.ge [sflag:s6], $0x500  }
0x55: {  	[sflag:s6] =	ssyncset.done $0x0  }
0x56: {  	s22 =	rddreg [dreg:$0x8];
	[sflag:s6] =	ssyncadd.s32 $0xFFFFFB00  }
0x57: {  	[tilespmem:s5], [sflag:$0x5] =	stream.linear.gather [hbm4b:s22+s15], $0x500, $0x38;
	[tilespmem:$0x33E0] =	vst v63  }
0x58: {  	_ =	swait.ge [sflag:s6], $0x500  }
0x59: {  	[sflag:s6] =	ssyncset.done $0x0  }
0x5a: {  	[sflag:s6] =	ssyncadd.s32 $0xFFFFFB00  }
0x5b: {  	[spmem:s31] =	stream.linear.scatter [tilespmem:s5], [sflag:$0x5], $0x500, $0x38;
	[tilespmem:$0x33E0] =	vst v63  }
0x5c: {  	_ =	swait.ge [sflag:s6], $0x500  }
0x5d: {  	[sflag:s6] =	ssyncset.done $0x0  }
0x5e: {  	s24 =	rddreg [dreg:$0x9];
	[sflag:s6] =	ssyncadd.s32 $0xFFFFFB00  }
0x5f: {  	[tilespmem:s5], [sflag:$0x5] =	stream.linear.gather [hbm4b:s24+s15], $0x500, $0x38;
	[tilespmem:$0x33E0] =	vst v63  }
0x60: {  	_ =	swait.ge [sflag:s6], $0x500  }
0x61: {  	[sflag:s6] =	ssyncset.done $0x0  }
0x62: {  	[sflag:s6] =	ssyncadd.s32 $0xFFFFFB00  }
0x63: {  	[spmem:s16] =	stream.linear.scatter [tilespmem:s5], [sflag:$0x5], $0x500, $0x38;
	[tilespmem:$0x33E0] =	vst v63  }
0x64: {  	_ =	swait.ge [sflag:s6], $0x500  }
0x65: {  	[sflag:s6] =	ssyncset.done $0x0  }
0x66: {  	s3 =	rddreg [dreg:$0xa];
	[sflag:s6] =	ssyncadd.s32 $0xFFFFFB00  }
0x67: {  	[tilespmem:s5], [sflag:$0x5] =	stream.linear.gather [hbm4b:s3+s15], $0x500, $0x38;
	[tilespmem:$0x33E0] =	vst v63  }
0x68: {  	_ =	swait.ge [sflag:s6], $0x500  }
0x69: {  	[sflag:s6] =	ssyncset.done $0x0  }
0x6a: {  	[sflag:s6] =	ssyncadd.s32 $0xFFFFFB00  }
0x6b: {  	[spmem:s0] =	stream.linear.scatter [tilespmem:s5], [sflag:$0x5], $0x500, $0x38;
	[tilespmem:$0x33E0] =	vst v63  }
0x6c: {  	_ =	swait.ge [sflag:s6], $0x500  }
0x6d: {  	[sflag:s6] =	ssyncset.done $0x0  }
0x6e: {  	[sflag:s6] =	ssyncadd.s32 $0xFFFFFB00  }
0x6f: {  	[bflag:$0x0] =	sbarrier.arrive $0xFFFF  }
0x70: {  	s4 =	rddreg [dreg:$0x13]  }
0x71: {  	[tilespmem:s15], [sflag:$0x1] =	stream.strided.gather [hbm4b:s4+s7], $0xA0, s8, s7, $0x38;
	[tilespmem:$0x33E0] =	vst v63  }
0x72: {  	s22 =	rddreg [dreg:$0x17]  }
0x73: {  	[tilespmem:s9], [sflag:$0x2] =	stream.strided.gather [hbm4b:s22+s7], $0xA0, s8, s7, $0x38;
	[tilespmem:$0x33E0] =	vst v63  }
0x74: {  	_ =	swait.ge [sflag:s10], $0xA0  }
0x75: {  	[sflag:s10] =	ssyncset.done $0x0  }
0x76: {  	[sflag:s10] =	ssyncadd.s32 $0xFFFFFF60  }
0x77: {  	v0 =	vld [tilespmem:$0x50]  }
0x78: {  	v1 =	vld [tilespmem:$0x60]  }
0x79: {  	v2 =	vld [tilespmem:$0x70]  }
0x7a: {  	v3 =	vld [tilespmem:$0x80]  }
0x7b: {  	v4 =	vld [tilespmem:$0x90]  }
0x7c: {  	[tilespmem:$0x140] =	vst v0  }
0x7d: {  	[tilespmem:$0x150] =	vst v1  }
0x7e: {  	[tilespmem:$0x160] =	vst v2  }
0x7f: {  	[tilespmem:$0x170] =	vst v3  }
0x80: {  	[tilespmem:$0x180] =	vst v4  }
0x81: {  	[tilespmem:s5], [sflag:$0x3] =	stream.indirect.gather [hbm4b:s21+s7], $0x10, s15, s7, $0xb8;
	[tilespmem:$0x33E0] =	vst v63  }
0x82: {  	_ =	swait.ge [sflag:s11], $0xA0  }
0x83: {  	[sflag:s11] =	ssyncset.done $0x0  }
0x84: {  	[sflag:s11] =	ssyncadd.s32 $0xFFFFFF60  }
0x85: {  	v54 =	vld [tilespmem:$0x130]  }
0x86: {  	v55 =	vld [tilespmem:$0x120]  }
0x87: {  	v56 =	vld [tilespmem:$0xF0]  }
0x88: {  	v57 =	vld [tilespmem:$0x110]  }
0x89: {  	v58 =	vld [tilespmem:$0x100]  }
0x8a: {  	[tilespmem:$0x1D0] =	vst v54  }
0x8b: {  	[tilespmem:$0x1C0] =	vst v55  }
0x8c: {  	[tilespmem:$0x190] =	vst v56  }
0x8d: {  	[tilespmem:$0x1B0] =	vst v57  }
0x8e: {  	[tilespmem:$0x1A0] =	vst v58  }
0x8f: {  	[tilespmem:s12], [sflag:$0x4] =	stream.indirect.gather [hbm4b:s21+s7], $0x10, s9, s7, $0xb8;
	[tilespmem:$0x33E0] =	vst v63  }
0x90: {  	_ =	swait.ge [sflag:s13], $0x500  }
0x91: {  	s24 =	sshrl.u32 s25, $0x3;
	[sflag:s13] =	ssyncset.done $0x0  }
0x92: {  	s2 =	sadd.s32 s20, s24;
	[sflag:s13] =	ssyncadd.s32 $0xFFFFFB00  }
0x93: {  	[tilespmem:s15], [sflag:$0x1] =	stream.strided.gather [hbm4b:s2+s7], $0xA0, s8, s7, $0x38;
	[tilespmem:$0x33E0] =	vst v63  }
0x94: {  	_ = 	snop  }
0x95: {  	[spmem:s19] =	stream.indirect.scatter.add.f32 [tilespmem:s5], [sflag:$0x5], $0x10, s14, s7, $0xb8;
	[tilespmem:$0x33E0] =	vst v63  }
0x96: {  	_ =	swait.ge [sflag:s6], $0x500  }
0x97: {  	[sflag:s6] =	ssyncset.done $0x0  }
0x98: {  	[sflag:s6] =	ssyncadd.s32 $0xFFFFFB00  }
0x99: {  	_ =	swait.ge [sflag:s10], $0xA0  }
0x9a: {  	[sflag:s10] =	ssyncset.done $0x0  }
0x9b: {  	[sflag:s10] =	ssyncadd.s32 $0xFFFFFF60  }
0x9c: {  	v59 =	vld [tilespmem:$0x50]  }
0x9d: {  	v60 =	vld [tilespmem:$0x90]  }
0x9e: {  	v61 =	vld [tilespmem:$0x60]  }
0x9f: {  	v62 =	vld [tilespmem:$0x80]  }
0xa0: {  	v63 =	vld [tilespmem:$0x70]  }
0xa1: {  	[tilespmem:$0x140] =	vst v59  }
0xa2: {  	[tilespmem:$0x180] =	vst v60  }
0xa3: {  	[tilespmem:$0x150] =	vst v61  }
0xa4: {  	[tilespmem:$0x170] =	vst v62  }
0xa5: {  	s24 =	simm.s32 $0x14;
	s3 =	simm.s32 $0x0;
	s2 =	smov.u32 s25;
	[tilespmem:$0x160] =	vst v63  }
0xa6: {  	[tilespmem:s5], [sflag:$0x3] =	stream.indirect.gather [hbm4b:s21+s7], $0x10, s15, s7, $0xb8;
	[tilespmem:$0x33E0] =	vst v63  }
.LBB2_2:
0xa7: {  	p0 =	sne.s32 s24, $0x4B0  }
0xa8: {  	_ =	swait.ge [sflag:s17], $0x500;
	s2 =	sadd.s32 $0xA0, s2;
	s4 =	smov.u32 s24  }
0xa9: {  	s24 =	sadd.s32 $0x14, s24;
	s22 =	sadd.s32 s3, s1;
	[sflag:s17] =	ssyncset.done $0x0  }
0xaa: {  	s3 =	smov.u32 s4;
	[sflag:s17] =	ssyncadd.s32 $0xFFFFFB00  }
0xab: {  	[tilespmem:s9], [sflag:$0x2] =	stream.strided.gather [hbm4b:s22+s7], $0xA0, s8, s7, $0x38;
	[tilespmem:$0x33E0] =	vst v63  }
0xac: {  	_ = 	snop  }
0xad: {  	[spmem:s19] =	stream.indirect.scatter.add.f32 [tilespmem:s12], [sflag:$0x5], $0x10, s18, s7, $0xb8;
	[tilespmem:$0x33E0] =	vst v63  }
0xae: {  	_ =	swait.ge [sflag:s6], $0x500  }
0xaf: {  	[sflag:s6] =	ssyncset.done $0x0  }
0xb0: {  	[sflag:s6] =	ssyncadd.s32 $0xFFFFFB00  }
0xb1: {  	_ =	swait.ge [sflag:s11], $0xA0  }
0xb2: {  	[sflag:s11] =	ssyncset.done $0x0  }
0xb3: {  	[sflag:s11] =	ssyncadd.s32 $0xFFFFFF60  }
0xb4: {  	v0 =	vld [tilespmem:$0x130]  }
0xb5: {  	v1 =	vld [tilespmem:$0x120]  }
0xb6: {  	v2 =	vld [tilespmem:$0xF0]  }
0xb7: {  	v3 =	vld [tilespmem:$0x110]  }
0xb8: {  	v4 =	vld [tilespmem:$0x100]  }
0xb9: {  	[tilespmem:$0x1D0] =	vst v0  }
0xba: {  	[tilespmem:$0x1C0] =	vst v1  }
0xbb: {  	[tilespmem:$0x190] =	vst v2  }
0xbc: {  	[tilespmem:$0x1B0] =	vst v3  }
0xbd: {  	[tilespmem:$0x1A0] =	vst v4  }
0xbe: {  	[tilespmem:s12], [sflag:$0x4] =	stream.indirect.gather [hbm4b:s21+s7], $0x10, s9, s7, $0xb8;
	[tilespmem:$0x33E0] =	vst v63  }
0xbf: {  	_ =	swait.ge [sflag:s13], $0x500  }
0xc0: {  	s4 =	sshrl.u32 s2, $0x3;
	[sflag:s13] =	ssyncset.done $0x0  }
0xc1: {  	s4 =	sadd.s32 s20, s4;
	[sflag:s13] =	ssyncadd.s32 $0xFFFFFB00  }
0xc2: {  	[tilespmem:s15], [sflag:$0x1] =	stream.strided.gather [hbm4b:s4+s7], $0xA0, s8, s7, $0x38;
	[tilespmem:$0x33E0] =	vst v63  }
0xc3: {  	_ = 	snop  }
0xc4: {  	[spmem:s19] =	stream.indirect.scatter.add.f32 [tilespmem:s5], [sflag:$0x5], $0x10, s14, s7, $0xb8;
	[tilespmem:$0x33E0] =	vst v63  }
0xc5: {  	_ =	swait.ge [sflag:s6], $0x500  }
0xc6: {  	[sflag:s6] =	ssyncset.done $0x0  }
0xc7: {  	[sflag:s6] =	ssyncadd.s32 $0xFFFFFB00  }
0xc8: {  	_ =	swait.ge [sflag:s10], $0xA0  }
0xc9: {  	[sflag:s10] =	ssyncset.done $0x0  }
0xca: {  	[sflag:s10] =	ssyncadd.s32 $0xFFFFFF60  }
0xcb: {  	v0 =	vld [tilespmem:$0x50]  }
0xcc: {  	v1 =	vld [tilespmem:$0x90]  }
0xcd: {  	v2 =	vld [tilespmem:$0x60]  }
0xce: {  	v3 =	vld [tilespmem:$0x80]  }
0xcf: {  	v4 =	vld [tilespmem:$0x70]  }
0xd0: {  	[tilespmem:$0x140] =	vst v0  }
.Ltmp0:
0xd1: {  	[tilespmem:$0x180] =	vst v1;
	(pc) =	sbr.rel @p0 .LBB2_2-.Ltmp0, $4  }
0xd2: {  	[tilespmem:$0x150] =	vst v2  }
0xd3: {  	[tilespmem:$0x170] =	vst v3  }
0xd4: {  	[tilespmem:$0x160] =	vst v4  }
0xd5: {  	[tilespmem:s5], [sflag:$0x3] =	stream.indirect.gather [hbm4b:s21+s7], $0x10, s15, s7, $0xb8;
	[tilespmem:$0x33E0] =	vst v63  }
0xd6: {  	_ =	swait.ge [sflag:s17], $0x500  }
0xd7: {  	[sflag:s17] =	ssyncset.done $0x0  }
0xd8: {  	s2 =	sadd.s32 s3, s1;
	[sflag:s17] =	ssyncadd.s32 $0xFFFFFB00  }
0xd9: {  	[tilespmem:s9], [sflag:$0x2] =	stream.strided.gather [hbm4b:s2+s7], $0xA0, s8, s7, $0x38;
	[tilespmem:$0x33E0] =	vst v63  }
0xda: {  	_ = 	snop  }
0xdb: {  	[spmem:s19] =	stream.indirect.scatter.add.f32 [tilespmem:s12], [sflag:$0x5], $0x10, s18, s7, $0xb8;
	[tilespmem:$0x33E0] =	vst v63  }
0xdc: {  	_ =	swait.ge [sflag:s6], $0x500  }
0xdd: {  	[sflag:s6] =	ssyncset.done $0x0  }
0xde: {  	[sflag:s6] =	ssyncadd.s32 $0xFFFFFB00  }
0xdf: {  	_ =	swait.ge [sflag:s11], $0xA0  }
0xe0: {  	[sflag:s11] =	ssyncset.done $0x0  }
0xe1: {  	[sflag:s11] =	ssyncadd.s32 $0xFFFFFF60  }
0xe2: {  	v0 =	vld [tilespmem:$0xF0]  }
0xe3: {  	v1 =	vld [tilespmem:$0x100]  }
0xe4: {  	v2 =	vld [tilespmem:$0x110]  }
0xe5: {  	v3 =	vld [tilespmem:$0x120]  }
0xe6: {  	v4 =	vld [tilespmem:$0x130]  }
0xe7: {  	[tilespmem:$0x190] =	vst v0  }
0xe8: {  	[tilespmem:$0x1A0] =	vst v1  }
0xe9: {  	[tilespmem:$0x1B0] =	vst v2  }
0xea: {  	[tilespmem:$0x1C0] =	vst v3  }
0xeb: {  	[tilespmem:$0x1D0] =	vst v4  }
0xec: {  	[tilespmem:s12], [sflag:$0x4] =	stream.indirect.gather [hbm4b:s21+s7], $0x10, s9, s7, $0xb8;
	[tilespmem:$0x33E0] =	vst v63  }
0xed: {  	_ =	swait.ge [sflag:s13], $0x500  }
0xee: {  	[sflag:s13] =	ssyncset.done $0x0  }
0xef: {  	s4 =	rddreg [dreg:$0x18];
	[sflag:s13] =	ssyncadd.s32 $0xFFFFFB00  }
0xf0: {  	[tilespmem:s15], [sflag:$0x1] =	stream.strided.gather [hbm4b:s4+s7], $0xA0, s8, s7, $0x38;
	[tilespmem:$0x33E0] =	vst v63  }
0xf1: {  	_ = 	snop  }
0xf2: {  	[spmem:s19] =	stream.indirect.scatter.add.f32 [tilespmem:s5], [sflag:$0x5], $0x10, s14, s7, $0xb8;
	[tilespmem:$0x33E0] =	vst v63  }
0xf3: {  	_ =	swait.ge [sflag:s6], $0x500  }
0xf4: {  	[sflag:s6] =	ssyncset.done $0x0  }
0xf5: {  	[sflag:s6] =	ssyncadd.s32 $0xFFFFFB00  }
0xf6: {  	_ =	swait.ge [sflag:s10], $0xA0  }
0xf7: {  	[sflag:s10] =	ssyncset.done $0x0  }
0xf8: {  	[sflag:s10] =	ssyncadd.s32 $0xFFFFFF60  }
0xf9: {  	v59 =	vld [tilespmem:$0x50]  }
0xfa: {  	v60 =	vld [tilespmem:$0x60]  }
0xfb: {  	v61 =	vld [tilespmem:$0x70]  }
0xfc: {  	v62 =	vld [tilespmem:$0x80]  }
0xfd: {  	v63 =	vld [tilespmem:$0x90]  }
0xfe: {  	[tilespmem:$0x140] =	vst v59  }
0xff: {  	[tilespmem:$0x150] =	vst v60  }
0x100: {  	[tilespmem:$0x160] =	vst v61  }
0x101: {  	[tilespmem:$0x170] =	vst v62  }
0x102: {  	[tilespmem:$0x180] =	vst v63  }
0x103: {  	[tilespmem:s5], [sflag:$0x3] =	stream.indirect.gather [hbm4b:s21+s7], $0x10, s15, s7, $0xb8;
	[tilespmem:$0x33E0] =	vst v63  }
0x104: {  	_ =	swait.ge [sflag:s17], $0x500  }
0x105: {  	[sflag:s17] =	ssyncset.done $0x0  }
0x106: {  	[sflag:s17] =	ssyncadd.s32 $0xFFFFFB00  }
0x107: {  	[spmem:s19] =	stream.indirect.scatter.add.f32 [tilespmem:s12], [sflag:$0x5], $0x10, s18, s7, $0xb8;
	[tilespmem:$0x33E0] =	vst v63  }
0x108: {  	_ =	swait.ge [sflag:s6], $0x500  }
0x109: {  	[sflag:s6] =	ssyncset.done $0x0  }
0x10a: {  	[sflag:s6] =	ssyncadd.s32 $0xFFFFFB00  }
0x10b: {  	_ =	swait.ge [sflag:s13], $0x500  }
0x10c: {  	[sflag:s13] =	ssyncset.done $0x0  }
0x10d: {  	[sflag:s13] =	ssyncadd.s32 $0xFFFFFB00  }
0x10e: {  	[spmem:s19] =	stream.indirect.scatter.add.f32 [tilespmem:s5], [sflag:$0x5], $0x10, s14, s7, $0xb8;
	[tilespmem:$0x33E0] =	vst v63  }
0x10f: {  	_ =	swait.ge [sflag:s6], $0x500  }
0x110: {  	[sflag:s6] =	ssyncset.done $0x0  }
0x111: {  	[sflag:s6] =	ssyncadd.s32 $0xFFFFFB00  }
0x112: {  	[bflag:$0x0] =	sbarrier.arrive $0xFFFF  }
0x113: {  	s22 =	rddreg [dreg:$0x14]  }
0x114: {  	[tilespmem:s5], [sflag:$0x5] =	stream.linear.gather [spmem:s22], $0x500, $0x38;
	[tilespmem:$0x33E0] =	vst v63  }
0x115: {  	_ =	swait.ge [sflag:s6], $0x500  }
0x116: {  	[sflag:s6] =	ssyncset.done $0x0  }
0x117: {  	s24 =	rddreg [dreg:$0xb];
	[sflag:s6] =	ssyncadd.s32 $0xFFFFFB00  }
0x118: {  	[hbm4b:s24+s15] =	stream.linear.scatter [tilespmem:s5], [sflag:$0x5], $0x500, $0x38;
	[tilespmem:$0x33E0] =	vst v63  }
0x119: {  	_ =	swait.ge [sflag:s6], $0x500  }
0x11a: {  	[sflag:s6] =	ssyncset.done $0x0  }
0x11b: {  	[sflag:s6] =	ssyncadd.s32 $0xFFFFFB00  }
0x11c: {  	[tilespmem:s5], [sflag:$0x5] =	stream.linear.gather [spmem:s26], $0x500, $0x38;
	[tilespmem:$0x33E0] =	vst v63  }
0x11d: {  	_ =	swait.ge [sflag:s6], $0x500  }
0x11e: {  	[sflag:s6] =	ssyncset.done $0x0  }
0x11f: {  	s3 =	rddreg [dreg:$0xc];
	[sflag:s6] =	ssyncadd.s32 $0xFFFFFB00  }
0x120: {  	[hbm4b:s3+s15] =	stream.linear.scatter [tilespmem:s5], [sflag:$0x5], $0x500, $0x38;
	[tilespmem:$0x33E0] =	vst v63  }
0x121: {  	_ =	swait.ge [sflag:s6], $0x500  }
0x122: {  	[sflag:s6] =	ssyncset.done $0x0  }
0x123: {  	[sflag:s6] =	ssyncadd.s32 $0xFFFFFB00  }
0x124: {  	[tilespmem:s5], [sflag:$0x5] =	stream.linear.gather [spmem:s28], $0x500, $0x38;
	[tilespmem:$0x33E0] =	vst v63  }
0x125: {  	_ =	swait.ge [sflag:s6], $0x500  }
0x126: {  	[sflag:s6] =	ssyncset.done $0x0  }
0x127: {  	s4 =	rddreg [dreg:$0xd];
	[sflag:s6] =	ssyncadd.s32 $0xFFFFFB00  }
0x128: {  	[hbm4b:s4+s15] =	stream.linear.scatter [tilespmem:s5], [sflag:$0x5], $0x500, $0x38;
	[tilespmem:$0x33E0] =	vst v63  }
0x129: {  	_ =	swait.ge [sflag:s6], $0x500  }
0x12a: {  	[sflag:s6] =	ssyncset.done $0x0  }
0x12b: {  	[sflag:s6] =	ssyncadd.s32 $0xFFFFFB00  }
0x12c: {  	[tilespmem:s5], [sflag:$0x5] =	stream.linear.gather [spmem:s29], $0x500, $0x38;
	[tilespmem:$0x33E0] =	vst v63  }
0x12d: {  	_ =	swait.ge [sflag:s6], $0x500  }
0x12e: {  	[sflag:s6] =	ssyncset.done $0x0  }
0x12f: {  	s22 =	rddreg [dreg:$0xe];
	[sflag:s6] =	ssyncadd.s32 $0xFFFFFB00  }
0x130: {  	[hbm4b:s22+s15] =	stream.linear.scatter [tilespmem:s5], [sflag:$0x5], $0x500, $0x38;
	[tilespmem:$0x33E0] =	vst v63  }
0x131: {  	_ =	swait.ge [sflag:s6], $0x500  }
0x132: {  	[sflag:s6] =	ssyncset.done $0x0  }
0x133: {  	[sflag:s6] =	ssyncadd.s32 $0xFFFFFB00  }
0x134: {  	[tilespmem:s5], [sflag:$0x5] =	stream.linear.gather [spmem:s30], $0x500, $0x38;
	[tilespmem:$0x33E0] =	vst v63  }
0x135: {  	_ =	swait.ge [sflag:s6], $0x500  }
0x136: {  	[sflag:s6] =	ssyncset.done $0x0  }
0x137: {  	s24 =	rddreg [dreg:$0xf];
	[sflag:s6] =	ssyncadd.s32 $0xFFFFFB00  }
0x138: {  	[hbm4b:s24+s15] =	stream.linear.scatter [tilespmem:s5], [sflag:$0x5], $0x500, $0x38;
	[tilespmem:$0x33E0] =	vst v63  }
0x139: {  	_ =	swait.ge [sflag:s6], $0x500  }
0x13a: {  	[sflag:s6] =	ssyncset.done $0x0  }
0x13b: {  	[sflag:s6] =	ssyncadd.s32 $0xFFFFFB00  }
0x13c: {  	[tilespmem:s5], [sflag:$0x5] =	stream.linear.gather [spmem:s31], $0x500, $0x38;
	[tilespmem:$0x33E0] =	vst v63  }
0x13d: {  	_ =	swait.ge [sflag:s6], $0x500  }
0x13e: {  	[sflag:s6] =	ssyncset.done $0x0  }
0x13f: {  	s3 =	rddreg [dreg:$0x10];
	[sflag:s6] =	ssyncadd.s32 $0xFFFFFB00  }
0x140: {  	[hbm4b:s3+s15] =	stream.linear.scatter [tilespmem:s5], [sflag:$0x5], $0x500, $0x38;
	[tilespmem:$0x33E0] =	vst v63  }
0x141: {  	_ =	swait.ge [sflag:s6], $0x500  }
0x142: {  	[sflag:s6] =	ssyncset.done $0x0  }
0x143: {  	[sflag:s6] =	ssyncadd.s32 $0xFFFFFB00  }
0x144: {  	[tilespmem:s5], [sflag:$0x5] =	stream.linear.gather [spmem:s16], $0x500, $0x38;
	[tilespmem:$0x33E0] =	vst v63  }
0x145: {  	_ =	swait.ge [sflag:s6], $0x500  }
0x146: {  	[sflag:s6] =	ssyncset.done $0x0  }
0x147: {  	s4 =	rddreg [dreg:$0x11];
	[sflag:s6] =	ssyncadd.s32 $0xFFFFFB00  }
0x148: {  	[hbm4b:s4+s15] =	stream.linear.scatter [tilespmem:s5], [sflag:$0x5], $0x500, $0x38;
	[tilespmem:$0x33E0] =	vst v63  }
0x149: {  	_ =	swait.ge [sflag:s6], $0x500  }
0x14a: {  	[sflag:s6] =	ssyncset.done $0x0  }
0x14b: {  	[sflag:s6] =	ssyncadd.s32 $0xFFFFFB00  }
0x14c: {  	[tilespmem:s5], [sflag:$0x5] =	stream.linear.gather [spmem:s0], $0x500, $0x38;
	[tilespmem:$0x33E0] =	vst v63  }
0x14d: {  	_ =	swait.ge [sflag:s6], $0x500  }
0x14e: {  	[sflag:s6] =	ssyncset.done $0x0  }
0x14f: {  	s22 =	rddreg [dreg:$0x12];
	[sflag:s6] =	ssyncadd.s32 $0xFFFFFB00  }
0x150: {  	[hbm4b:s22+s15] =	stream.linear.scatter [tilespmem:s5], [sflag:$0x5], $0x500, $0x38;
	[tilespmem:$0x33E0] =	vst v63  }
0x151: {  	_ =	swait.ge [sflag:s6], $0x500  }
0x152: {  	s23 =	sadd.s32 $0x1, s23;
	s24 =	rddreg [dreg:$0x15]  }
0x153: {  	p0 =	sne.s32 s23, s24  }
.Ltmp1:
0x154: {  	_ = 	snop;
	(pc) =	sbr.rel @p0 .LBB2_1-.Ltmp1, $3  }
0x155: {  	_ =	sdelay $0x1  }
0x156: {  	[sflag:s6] =	ssyncset.done $0x0  }
0x157: {  	[sflag:s6] =	ssyncadd.s32 $0xFFFFFB00  }
0x158: {  	_ =	sfence.sel $0x180000  }
0x159: {  	[bflag:$0x0] =	sbarrier.arrive $0xFFFF  }
0x15a: {  	_ =	strace $0x9000004D  }
0x15b: {  	s0 =	stileid.u32;
	[bflag:$0x2] =	sbarrier.arrive $0xFFFF  }
0x15c: {  	p0 =	sne.s32 s0, $0x0;
	s0 =	rddreg [dreg:$0x2]  }
0x15d: {  	s0 =	sadd.s32 @!p0 $0x100000, s0  }
0x15e: {  	[sflag:s0] =	ssyncadd.tile.s32 @!p0 $0x1;
	_ =	shalt  }
.Lfunc_end2:
_tile_overlayer_lowered:
.L_overlay_start_2:
0x15f: {  	(tag) =	ssettag $0x2  }
0x160: {  	s0 =	rddreg [dreg:$0x0];
	s2 =	stileid.u32  }
0x161: {  	s1 =	rddreg [dreg:$0x1];
	p0 =	sne.s32 s2, $0x0  }
0x162: {  	s3 =	rddreg [dreg:$0x2];
	[bflag:$0x3] =	sbarrier.arrive $0xFFFF;
	s2 =	simm.s32 @!p0 $0x1C05  }
0x163: {  	[timem:s3], [sflag:s2] =	dma.local @!p0 [hbm:s0], s1  }
0x164: {  	s0 =	simm.s32 @!p0 $0x5  }
0x165: {  	_ =	swait.ge @!p0 [sflag:s0], s1  }
0x166: {  	s1 =	ssub.s32 @!p0 $0x0, s1;
	[sflag:s0] =	ssyncset.done @!p0 $0x0  }
0x167: {  	[sflag:s0] =	ssyncadd.s32 @!p0 s1  }
0x168: {  	[bflag:$0x3] =	sbarrier.arrive $0xFFFF  }
0x169: {  	_ =	shalt  }

// kernel: kernel.8.cloned.1.call-start
scs
__scs_entry_jumppad:
0x0: {  	(pc) =	sbr.rel $0x88, $3  }
0x1: {  	(tag) =	ssettag $0x0;
	lr =	simm.s32 $0x1  }
0x2: {  	[smem:$0x3F97] =	sst lr;
	_ =	strace $0xD0000000  }
0x3: {  	_ = 	snop  }
0x4: {  	_ = 	snop  }
0x5: {  	_ = 	snop  }
0x6: {  	_ = 	snop  }
0x7: {  	_ = 	snop  }
__scs_overlays_trampoline_lowered:
0x8: {  	[smem:$0x3FA6] =	sst s0  }
0x9: {  	[smem:$0x3FA7] =	sst s1  }
0xa: {  	[smem:$0x3FA8] =	sst s2  }
0xb: {  	[smem:$0x3FA9] =	sst s3  }
0xc: {  	[smem:$0x3FAA] =	sst s4  }
0xd: {  	[smem:$0x3FAB] =	sst s5  }
0xe: {  	[smem:$0x3FAC] =	sst s6  }
0xf: {  	[smem:$0x3FAD] =	sst s7  }
0x10: {  	[smem:$0x3FAE] =	sst s8  }
0x11: {  	[smem:$0x3FAF] =	sst s9;
	s0 =	simm.s32 @!p0 $0x0  }
0x12: {  	s1 =	sld [smem:$0x3F95];
	s0 =	simm.s32 @p0 $0x1  }
0x13: {  	[smem:$0x3FB0] =	sst s0;
	s0 =	simm.s32 @!p1 $0x0  }
0x14: {  	s2 =	sld [smem:$0x3F94];
	s0 =	simm.s32 @p1 $0x1  }
0x15: {  	[smem:$0x3FB1] =	sst s0;
	s0 =	simm.s32 @!p2 $0x0  }
0x16: {  	s3 =	sld [smem:$0x3FDB];
	s0 =	simm.s32 @p2 $0x1  }
0x17: {  	s4 =	simm.s32 $0x1BF5;
	[smem:$0x3FB3] =	sst s0  }
0x18: {  	s0 =	sld [smem:$0x3F96];
	_ =	swait.ge [sflag:s4], $0x0  }
0x19: {  	s7 =	sld [smem:$0x3F97]  }
0x1a: {  	s8 =	sadd.s32 $0xFFFFE003, lr  }
0x1b: {  	s9 =	sadd.s32 $0xFFFFFEF7, lr;
	s5 =	simm.s32 $0xFFFFFFFF;
	p2 =	slt.u32 s8, $0xFFFFF086  }
0x1c: {  	p1 =	slt.u32 s9, $0xF7A;
	s5 =	simm.s32 @!p2 $0x0  }
0x1d: {  	s5 =	simm.s32 @p1 $0x1;
	p0 =	seq.s32 s7, s2  }
0x1e: {  	s7 =	smul.u32 @!p0 $0xF7A, s2;
	p2 =	seq.s32 @!p0 s5, $0x0  }
0x1f: {  	s9 =	smul.u32 $0xF7A, s1;
	s8 =	simm.s32 @!p0 $0x1BF5;
	p2 =	por !p2, p0  }
0x20: {  	[sflag:s8] =	ssyncset.s32 @!p0 $0xFFFFF086;
	s6 =	sadd.s32 @!p0 s3, s7;
	s7 =	simm.s32 @!p0 $0x108  }
0x21: {  	s3 =	sadd.s32 s3, s9;
	s6 =	sadd.s32 @!p0 $0x88, s6;
	s7 =	simm.s32 @p2 $0x1082  }
0x22: {  	[simem:s7], [sflag:s8] =	dma.local @!p0 [hbm:s6], $0xF7A  }
0x23: {  	s9 =	sor.u32 $0xD0000000, s2;
	s6 =	simm.s32 $0x108;
	_ =	swait.ge @!p0 [sflag:s8], $0x0  }
0x24: {  	s3 =	sadd.s32 $0x88, s3;
	s6 =	simm.s32 @!p1 $0x1082;
	[sflag:s4] =	ssyncset.s32 $0xFFFFF086  }
0x25: {  	[simem:s6], [sflag:s4] =	dma.local [hbm:s3], $0xF7A  }
0x26: {  	[smem:$0x3F97] =	sst s1;
	(tag) =	ssettag s2;
	_ =	strace s9  }
0x27: {  	s1 =	sld [smem:$0x3FA7]  }
0x28: {  	s2 =	sld [smem:$0x3FA8]  }
0x29: {  	s4 =	sld [smem:$0x3FAA]  }
0x2a: {  	p0 =	seq.s32 s5, $0x0;
	s5 =	sld [smem:$0x3FAB]  }
0x2b: {  	s6 =	sld [smem:$0x3FAC]  }
0x2c: {  	s7 =	sld [smem:$0x3FAD]  }
0x2d: {  	s3 =	simm.s32 $0x108;
	s8 =	sld [smem:$0x3FAE]  }
0x2e: {  	s3 =	simm.s32 @!p0 $0x1082;
	s9 =	sld [smem:$0x3FAF]  }
0x2f: {  	lr =	sadd.s32 s0, s3;
	s0 =	sld [smem:$0x3FA6]  }
0x30: {  	s3 =	sld [smem:$0x3FA9]  }
0x31: {  	[smem:$0x3FB2] =	sst s10  }
0x32: {  	s10 =	sld [smem:$0x3FB0];
	_ =	sdelay $0x3  }
0x33: {  	p0 =	seq.s32 s10, $0x1;
	s10 =	sld [smem:$0x3FB2];
	_ =	sdelay $0x3  }
0x34: {  	[smem:$0x3FB2] =	sst s10  }
0x35: {  	s10 =	sld [smem:$0x3FB1];
	_ =	sdelay $0x3  }
0x36: {  	p1 =	seq.s32 s10, $0x1;
	s10 =	sld [smem:$0x3FB2];
	_ =	sdelay $0x3  }
0x37: {  	[smem:$0x3FB2] =	sst s10  }
0x38: {  	s10 =	sld [smem:$0x3FB3]  }
0x39: {  	_ = 	snop;
	(pc) =	sbr.ind lr, $3  }
0x3a: {  	_ = 	snop  }
0x3b: {  	_ = 	snop  }
0x3c: {  	p2 =	seq.s32 s10, $0x1;
	s10 =	sld [smem:$0x3FB2]  }
0x3d: {  	_ =	shalt  }
0x3e: {  	_ =	shalt  }
0x3f: {  	_ =	shalt  }
0x40: {  	_ =	shalt  }
0x41: {  	_ =	shalt  }
0x42: {  	_ =	shalt  }
0x43: {  	_ =	shalt  }
0x44: {  	_ =	shalt  }
0x45: {  	_ =	shalt  }
0x46: {  	_ =	shalt  }
0x47: {  	_ =	shalt  }
0x48: {  	_ =	shalt  }
0x49: {  	_ =	shalt  }
0x4a: {  	_ =	shalt  }
0x4b: {  	_ =	shalt  }
0x4c: {  	_ =	shalt  }
0x4d: {  	_ =	shalt  }
0x4e: {  	_ =	shalt  }
0x4f: {  	_ =	shalt  }
0x50: {  	_ =	shalt  }
0x51: {  	_ =	shalt  }
0x52: {  	_ =	shalt  }
0x53: {  	_ =	shalt  }
0x54: {  	_ =	shalt  }
0x55: {  	_ =	shalt  }
0x56: {  	_ =	shalt  }
0x57: {  	_ =	shalt  }
0x58: {  	_ =	shalt  }
0x59: {  	_ =	shalt  }
0x5a: {  	_ =	shalt  }
0x5b: {  	_ =	shalt  }
0x5c: {  	_ =	shalt  }
0x5d: {  	_ =	shalt  }
0x5e: {  	_ =	shalt  }
0x5f: {  	_ =	shalt  }
0x60: {  	_ =	shalt  }
0x61: {  	_ =	shalt  }
0x62: {  	_ =	shalt  }
0x63: {  	_ =	shalt  }
0x64: {  	_ =	shalt  }
0x65: {  	_ =	shalt  }
0x66: {  	_ =	shalt  }
0x67: {  	_ =	shalt  }
0x68: {  	_ =	shalt  }
0x69: {  	_ =	shalt  }
0x6a: {  	_ =	shalt  }
0x6b: {  	_ =	shalt  }
0x6c: {  	_ =	shalt  }
0x6d: {  	_ =	shalt  }
0x6e: {  	_ =	shalt  }
0x6f: {  	_ =	shalt  }
0x70: {  	_ =	shalt  }
0x71: {  	_ =	shalt  }
0x72: {  	_ =	shalt  }
0x73: {  	_ =	shalt  }
0x74: {  	_ =	shalt  }
0x75: {  	_ =	shalt  }
0x76: {  	_ =	shalt  }
0x77: {  	_ =	shalt  }
0x78: {  	_ =	shalt  }
0x79: {  	_ =	shalt  }
0x7a: {  	_ =	shalt  }
0x7b: {  	_ =	shalt  }
0x7c: {  	_ =	shalt  }
0x7d: {  	_ =	shalt  }
0x7e: {  	_ =	shalt  }
0x7f: {  	_ =	shalt  }
0x80: {  	_ =	shalt  }
0x81: {  	_ =	shalt  }
0x82: {  	_ =	shalt  }
0x83: {  	_ =	shalt  }
0x84: {  	_ =	shalt  }
0x85: {  	_ =	shalt  }
0x86: {  	_ =	shalt  }
0x87: {  	_ =	shalt  }
.Lfunc_end0:
.L_simem_size_0:
called_computation_lowered:
.L_overlay_start_0:
0x88: {  	s2 =	sld [smem:$0x3FD9]  }
0x89: {  	s3 =	sld [smem:$0x3FFE];
	_ =	sdelay $0x1  }
0x8a: {  	s1 =	srdreg.scid  }
0x8b: {  	s0 =	sand.u32 $0x1, s1  }
0x8c: {  	s17 =	sshll.u32 s0, $0xA;
	s2 =	sadd.s32 s3, s2  }
0x8d: {  	s2 =	sadd.s32 s2, s17  }
0x8e: {  	[smem:$0x3FBE] =	sst s2  }
0x8f: {  	_ = 	snop  }
0x90: {  	s18 =	sld [smem:$0x3FD0];
	(tm) =	ssettm $0x1  }
0x91: {  	s19 =	sld [smem:$0x3FFB];
	_ =	sdelay $0x3  }
0x92: {  	_ =	strace s19  }
0x93: {  	s2 =	sld [smem:$0x3FFC];
	_ =	sdelay $0x3  }
0x94: {  	_ =	strace s2  }
0x95: {  	s2 =	sld [smem:$0x3FFD];
	_ =	sdelay $0x3  }
0x96: {  	_ =	strace s2  }
0x97: {  	_ =	strace $0x8FFFFFFF  }
0x98: {  	s20 =	sld [smem:$0x3FDB];
	_ =	sdelay $0x1  }
0x99: {  	s4 =	simm.s32 $_scs_section_size  }
0x9a: {  	s5 =	simm.s32 $_size__tile_overlayer_lowered;
	s6 =	simm.s32 $_tile_overlayer_lowered  }
0x9b: {  	s7 =	simm.s32 $0x1BFF;
	s21 =	sshll.u32 s6, $0x1;
	s4 =	sadd.s32 s4, s20  }
0x9c: {  	s22 =	simm.s32 $0x0;
	s5 =	sshll.u32 s5, $0x1;
	s6 =	sadd.s32 s21, s4  }
0x9d: {  	[timem:s22], [sflag:s7] =	dma.local [hbm:s6], s5  }
0x9e: {  	_ =	swait.ge [sflag:s7], s5  }
0x9f: {  	s5 =	ssub.s32 $0x0, s5;
	[sflag:s7] =	ssyncset.done $0x0  }
0xa0: {  	[sflag:s7] =	ssyncadd.s32 s5;
	_ =	sdelay $0x1  }
0xa1: {  	s23 =	simm.s32 $0x1B8B  }
0xa2: {  	_ =	swait.ge [sflag:s23], $0x1  }
0xa3: {  	[sflag:s23] =	ssyncset.done $0x0  }
0xa4: {  	[sflag:s23] =	ssyncadd.s32 $0xFFFFFFFF  }
0xa5: {  	s5 =	sld [smem:$0x0]  }
0xa6: {  	s6 =	sand.u32 $0xFFFFFFFE, s1  }
0xa7: {  	p0 =	sne.s32 s1, s6  }
0xa8: {  	s6 =	sshll.u32 @p0 s6, $0xE  }
0xa9: {  	s6 =	sadd.s32 @p0 $0x11B8D, s6;
	s7 =	sshll.u32 @p0 s5, $0x11  }
0xaa: {  	s6 =	sor.u32 @p0 s7, s6  }
0xab: {  	[sflag:s6] =	ssyncadd.remote.s32 @p0 $0x1;
	_ =	sdelay $0x1  }
0xac: {  	s6 =	simm.s32 @p0 $0x1B8D  }
0xad: {  	_ =	swait.eq @p0 [sflag:s6], $0x1  }
0xae: {  	[sflag:s6] =	ssyncadd.s32 @p0 $0xFFFFFFFF  }
0xaf: {  	s7 =	sshll.u32 @!p0 s1, $0xE  }
0xb0: {  	s7 =	sor.u32 @!p0 $0x4000, s7;
	s6 =	simm.s32 @!p0 $0x1B8D  }
0xb1: {  	s5 =	sshll.u32 @!p0 s5, $0x11;
	s7 =	sadd.s32 @!p0 $0x11B8D, s7;
	_ =	swait.eq @!p0 [sflag:s6], $0x1  }
0xb2: {  	s5 =	sor.u32 @!p0 s5, s7;
	[sflag:s6] =	ssyncadd.s32 @!p0 $0xFFFFFFFF  }
0xb3: {  	s25 =	simm.s32 $0x1B8E;
	s24 =	sld [smem:$0x3FFE];
	[sflag:s5] =	ssyncadd.remote.s32 @!p0 $0x1  }
0xb4: {  	s26 =	simm.s32 $execute0_lowered;
	[smem:$0x3FD2] =	sst s25  }
0xb5: {  	s6 =	sshll.u32 s26, $0x1;
	_ =	strace $0x80000049;
	[dreg:$0x1] =	wrdreg $0xFFFFFFFF  }
0xb6: {  	s28 =	simm.s32 $_size_execute0_lowered;
	s4 =	sadd.s32 s4, s6;
	[dreg:$0x0] =	wrdreg $0x0  }
0xb7: {  	s6 =	sshll.u32 s28, $0x1;
	[dreg:$0x2] =	wrdreg s4  }
0xb8: {  	[dreg:$0x3] =	wrdreg s6  }
0xb9: {  	[dreg:$0x4] =	wrdreg $0xC0  }
0xba: {  	_ =	task [dreg:s22], $0x5FFFF  }
0xbb: {  	[dreg:$0x1] =	wrdreg $0xFFFFFFFF  }
0xbc: {  	[dreg:$0x0] =	wrdreg $0x60  }
0xbd: {  	[dreg:$0x2] =	wrdreg s24  }
0xbe: {  	[dreg:$0x3] =	wrdreg s18  }
0xbf: {  	[dreg:$0x4] =	wrdreg $0x5A00  }
0xc0: {  	[dreg:$0x5] =	wrdreg $0x9  }
0xc1: {  	_ =	task.clear_ibuf [dreg:s22], $0x6FFFF;
	_ =	strace $0x90000049  }
0xc2: {  	s29 =	simm.s32 $0x9;
	_ =	strace $0x8000004B  }
0xc3: {  	_ =	swait.ge [sflag:s29], $0x1  }
0xc4: {  	[sflag:s29] =	ssyncadd.s32 $0xFFFFFFFF  }
0xc5: {  	_ =	strace $0x9000004B  }
0xc6: {  	_ =	sfence  }
0xc7: {  	s30 =	sld [smem:$0x0];
	_ =	sdelay $0x2  }
0xc8: {  	s31 =	sshll.u32 s1, $0xD;
	s1 =	sshrl.u32 s1, $0x2  }
0xc9: {  	s4 =	sand.u32 $0x4000, s31;
	s1 =	sadd.s32 s1, s30  }
0xca: {  	s0 =	sor.u32 s4, s0;
	s1 =	sshll.u32 s1, $0x11  }
0xcb: {  	s0 =	sor.u32 s1, s0  }
0xcc: {  	s0 =	sadd.s32 $0x8F2B, s0  }
0xcd: {  	[sflag:s0] =	ssyncadd.remote.s32 $0x1  }
0xce: {  	_ =	sfence.sel $0xFFFF  }
0xcf: {  	[dreg:$0x0] =	wrdreg $0xFFFFFFFF;
	(pc) =	sbr.abs _section_cstart, $3  }
0xd0: {  	[dreg:$0x1] =	wrdreg $0xFFFFFFFF  }
0xd1: {  	_ =	task.clear_ibuf [dreg:s22], $0x2FFFF;
	_ =	strace $0x9FFFFFFF  }
0xd2: {  	(tm) =	ssettm $0x7FFFFFFF  }
0xd3: {  	_ =	shalt  }
tec
execute0_lowered:
.L_overlay_start_1:
0x0: {  	(tag) =	ssettag $0x1  }
0x1: {  	s0 =	rddreg [dreg:$0x0];
	s21 =	stileid.u32  }
0x2: {  	s1 =	simm.s32 $0x0;
	s2 =	srdreg.scid;
	s7 =	smul.u32 $0x280, s21  }
0x3: {  	[smem:$0x7FF] =	sst s1;
	s5 =	sand.u32 $0x1, s2;
	s9 =	smul.u32 $0x500, s21  }
0x4: {  	s6 =	sadd.s32 $0x83A00, s0;
	s4 =	sadd.s32 $0x88A00, s0;
	s8 =	smul.u32 $0x28000, s5  }
0x5: {  	s2 =	ssub.s32 $0x2, s5;
	s13 =	sshll.u32 s5, $0x4;
	s5 =	smul.u32 $0x27100, s5  }
0x6: {  	s3 =	sshrl.u32 s2, $0x1;
	s10 =	sor.u32 s21, s13;
	s11 =	sor.u32 $0x50, s7  }
0x7: {  	s9 =	sadd.s32 s6, s9;
	s12 =	sadd.s32 $0xA0, s7;
	s13 =	sadd.s32 $0xF0, s7  }
0x8: {  	s17 =	sadd.s32 $0x140, s7;
	s2 =	ssub.s32 s2, s3;
	s3 =	smul.u32 $0x2800, s21  }
0x9: {  	[dreg:$0x4] =	wrdreg s9;
	s14 =	sshll.u32 s11, $0x1;
	s15 =	sshll.u32 s12, $0x1  }
0xa: {  	s11 =	sshll.u32 s11, $0x4;
	s16 =	sshll.u32 s13, $0x1;
	s12 =	sshll.u32 s12, $0x4  }
0xb: {  	s13 =	sshll.u32 s13, $0x4;
	s9 =	sadd.s32 s6, s14;
	s14 =	sshll.u32 s17, $0x1  }
0xc: {  	s24 =	sadd.s32 s8, s11;
	s25 =	sadd.s32 s8, s12;
	s26 =	sadd.s32 s8, s13  }
0xd: {  	[dreg:$0x5] =	wrdreg s9;
	s9 =	sadd.s32 s6, s15;
	s15 =	sadd.s32 $0x190, s7  }
0xe: {  	s14 =	sadd.s32 s6, s14;
	s22 =	sadd.s32 s8, s3;
	[dreg:$0x6] =	wrdreg s9  }
0xf: {  	s9 =	sadd.s32 s6, s16;
	[dreg:$0x8] =	wrdreg s14;
	s18 =	sshll.u32 s15, $0x1  }
0x10: {  	s16 =	sadd.s32 $0x1E0, s7;
	s7 =	sadd.s32 $0x230, s7;
	s23 =	sshrl.u32 s22, $0x3  }
0x11: {  	[dreg:$0x7] =	wrdreg s9;
	s9 =	sshll.u32 s17, $0x4;
	s14 =	sadd.s32 s6, s18  }
0x12: {  	s19 =	sshll.u32 s16, $0x1;
	s17 =	sshll.u32 s15, $0x4;
	s18 =	sshll.u32 s16, $0x4  }
0x13: {  	s20 =	sshll.u32 s7, $0x1;
	s15 =	sshrl.u32 s26, $0x3;
	s26 =	smul.u32 $0xA000, s21  }
0x14: {  	[dreg:$0x9] =	wrdreg s14;
	s14 =	sadd.s32 s6, s19;
	s6 =	sadd.s32 s6, s20  }
0x15: {  	s16 =	sadd.s32 s8, s9;
	s19 =	sadd.s32 s8, s17;
	[dreg:$0xa] =	wrdreg s14  }
0x16: {  	[dreg:$0xb] =	wrdreg s6;
	s6 =	sshll.u32 s7, $0x4;
	s7 =	sadd.s32 s4, s23  }
0x17: {  	s14 =	sshrl.u32 s25, $0x3;
	s20 =	sshrl.u32 s19, $0x3;
	s25 =	smul.u32 $0x2710, s10  }
0x18: {  	s10 =	sshrl.u32 s26, $0x2;
	[dreg:$0xc] =	wrdreg s7;
	s7 =	sshrl.u32 s24, $0x3  }
0x19: {  	s14 =	sadd.s32 s4, s14;
	s23 =	sadd.s32 s8, s6;
	s24 =	smul.u32 $0x2710, s21  }
0x1a: {  	s21 =	sadd.s32 $0x79C00, s0;
	s7 =	sadd.s32 s4, s7;
	[dreg:$0xe] =	wrdreg s14  }
0x1b: {  	[dreg:$0xd] =	wrdreg s7;
	s7 =	sadd.s32 s4, s15;
	s15 =	sadd.s32 s4, s20  }
0x1c: {  	s20 =	rddreg [dreg:$0x2];
	s5 =	sadd.s32 s24, s5;
	s24 =	smax.u32 s2, $0x1  }
0x1d: {  	[dreg:$0xf] =	wrdreg s7;
	s7 =	sshrl.u32 s16, $0x3;
	s16 =	sadd.s32 s8, s18  }
0x1e: {  	s8 =	sshrl.u32 s25, $0x3;
	s25 =	sadd.s32 s10, s20;
	s26 =	sadd.s32 s11, s20  }
0x1f: {  	s28 =	sadd.s32 s12, s20;
	s29 =	sadd.s32 s13, s20;
	s13 =	sadd.s32 $0xF0, s5  }
0x20: {  	s30 =	sadd.s32 s9, s20;
	s31 =	sadd.s32 s17, s20;
	s17 =	sadd.s32 s18, s20  }
0x21: {  	s0 =	sadd.s32 s6, s20;
	s2 =	sadd.s32 $0xA0, s5;
	s5 =	simm.s32 $0xA0  }
0x22: {  	s6 =	simm.s32 $0x3;
	s9 =	simm.s32 $0x2;
	s10 =	simm.s32 $0x0  }
0x23: {  	s7 =	sadd.s32 s4, s7;
	s22 =	sshrl.u32 s16, $0x3;
	s14 =	sshrl.u32 s13, $0x3  }
0x24: {  	[dreg:$0x10] =	wrdreg s7;
	s16 =	sadd.s32 s4, s22;
	s7 =	sshrl.u32 s23, $0x3  }
0x25: {  	s22 =	sadd.s32 s21, s8;
	s23 =	sadd.s32 s3, s20;
	s18 =	sadd.s32 s14, s21  }
0x26: {  	s8 =	simm.s32 $0x1;
	s19 =	sadd.s32 s4, s7;
	_ =	strace $0x8000004A  }
0x27: {  	s3 =	sadd.s32 $0xA, s22;
	s4 =	sadd.s32 $0x4D8, s22;
	s7 =	simm.s32 $0x50  }
.LBB2_1:
0x28: {  	s11 =	rddreg [dreg:$0x4]  }
0x29: {  	[tilespmem:s5], [sflag:$0x3] =	stream.linear.gather [hbm4b:s11+s1], $0x500, $0x38;
	[tilespmem:$0x2DA0] =	vst v63  }
0x2a: {  	_ =	swait.ge [sflag:s6], $0x500  }
0x2b: {  	[sflag:s6] =	ssyncset.done $0x0  }
0x2c: {  	[sflag:s6] =	ssyncadd.s32 $0xFFFFFB00  }
0x2d: {  	[spmem:s25] =	stream.linear.scatter [tilespmem:s5], [sflag:$0x3], $0x500, $0x38;
	[tilespmem:$0x2DA0] =	vst v63  }
0x2e: {  	_ =	swait.ge [sflag:s6], $0x500  }
0x2f: {  	[sflag:s6] =	ssyncset.done $0x0  }
0x30: {  	s12 =	rddreg [dreg:$0x5];
	[sflag:s6] =	ssyncadd.s32 $0xFFFFFB00  }
0x31: {  	[tilespmem:s5], [sflag:$0x3] =	stream.linear.gather [hbm4b:s12+s1], $0x500, $0x38;
	[tilespmem:$0x2DA0] =	vst v63  }
0x32: {  	_ =	swait.ge [sflag:s6], $0x500  }
0x33: {  	[sflag:s6] =	ssyncset.done $0x0  }
0x34: {  	[sflag:s6] =	ssyncadd.s32 $0xFFFFFB00  }
0x35: {  	[spmem:s26] =	stream.linear.scatter [tilespmem:s5], [sflag:$0x3], $0x500, $0x38;
	[tilespmem:$0x2DA0] =	vst v63  }
0x36: {  	_ =	swait.ge [sflag:s6], $0x500  }
0x37: {  	[sflag:s6] =	ssyncset.done $0x0  }
0x38: {  	s13 =	rddreg [dreg:$0x6];
	[sflag:s6] =	ssyncadd.s32 $0xFFFFFB00  }
0x39: {  	[tilespmem:s5], [sflag:$0x3] =	stream.linear.gather [hbm4b:s13+s1], $0x500, $0x38;
	[tilespmem:$0x2DA0] =	vst v63  }
0x3a: {  	_ =	swait.ge [sflag:s6], $0x500  }
0x3b: {  	[sflag:s6] =	ssyncset.done $0x0  }
0x3c: {  	[sflag:s6] =	ssyncadd.s32 $0xFFFFFB00  }
0x3d: {  	[spmem:s28] =	stream.linear.scatter [tilespmem:s5], [sflag:$0x3], $0x500, $0x38;
	[tilespmem:$0x2DA0] =	vst v63  }
0x3e: {  	_ =	swait.ge [sflag:s6], $0x500  }
0x3f: {  	[sflag:s6] =	ssyncset.done $0x0  }
0x40: {  	s14 =	rddreg [dreg:$0x7];
	[sflag:s6] =	ssyncadd.s32 $0xFFFFFB00  }
0x41: {  	[tilespmem:s5], [sflag:$0x3] =	stream.linear.gather [hbm4b:s14+s1], $0x500, $0x38;
	[tilespmem:$0x2DA0] =	vst v63  }
0x42: {  	_ =	swait.ge [sflag:s6], $0x500  }
0x43: {  	[sflag:s6] =	ssyncset.done $0x0  }
0x44: {  	[sflag:s6] =	ssyncadd.s32 $0xFFFFFB00  }
0x45: {  	[spmem:s29] =	stream.linear.scatter [tilespmem:s5], [sflag:$0x3], $0x500, $0x38;
	[tilespmem:$0x2DA0] =	vst v63  }
0x46: {  	_ =	swait.ge [sflag:s6], $0x500  }
0x47: {  	[sflag:s6] =	ssyncset.done $0x0  }
0x48: {  	s12 =	rddreg [dreg:$0x8];
	[sflag:s6] =	ssyncadd.s32 $0xFFFFFB00  }
0x49: {  	[tilespmem:s5], [sflag:$0x3] =	stream.linear.gather [hbm4b:s12+s1], $0x500, $0x38;
	[tilespmem:$0x2DA0] =	vst v63  }
0x4a: {  	_ =	swait.ge [sflag:s6], $0x500  }
0x4b: {  	[sflag:s6] =	ssyncset.done $0x0  }
0x4c: {  	[sflag:s6] =	ssyncadd.s32 $0xFFFFFB00  }
0x4d: {  	[spmem:s30] =	stream.linear.scatter [tilespmem:s5], [sflag:$0x3], $0x500, $0x38;
	[tilespmem:$0x2DA0] =	vst v63  }
0x4e: {  	_ =	swait.ge [sflag:s6], $0x500  }
0x4f: {  	[sflag:s6] =	ssyncset.done $0x0  }
0x50: {  	s13 =	rddreg [dreg:$0x9];
	[sflag:s6] =	ssyncadd.s32 $0xFFFFFB00  }
0x51: {  	[tilespmem:s5], [sflag:$0x3] =	stream.linear.gather [hbm4b:s13+s1], $0x500, $0x38;
	[tilespmem:$0x2DA0] =	vst v63  }
0x52: {  	_ =	swait.ge [sflag:s6], $0x500  }
0x53: {  	[sflag:s6] =	ssyncset.done $0x0  }
0x54: {  	[sflag:s6] =	ssyncadd.s32 $0xFFFFFB00  }
0x55: {  	[spmem:s31] =	stream.linear.scatter [tilespmem:s5], [sflag:$0x3], $0x500, $0x38;
	[tilespmem:$0x2DA0] =	vst v63  }
0x56: {  	_ =	swait.ge [sflag:s6], $0x500  }
0x57: {  	[sflag:s6] =	ssyncset.done $0x0  }
0x58: {  	s14 =	rddreg [dreg:$0xa];
	[sflag:s6] =	ssyncadd.s32 $0xFFFFFB00  }
0x59: {  	[tilespmem:s5], [sflag:$0x3] =	stream.linear.gather [hbm4b:s14+s1], $0x500, $0x38;
	[tilespmem:$0x2DA0] =	vst v63  }
0x5a: {  	_ =	swait.ge [sflag:s6], $0x500  }
0x5b: {  	[sflag:s6] =	ssyncset.done $0x0  }
0x5c: {  	[sflag:s6] =	ssyncadd.s32 $0xFFFFFB00  }
0x5d: {  	[spmem:s17] =	stream.linear.scatter [tilespmem:s5], [sflag:$0x3], $0x500, $0x38;
	[tilespmem:$0x2DA0] =	vst v63  }
0x5e: {  	_ =	swait.ge [sflag:s6], $0x500  }
0x5f: {  	[sflag:s6] =	ssyncset.done $0x0  }
0x60: {  	s12 =	rddreg [dreg:$0xb];
	[sflag:s6] =	ssyncadd.s32 $0xFFFFFB00  }
0x61: {  	[tilespmem:s5], [sflag:$0x3] =	stream.linear.gather [hbm4b:s12+s1], $0x500, $0x38;
	[tilespmem:$0x2DA0] =	vst v63  }
0x62: {  	_ =	swait.ge [sflag:s6], $0x500  }
0x63: {  	[sflag:s6] =	ssyncset.done $0x0  }
0x64: {  	[sflag:s6] =	ssyncadd.s32 $0xFFFFFB00  }
0x65: {  	[spmem:s0] =	stream.linear.scatter [tilespmem:s5], [sflag:$0x3], $0x500, $0x38;
	[tilespmem:$0x2DA0] =	vst v63  }
0x66: {  	_ =	swait.ge [sflag:s6], $0x500  }
0x67: {  	[sflag:s6] =	ssyncset.done $0x0  }
0x68: {  	[sflag:s6] =	ssyncadd.s32 $0xFFFFFB00  }
0x69: {  	s13 =	rddreg [dreg:$0x1]  }
0x6a: {  	[tilespmem:s5], [sflag:$0x3] =	stream.linear.gather [hbm4b:s13+s1], $0x500, $0x38;
	[tilespmem:$0x2DA0] =	vst v63  }
0x6b: {  	_ =	swait.ge [sflag:s6], $0x500  }
0x6c: {  	[sflag:s6] =	ssyncset.done $0x0  }
0x6d: {  	[sflag:s6] =	ssyncadd.s32 $0xFFFFFB00  }
0x6e: {  	[bflag:$0x0] =	sbarrier.arrive $0xFFFF  }
0x6f: {  	[tilespmem:s1], [sflag:$0x1] =	stream.linear.gather [hbm4b:s22+s1], $0x50, $0x38;
	[tilespmem:$0x2DA0] =	vst v63  }
0x70: {  	_ = 	snop  }
0x71: {  	[tilespmem:s7], [sflag:$0x2] =	stream.linear.gather [hbm4b:s3+s1], $0x50, $0x38;
	[tilespmem:$0x2DA0] =	vst v63  }
0x72: {  	_ =	swait.ge [sflag:s8], $0x50  }
0x73: {  	[sflag:s8] =	ssyncset.done $0x0  }
0x74: {  	[sflag:s8] =	ssyncadd.s32 $0xFFFFFFB0  }
0x75: {  	[spmem:s20] =	stream.indirect.scatter.add.f32 [tilespmem:s5], [sflag:$0x3], $0x10, s1, s7, $0xb8;
	[tilespmem:$0x2DA0] =	vst v63  }
0x76: {  	_ =	swait.ge [sflag:s6], $0x500  }
0x77: {  	s14 =	sshrl.u32 s2, $0x3;
	[sflag:s6] =	ssyncset.done $0x0  }
0x78: {  	s11 =	sadd.s32 s21, s14;
	[sflag:s6] =	ssyncadd.s32 $0xFFFFFB00  }
0x79: {  	[tilespmem:s1], [sflag:$0x1] =	stream.linear.gather [hbm4b:s11+s1], $0x50, $0x38;
	[tilespmem:$0x2DA0] =	vst v63  }
0x7a: {  	_ =	swait.ge [sflag:s9], $0x50  }
0x7b: {  	[sflag:s9] =	ssyncset.done $0x0  }
0x7c: {  	[sflag:s9] =	ssyncadd.s32 $0xFFFFFFB0  }
0x7d: {  	[spmem:s20] =	stream.indirect.scatter.add.f32 [tilespmem:s5], [sflag:$0x3], $0x10, s7, s7, $0xb8;
	[tilespmem:$0x2DA0] =	vst v63  }
0x7e: {  	_ =	swait.ge [sflag:s6], $0x500  }
0x7f: {  	s12 =	sadd.s32 $0xA0, s2;
	[sflag:s6] =	ssyncset.done $0x0  }
0x80: {  	s13 =	sadd.s32 $0x0, s18;
	s11 =	simm.s32 $0x14;
	[sflag:s6] =	ssyncadd.s32 $0xFFFFFB00  }
.LBB2_2:
0x81: {  	[tilespmem:s7], [sflag:$0x2] =	stream.linear.gather [hbm4b:s13+s1], $0x50, $0x38;
	[tilespmem:$0x2DA0] =	vst v63  }
0x82: {  	s13 =	smov.u32 s11  }
0x83: {  	p0 =	sne.s32 s11, $0x4B0;
	s11 =	sadd.s32 $0x14, s11;
	_ =	swait.ge [sflag:s8], $0x50  }
0x84: {  	[sflag:s8] =	ssyncset.done $0x0  }
0x85: {  	[sflag:s8] =	ssyncadd.s32 $0xFFFFFFB0  }
0x86: {  	[spmem:s20] =	stream.indirect.scatter.add.f32 [tilespmem:s5], [sflag:$0x3], $0x10, s1, s7, $0xb8;
	[tilespmem:$0x2DA0] =	vst v63  }
0x87: {  	_ =	swait.ge [sflag:s6], $0x500  }
0x88: {  	s14 =	sshrl.u32 s12, $0x3;
	[sflag:s6] =	ssyncset.done $0x0  }
0x89: {  	s14 =	sadd.s32 s21, s14;
	[sflag:s6] =	ssyncadd.s32 $0xFFFFFB00  }
0x8a: {  	[tilespmem:s1], [sflag:$0x1] =	stream.linear.gather [hbm4b:s14+s1], $0x50, $0x38;
	[tilespmem:$0x2DA0] =	vst v63  }
0x8b: {  	_ =	swait.ge [sflag:s9], $0x50  }
0x8c: {  	[sflag:s9] =	ssyncset.done $0x0  }
.Ltmp0:
0x8d: {  	[sflag:s9] =	ssyncadd.s32 $0xFFFFFFB0;
	(pc) =	sbr.rel @p0 .LBB2_2-.Ltmp0, $4  }
0x8e: {  	[spmem:s20] =	stream.indirect.scatter.add.f32 [tilespmem:s5], [sflag:$0x3], $0x10, s7, s7, $0xb8;
	[tilespmem:$0x2DA0] =	vst v63  }
0x8f: {  	_ =	swait.ge [sflag:s6], $0x500  }
0x90: {  	[sflag:s6] =	ssyncset.done $0x0  }
0x91: {  	s12 =	sadd.s32 $0xA0, s12;
	s13 =	sadd.s32 s13, s18;
	[sflag:s6] =	ssyncadd.s32 $0xFFFFFB00  }
0x92: {  	[tilespmem:s7], [sflag:$0x2] =	stream.linear.gather [hbm4b:s13+s1], $0x50, $0x38;
	[tilespmem:$0x2DA0] =	vst v63  }
0x93: {  	_ =	swait.ge [sflag:s8], $0x50  }
0x94: {  	[sflag:s8] =	ssyncset.done $0x0  }
0x95: {  	[sflag:s8] =	ssyncadd.s32 $0xFFFFFFB0  }
0x96: {  	[spmem:s20] =	stream.indirect.scatter.add.f32 [tilespmem:s5], [sflag:$0x3], $0x10, s1, s7, $0xb8;
	[tilespmem:$0x2DA0] =	vst v63  }
0x97: {  	_ =	swait.ge [sflag:s6], $0x500  }
0x98: {  	[sflag:s6] =	ssyncset.done $0x0  }
0x99: {  	[sflag:s6] =	ssyncadd.s32 $0xFFFFFB00  }
0x9a: {  	[tilespmem:s1], [sflag:$0x1] =	stream.linear.gather [hbm4b:s4+s1], $0x50, $0x38;
	[tilespmem:$0x2DA0] =	vst v63  }
0x9b: {  	_ =	swait.ge [sflag:s9], $0x50  }
0x9c: {  	[sflag:s9] =	ssyncset.done $0x0  }
0x9d: {  	[sflag:s9] =	ssyncadd.s32 $0xFFFFFFB0  }
0x9e: {  	[spmem:s20] =	stream.indirect.scatter.add.f32 [tilespmem:s5], [sflag:$0x3], $0x10, s7, s7, $0xb8;
	[tilespmem:$0x2DA0] =	vst v63  }
0x9f: {  	_ =	swait.ge [sflag:s6], $0x500  }
0xa0: {  	[sflag:s6] =	ssyncset.done $0x0  }
0xa1: {  	[sflag:s6] =	ssyncadd.s32 $0xFFFFFB00  }
0xa2: {  	_ =	swait.ge [sflag:s8], $0x50  }
0xa3: {  	[sflag:s8] =	ssyncset.done $0x0  }
0xa4: {  	[sflag:s8] =	ssyncadd.s32 $0xFFFFFFB0  }
0xa5: {  	[spmem:s20] =	stream.indirect.scatter.add.f32 [tilespmem:s5], [sflag:$0x3], $0x10, s1, s7, $0xb8;
	[tilespmem:$0x2DA0] =	vst v63  }
0xa6: {  	_ =	swait.ge [sflag:s6], $0x500  }
0xa7: {  	[sflag:s6] =	ssyncset.done $0x0  }
0xa8: {  	[sflag:s6] =	ssyncadd.s32 $0xFFFFFB00  }
0xa9: {  	[bflag:$0x0] =	sbarrier.arrive $0xFFFF  }
0xaa: {  	[tilespmem:s5], [sflag:$0x3] =	stream.linear.gather [spmem:s23], $0x500, $0x38;
	[tilespmem:$0x2DA0] =	vst v63  }
0xab: {  	_ =	swait.ge [sflag:s6], $0x500  }
0xac: {  	[sflag:s6] =	ssyncset.done $0x0  }
0xad: {  	s11 =	rddreg [dreg:$0xc];
	[sflag:s6] =	ssyncadd.s32 $0xFFFFFB00  }
0xae: {  	[hbm4b:s11+s1] =	stream.linear.scatter [tilespmem:s5], [sflag:$0x3], $0x500, $0x38;
	[tilespmem:$0x2DA0] =	vst v63  }
0xaf: {  	_ =	swait.ge [sflag:s6], $0x500  }
0xb0: {  	[sflag:s6] =	ssyncset.done $0x0  }
0xb1: {  	[sflag:s6] =	ssyncadd.s32 $0xFFFFFB00  }
0xb2: {  	[tilespmem:s5], [sflag:$0x3] =	stream.linear.gather [spmem:s26], $0x500, $0x38;
	[tilespmem:$0x2DA0] =	vst v63  }
0xb3: {  	_ =	swait.ge [sflag:s6], $0x500  }
0xb4: {  	[sflag:s6] =	ssyncset.done $0x0  }
0xb5: {  	s14 =	rddreg [dreg:$0xd];
	[sflag:s6] =	ssyncadd.s32 $0xFFFFFB00  }
0xb6: {  	[hbm4b:s14+s1] =	stream.linear.scatter [tilespmem:s5], [sflag:$0x3], $0x500, $0x38;
	[tilespmem:$0x2DA0] =	vst v63  }
0xb7: {  	_ =	swait.ge [sflag:s6], $0x500  }
0xb8: {  	[sflag:s6] =	ssyncset.done $0x0  }
0xb9: {  	[sflag:s6] =	ssyncadd.s32 $0xFFFFFB00  }
0xba: {  	[tilespmem:s5], [sflag:$0x3] =	stream.linear.gather [spmem:s28], $0x500, $0x38;
	[tilespmem:$0x2DA0] =	vst v63  }
0xbb: {  	_ =	swait.ge [sflag:s6], $0x500  }
0xbc: {  	[sflag:s6] =	ssyncset.done $0x0  }
0xbd: {  	s12 =	rddreg [dreg:$0xe];
	[sflag:s6] =	ssyncadd.s32 $0xFFFFFB00  }
0xbe: {  	[hbm4b:s12+s1] =	stream.linear.scatter [tilespmem:s5], [sflag:$0x3], $0x500, $0x38;
	[tilespmem:$0x2DA0] =	vst v63  }
0xbf: {  	_ =	swait.ge [sflag:s6], $0x500  }
0xc0: {  	[sflag:s6] =	ssyncset.done $0x0  }
0xc1: {  	[sflag:s6] =	ssyncadd.s32 $0xFFFFFB00  }
0xc2: {  	[tilespmem:s5], [sflag:$0x3] =	stream.linear.gather [spmem:s29], $0x500, $0x38;
	[tilespmem:$0x2DA0] =	vst v63  }
0xc3: {  	_ =	swait.ge [sflag:s6], $0x500  }
0xc4: {  	[sflag:s6] =	ssyncset.done $0x0  }
0xc5: {  	s13 =	rddreg [dreg:$0xf];
	[sflag:s6] =	ssyncadd.s32 $0xFFFFFB00  }
0xc6: {  	[hbm4b:s13+s1] =	stream.linear.scatter [tilespmem:s5], [sflag:$0x3], $0x500, $0x38;
	[tilespmem:$0x2DA0] =	vst v63  }
0xc7: {  	_ =	swait.ge [sflag:s6], $0x500  }
0xc8: {  	[sflag:s6] =	ssyncset.done $0x0  }
0xc9: {  	[sflag:s6] =	ssyncadd.s32 $0xFFFFFB00  }
0xca: {  	[tilespmem:s5], [sflag:$0x3] =	stream.linear.gather [spmem:s30], $0x500, $0x38;
	[tilespmem:$0x2DA0] =	vst v63  }
0xcb: {  	_ =	swait.ge [sflag:s6], $0x500  }
0xcc: {  	[sflag:s6] =	ssyncset.done $0x0  }
0xcd: {  	s14 =	rddreg [dreg:$0x10];
	[sflag:s6] =	ssyncadd.s32 $0xFFFFFB00  }
0xce: {  	[hbm4b:s14+s1] =	stream.linear.scatter [tilespmem:s5], [sflag:$0x3], $0x500, $0x38;
	[tilespmem:$0x2DA0] =	vst v63  }
0xcf: {  	_ =	swait.ge [sflag:s6], $0x500  }
0xd0: {  	[sflag:s6] =	ssyncset.done $0x0  }
0xd1: {  	[sflag:s6] =	ssyncadd.s32 $0xFFFFFB00  }
0xd2: {  	[tilespmem:s5], [sflag:$0x3] =	stream.linear.gather [spmem:s31], $0x500, $0x38;
	[tilespmem:$0x2DA0] =	vst v63  }
0xd3: {  	_ =	swait.ge [sflag:s6], $0x500  }
0xd4: {  	[sflag:s6] =	ssyncset.done $0x0  }
0xd5: {  	[sflag:s6] =	ssyncadd.s32 $0xFFFFFB00  }
0xd6: {  	[hbm4b:s15+s1] =	stream.linear.scatter [tilespmem:s5], [sflag:$0x3], $0x500, $0x38;
	[tilespmem:$0x2DA0] =	vst v63  }
0xd7: {  	_ =	swait.ge [sflag:s6], $0x500  }
0xd8: {  	[sflag:s6] =	ssyncset.done $0x0  }
0xd9: {  	[sflag:s6] =	ssyncadd.s32 $0xFFFFFB00  }
0xda: {  	[tilespmem:s5], [sflag:$0x3] =	stream.linear.gather [spmem:s17], $0x500, $0x38;
	[tilespmem:$0x2DA0] =	vst v63  }
0xdb: {  	_ =	swait.ge [sflag:s6], $0x500  }
0xdc: {  	[sflag:s6] =	ssyncset.done $0x0  }
0xdd: {  	[sflag:s6] =	ssyncadd.s32 $0xFFFFFB00  }
0xde: {  	[hbm4b:s16+s1] =	stream.linear.scatter [tilespmem:s5], [sflag:$0x3], $0x500, $0x38;
	[tilespmem:$0x2DA0] =	vst v63  }
0xdf: {  	_ =	swait.ge [sflag:s6], $0x500  }
0xe0: {  	[sflag:s6] =	ssyncset.done $0x0  }
0xe1: {  	[sflag:s6] =	ssyncadd.s32 $0xFFFFFB00  }
0xe2: {  	[tilespmem:s5], [sflag:$0x3] =	stream.linear.gather [spmem:s0], $0x500, $0x38;
	[tilespmem:$0x2DA0] =	vst v63  }
0xe3: {  	s10 =	sadd.s32 $0x1, s10;
	_ =	swait.ge [sflag:s6], $0x500  }
0xe4: {  	p0 =	sne.s32 s10, s24;
	[sflag:s6] =	ssyncset.done $0x0  }
.Ltmp1:
0xe5: {  	[sflag:s6] =	ssyncadd.s32 $0xFFFFFB00;
	(pc) =	sbr.rel @p0 .LBB2_1-.Ltmp1, $4  }
0xe6: {  	[hbm4b:s19+s1] =	stream.linear.scatter [tilespmem:s5], [sflag:$0x3], $0x500, $0x38;
	[tilespmem:$0x2DA0] =	vst v63  }
0xe7: {  	_ =	swait.ge [sflag:s6], $0x500  }
0xe8: {  	[sflag:s6] =	ssyncset.done $0x0  }
0xe9: {  	[sflag:s6] =	ssyncadd.s32 $0xFFFFFB00  }
0xea: {  	_ =	sfence.sel $0x180000  }
0xeb: {  	[bflag:$0x0] =	sbarrier.arrive $0xFFFF  }
0xec: {  	_ =	strace $0x9000004A  }
0xed: {  	s0 =	stileid.u32;
	[bflag:$0x2] =	sbarrier.arrive $0xFFFF  }
0xee: {  	p0 =	sne.s32 s0, $0x0;
	s0 =	rddreg [dreg:$0x3]  }
0xef: {  	s0 =	sadd.s32 @!p0 $0x100000, s0  }
0xf0: {  	[sflag:s0] =	ssyncadd.tile.s32 @!p0 $0x1;
	_ =	shalt  }
.Lfunc_end2:
_tile_overlayer_lowered:
.L_overlay_start_2:
0xf1: {  	(tag) =	ssettag $0x2  }
0xf2: {  	s0 =	rddreg [dreg:$0x0];
	s2 =	stileid.u32  }
0xf3: {  	s1 =	rddreg [dreg:$0x1];
	p0 =	sne.s32 s2, $0x0  }
0xf4: {  	s3 =	rddreg [dreg:$0x2];
	[bflag:$0x3] =	sbarrier.arrive $0xFFFF;
	s2 =	simm.s32 @!p0 $0x1C03  }
0xf5: {  	[timem:s3], [sflag:s2] =	dma.local @!p0 [hbm:s0], s1  }
0xf6: {  	s0 =	simm.s32 @!p0 $0x3  }
0xf7: {  	_ =	swait.ge @!p0 [sflag:s0], s1  }
0xf8: {  	s1 =	ssub.s32 @!p0 $0x0, s1;
	[sflag:s0] =	ssyncset.done @!p0 $0x0  }
0xf9: {  	[sflag:s0] =	ssyncadd.s32 @!p0 s1  }
0xfa: {  	[bflag:$0x3] =	sbarrier.arrive $0xFFFF  }
0xfb: {  	_ =	shalt  }

</sc_bundles>
